<compile_context>
chip_gen: v7x
topology: tpu7x:2x2x1
jax: 0.10.2.dev20260603
libtpu: 0.0.44.dev20260713+nightly
codegen_flags: <defaults>
</compile_context>

<pallas_src>
import functools

import jax
import jax.numpy as jnp
from jax import lax
from jax.experimental import pallas as pl
from jax.experimental.pallas import tpu as pltpu
from jax.experimental.pallas import tpu_sc as plsc

N_NODES = 10000
IN_DIM = 384
HID = 128
NUM_SKILLS = 100
NUM_GRAPHS = 64
N_EDGES = 160000

NC, NS = 2, 16
NW = NC * NS
CHUNK = 128
EDGES_PAD = 163840
CH_W = EDGES_PAD // (NW * CHUNK)
ACC_ROWS = 10240
DUMMY_ROW = N_NODES
ZROWS = ACC_ROWS // NS
OROWS = 624
OREM = N_NODES - NS * OROWS

ROW_BLK = 2000
N_BLKS = N_NODES // ROW_BLK

_sc_mesh = plsc.VectorSubcoreMesh(
    core_axis_name="c", subcore_axis_name="s", num_cores=NC, num_subcores=NS)


def _make_seg_sum(nslabs):

    @functools.partial(
        pl.kernel,
        out_type=jax.ShapeDtypeStruct((NC, N_NODES, nslabs * HID),
                                      jnp.float32),
        mesh=_sc_mesh,
        scratch_types=[
            pltpu.VMEM_SHARED((ACC_ROWS, HID), jnp.float32),
            pltpu.VMEM((CH_W, CHUNK), jnp.int32),
            pltpu.VMEM((CH_W, CHUNK), jnp.int32),
            pltpu.VMEM((2, CHUNK, HID), jnp.float32),
        ] + [pltpu.SemaphoreType.DMA] * 4,
    )
    def _seg(rows_hbm, src_hbm, dst_hbm, zeros_hbm, out_hbm,
             acc, src_v, dst_v, rows_v, sem0, sem1, sem2, sem3):
        c = lax.axis_index("c")
        s = lax.axis_index("s")
        wid = s * NC + c
        pltpu.sync_copy(dst_hbm.at[wid], dst_v)
        for k in range(nslabs):
            pltpu.sync_copy(src_hbm.at[wid, k], src_v)
            pltpu.sync_copy(zeros_hbm, acc.at[pl.ds(s * ZROWS, ZROWS)])
            plsc.subcore_barrier()

            def chunk_pair(j, carry):
                i0 = 2 * j
                g0 = pltpu.async_copy(rows_hbm.at[src_v.at[i0]],
                                      rows_v.at[0], sem0)
                g1 = pltpu.async_copy(rows_hbm.at[src_v.at[i0 + 1]],
                                      rows_v.at[1], sem1)
                g0.wait()
                s0 = pltpu.async_copy(rows_v.at[0], acc.at[dst_v.at[i0]],
                                      sem2, add=True)
                g1.wait()
                s1 = pltpu.async_copy(rows_v.at[1],
                                      acc.at[dst_v.at[i0 + 1]], sem3,
                                      add=True)
                s0.wait()
                s1.wait()
                return carry

            lax.fori_loop(0, CH_W // 2, chunk_pair, 0)
            plsc.subcore_barrier()
            pltpu.sync_copy(
                acc.at[pl.ds(s * OROWS, OROWS)],
                out_hbm.at[c, pl.ds(s * OROWS, OROWS), pl.ds(k * HID, HID)])

            @pl.when(s == NS - 1)
            def _():
                pltpu.sync_copy(
                    acc.at[pl.ds(NS * OROWS, OREM)],
                    out_hbm.at[c, pl.ds(NS * OROWS, OREM),
                               pl.ds(k * HID, HID)])

            if k + 1 < nslabs:
                plsc.subcore_barrier()

    return _seg


_seg_sum = _make_seg_sum(1)


def _stage1_body(x_ref, s00, s01, s10, s11, s20, s21, w1_ref, b1_ref, w2_ref,
                 b2_ref, o_ref):
    agg = jnp.concatenate(
        [s00[...] + s01[...], s10[...] + s11[...], s20[...] + s21[...]],
        axis=1)
    hin = x_ref[...] + agg
    h = jnp.dot(hin, w1_ref[...], preferred_element_type=jnp.float32)
    h = jnp.maximum(h + b1_ref[...], 0.0)
    t = jnp.dot(h, w2_ref[...], preferred_element_type=jnp.float32)
    o_ref[...] = jnp.maximum(t + b2_ref[...], 0.0)


def _stage2_body(t_ref, a0_ref, a1_ref, w3_ref, b3_ref, w4_ref, b4_ref,
                 batch_ref, wc_ref, bc_ref, o_ref, acc_ref):
    i = pl.program_id(0)

    @pl.when(i == 0)
    def _():
        acc_ref[...] = jnp.zeros_like(acc_ref)

    hin = t_ref[...] + a0_ref[...] + a1_ref[...]
    h = jnp.dot(hin, w3_ref[...], preferred_element_type=jnp.float32)
    h = jnp.maximum(h + b3_ref[...], 0.0)
    t = jnp.dot(h, w4_ref[...], preferred_element_type=jnp.float32)
    t = jnp.maximum(t + b4_ref[...], 0.0)
    gids = lax.broadcasted_iota(jnp.int32, (NUM_GRAPHS, ROW_BLK), 0)
    oh = (jnp.broadcast_to(batch_ref[0], (NUM_GRAPHS, ROW_BLK)) == gids)
    pooled = lax.dot_general(oh.astype(jnp.float32), t,
                             (((1,), (0,)), ((), ())),
                             preferred_element_type=jnp.float32,
                             precision=lax.Precision.HIGHEST)
    acc_ref[...] += pooled

    @pl.when(i == N_BLKS - 1)
    def _():
        logits = jnp.dot(acc_ref[...], wc_ref[...],
                         preferred_element_type=jnp.float32) + bc_ref[...]
        o_ref[...] = jax.nn.sigmoid(logits)


def _stage1(x, slabs, w1, b1, w2, b2):
    row = pl.BlockSpec((ROW_BLK, HID), lambda i: (i, 0))
    return pl.pallas_call(
        _stage1_body,
        grid=(N_BLKS,),
        in_specs=[
            pl.BlockSpec((ROW_BLK, IN_DIM), lambda i: (i, 0)),
            row, row, row, row, row, row,
            pl.BlockSpec((IN_DIM, HID), lambda i: (0, 0)),
            pl.BlockSpec((HID,), lambda i: (0,)),
            pl.BlockSpec((HID, HID), lambda i: (0, 0)),
            pl.BlockSpec((HID,), lambda i: (0,)),
        ],
        out_specs=pl.BlockSpec((ROW_BLK, HID), lambda i: (i, 0)),
        out_shape=jax.ShapeDtypeStruct((N_NODES, HID), jnp.float32),
    )(x, slabs[0][0], slabs[0][1], slabs[1][0], slabs[1][1], slabs[2][0],
      slabs[2][1], w1, b1, w2, b2)


def _stage2(t1, a0, a1, w3, b3, w4, b4, batch3, wc, bc):
    row = pl.BlockSpec((ROW_BLK, HID), lambda i: (i, 0))
    full_v = pl.BlockSpec((HID,), lambda i: (0,))
    full_m = pl.BlockSpec((HID, HID), lambda i: (0, 0))
    return pl.pallas_call(
        _stage2_body,
        grid=(N_BLKS,),
        in_specs=[
            row, row, row, full_m, full_v, full_m, full_v,
            pl.BlockSpec((1, 1, ROW_BLK), lambda i: (i, 0, 0)),
            pl.BlockSpec((HID, NUM_SKILLS), lambda i: (0, 0)),
            pl.BlockSpec((NUM_SKILLS,), lambda i: (0,)),
        ],
        out_specs=pl.BlockSpec((NUM_GRAPHS, NUM_SKILLS), lambda i: (0, 0)),
        out_shape=jax.ShapeDtypeStruct((NUM_GRAPHS, NUM_SKILLS), jnp.float32),
        scratch_shapes=[pltpu.VMEM((NUM_GRAPHS, HID), jnp.float32)],
    )(t1, a0, a1, w3, b3, w4, b4, batch3, wc, bc)


def kernel(x, edge_index, batch, W1, b1, W2, b2, W3, b3, W4, b4, Wc, bc):
    x = x.astype(jnp.float32)
    src = edge_index[0].astype(jnp.int32)
    dst = edge_index[1].astype(jnp.int32)
    pad = EDGES_PAD - src.shape[0]
    src_p = jnp.concatenate([src, jnp.zeros((pad,), jnp.int32)])
    dst_p = jnp.concatenate([dst, jnp.full((pad,), DUMMY_ROW, jnp.int32)])
    dst_w = dst_p.reshape(NW, CH_W, CHUNK)
    src3 = 3 * src_p
    x3 = x.reshape(3 * N_NODES, HID)
    zeros = jnp.zeros((ZROWS, HID), jnp.float32)
    batch3 = batch.astype(jnp.int32).reshape(N_BLKS, 1, ROW_BLK)

    slabs = [_seg_sum(x3, (src3 + k).reshape(NW, 1, CH_W, CHUNK), dst_w,
                      zeros)
             for k in range(3)]
    t1 = _stage1(x, slabs, W1, b1, W2, b2)
    a2 = _seg_sum(t1, src_p.reshape(NW, 1, CH_W, CHUNK), dst_w, zeros)
    return _stage2(t1, a2[0], a2[1], W3, b3, W4, b4, batch3, Wc, bc)

# --- scband reference (transcript-rebuilt; emitter-appended) ---
"""Pipeline reference for scband-ginxmlc-61074434949191 (READ-ONLY COPY).

The authoritative reference and input builder live on the scoring server;
editing this copy changes nothing except your own understanding.
"""

import jax, jax.numpy as jnp
import numpy as np

N_NODES = 10000
N_EDGES = 160000
IN_DIM = 384
HID = 128
NUM_SKILLS = 100
NUM_GRAPHS = 64


def setup_inputs(seed: int = 0) -> dict:
    key = jax.random.key(seed)
    ks = jax.random.split(key, 16)
    x = jax.random.normal(ks[0], (N_NODES, IN_DIM), dtype=jnp.float32)
    edge_index = jax.random.randint(ks[1], (2, N_EDGES), 0, N_NODES, dtype=jnp.int64)
    batch = jnp.sort(jax.random.randint(ks[2], (N_NODES,), 0, NUM_GRAPHS, dtype=jnp.int64))
    def lin(k, fan_in, fan_out):
        bound = 1.0 / np.sqrt(fan_in)
        kw, kb = jax.random.split(k)
        W = jax.random.uniform(kw, (fan_in, fan_out), minval=-bound, maxval=bound, dtype=jnp.float32)
        b = jax.random.uniform(kb, (fan_out,), minval=-bound, maxval=bound, dtype=jnp.float32)
        return W, b
    W1, b1 = lin(ks[3], IN_DIM, HID)
    W2, b2 = lin(ks[4], HID, HID)
    W3, b3 = lin(ks[5], HID, HID)
    W4, b4 = lin(ks[6], HID, HID)
    Wc, bc = lin(ks[7], HID, NUM_SKILLS)
    return {"x": x, "edge_index": edge_index, "batch": batch,
            "W1": W1, "b1": b1, "W2": W2, "b2": b2,
            "W3": W3, "b3": b3, "W4": W4, "b4": b4,
            "Wc": Wc, "bc": bc}


def _gin_conv(x, edge_index, Wa, ba, Wb, bb):
    # PyG GINConv (eps=0): nn((1+eps)*x + sum_{j in N(i)} x_j)
    src = edge_index[0]
    dst = edge_index[1]
    agg = jax.ops.segment_sum(jnp.take(x, src, axis=0), dst, num_segments=x.shape[0])
    h = x + agg
    h = jnp.maximum(h @ Wa + ba, 0.0)
    h = h @ Wb + bb
    return h


def reference(x, edge_index, batch, W1, b1, W2, b2, W3, b3, W4, b4, Wc, bc):
    h = jnp.maximum(_gin_conv(x, edge_index, W1, b1, W2, b2), 0.0)
    h = jnp.maximum(_gin_conv(h, edge_index, W3, b3, W4, b4), 0.0)
    pooled = jax.ops.segment_sum(h, batch, num_segments=NUM_GRAPHS)
    logits = pooled @ Wc + bc
    return jax.nn.sigmoid(logits)

if __name__ == "__main__":
    import jax
    _d = setup_inputs()
    print(jax.jit(kernel)(*tuple(_d.values())))

</pallas_src>

<mosaic_0001>
#map = affine_map<(d0, d1) -> (0, 0)>
#map1 = affine_map<(d0, d1) -> (0, 0, 0, 0)>
#map2 = affine_map<(d0, d1) -> (0, 0, 0)>
module attributes {stable_mosaic.version = 14 : i64} {
  func.func @_seg(%arg0: i32, %arg1: i32, %arg2: memref<30000x128xf32, #tpu.memory_space<hbm>>, %arg3: memref<32x1x40x128xi32, #tpu.memory_space<hbm>>, %arg4: memref<32x40x128xi32, #tpu.memory_space<hbm>>, %arg5: memref<640x128xf32, #tpu.memory_space<hbm>>, %arg6: memref<2x10000x128xf32, #tpu.memory_space<hbm>>, %arg7: memref<10240x128xf32, #tpu.memory_space<vmem_shared>>, %arg8: memref<40x128xi32, #tpu.memory_space<vmem>>, %arg9: memref<40x128xi32, #tpu.memory_space<vmem>>, %arg10: memref<2x128x128xf32, #tpu.memory_space<vmem>>, %arg11: memref<!tpu.dma_semaphore, #tpu.memory_space<semaphore_mem>>, %arg12: memref<!tpu.dma_semaphore, #tpu.memory_space<semaphore_mem>>, %arg13: memref<!tpu.dma_semaphore, #tpu.memory_space<semaphore_mem>>, %arg14: memref<!tpu.dma_semaphore, #tpu.memory_space<semaphore_mem>>) attributes {dimension_semantics = [#tpu.dimension_semantics<core_parallel>, #tpu.dimension_semantics<subcore_parallel>], iteration_bounds = array<i64: 2, 16>, scalar_prefetch = 0 : i64, scratch_operands = 8 : i64, tpu.core_type = #tpu.core_type<sc_vector_subcore>, window_params = [{transform_indices = #map}, {transform_indices = #map1}, {transform_indices = #map2}, {transform_indices = #map}, {transform_indices = #map2}]} {
    %mul3A = arith.constant 2 : i32
    %mul3A_0 = arith.muli %arg1, %mul3A : i32
    %add3A = arith.addi %mul3A_0, %arg0 : i32
    "tpu.region"() ({
      %run_scoped3A_15 = tpu.sem_alloc : memref<!tpu.dma_semaphore, #tpu.memory_space<semaphore_mem>>
      %dma_start3A = arith.constant 0 : i32
      %dma_start3A_16 = arith.constant 0 : i32
      %dma_start3A_17 = tpu.memref_slice %arg4[%add3A, %dma_start3A, %dma_start3A_16] : memref<32x40x128xi32, #tpu.memory_space<hbm>> -> memref<1x40x128xi32, #tpu.memory_space<hbm>>
      %dma_start3A_18 = tpu.memref_squeeze %dma_start3A_17 : memref<1x40x128xi32, #tpu.memory_space<hbm>> -> memref<40x128xi32, #tpu.memory_space<hbm>>
      %dma_start3A_19 = arith.constant 0 : i32
      %dma_start3A_20 = arith.constant 0 : i32
      %dma_start3A_21 = tpu.memref_slice %arg4[%add3A, %dma_start3A_19, %dma_start3A_20] : memref<32x40x128xi32, #tpu.memory_space<hbm>> -> memref<1x40x128xi32, #tpu.memory_space<hbm>>
      %dma_start3A_22 = tpu.memref_squeeze %dma_start3A_21 : memref<1x40x128xi32, #tpu.memory_space<hbm>> -> memref<40x128xi32, #tpu.memory_space<hbm>>
      tpu.enqueue_dma source(%dma_start3A_22 : memref<40x128xi32, #tpu.memory_space<hbm>>) target(%arg9 : memref<40x128xi32, #tpu.memory_space<vmem>>) target_semaphore(%run_scoped3A_15 : memref<!tpu.dma_semaphore, #tpu.memory_space<semaphore_mem>>)
      %dma_wait3A = arith.constant 0 : i32
      %dma_wait3A_23 = arith.constant 0 : i32
      %dma_wait3A_24 = tpu.memref_slice %arg4[%add3A, %dma_wait3A, %dma_wait3A_23] : memref<32x40x128xi32, #tpu.memory_space<hbm>> -> memref<1x40x128xi32, #tpu.memory_space<hbm>>
      %dma_wait3A_25 = tpu.memref_squeeze %dma_wait3A_24 : memref<1x40x128xi32, #tpu.memory_space<hbm>> -> memref<40x128xi32, #tpu.memory_space<hbm>>
      %dma_wait3A_26 = arith.constant 0 : i32
      %dma_wait3A_27 = arith.constant 0 : i32
      %dma_wait3A_28 = tpu.memref_slice %arg4[%add3A, %dma_wait3A_26, %dma_wait3A_27] : memref<32x40x128xi32, #tpu.memory_space<hbm>> -> memref<1x40x128xi32, #tpu.memory_space<hbm>>
      %dma_wait3A_29 = tpu.memref_squeeze %dma_wait3A_28 : memref<1x40x128xi32, #tpu.memory_space<hbm>> -> memref<40x128xi32, #tpu.memory_space<hbm>>
      tpu.wait_dma2 semaphore(%run_scoped3A_15 : memref<!tpu.dma_semaphore, #tpu.memory_space<semaphore_mem>>) src(%dma_wait3A_29 : memref<40x128xi32, #tpu.memory_space<hbm>>) dst(%arg9 : memref<40x128xi32, #tpu.memory_space<vmem>>)
      tpu.yield
    }) : () -> ()
    %run_scoped3A = arith.constant 0 : i32
    "tpu.region"() ({
      %run_scoped3A_15 = tpu.sem_alloc : memref<!tpu.dma_semaphore, #tpu.memory_space<semaphore_mem>>
      %dma_start3A = arith.constant 0 : i32
      %dma_start3A_16 = arith.constant 0 : i32
      %dma_start3A_17 = tpu.memref_slice %arg3[%add3A, %run_scoped3A, %dma_start3A, %dma_start3A_16] : memref<32x1x40x128xi32, #tpu.memory_space<hbm>> -> memref<1x1x40x128xi32, #tpu.memory_space<hbm>>
      %dma_start3A_18 = tpu.memref_squeeze %dma_start3A_17 : memref<1x1x40x128xi32, #tpu.memory_space<hbm>> -> memref<40x128xi32, #tpu.memory_space<hbm>>
      %dma_start3A_19 = arith.constant 0 : i32
      %dma_start3A_20 = arith.constant 0 : i32
      %dma_start3A_21 = tpu.memref_slice %arg3[%add3A, %run_scoped3A, %dma_start3A_19, %dma_start3A_20] : memref<32x1x40x128xi32, #tpu.memory_space<hbm>> -> memref<1x1x40x128xi32, #tpu.memory_space<hbm>>
      %dma_start3A_22 = tpu.memref_squeeze %dma_start3A_21 : memref<1x1x40x128xi32, #tpu.memory_space<hbm>> -> memref<40x128xi32, #tpu.memory_space<hbm>>
      tpu.enqueue_dma source(%dma_start3A_22 : memref<40x128xi32, #tpu.memory_space<hbm>>) target(%arg8 : memref<40x128xi32, #tpu.memory_space<vmem>>) target_semaphore(%run_scoped3A_15 : memref<!tpu.dma_semaphore, #tpu.memory_space<semaphore_mem>>)
      %dma_wait3A = arith.constant 0 : i32
      %dma_wait3A_23 = arith.constant 0 : i32
      %dma_wait3A_24 = tpu.memref_slice %arg3[%add3A, %run_scoped3A, %dma_wait3A, %dma_wait3A_23] : memref<32x1x40x128xi32, #tpu.memory_space<hbm>> -> memref<1x1x40x128xi32, #tpu.memory_space<hbm>>
      %dma_wait3A_25 = tpu.memref_squeeze %dma_wait3A_24 : memref<1x1x40x128xi32, #tpu.memory_space<hbm>> -> memref<40x128xi32, #tpu.memory_space<hbm>>
      %dma_wait3A_26 = arith.constant 0 : i32
      %dma_wait3A_27 = arith.constant 0 : i32
      %dma_wait3A_28 = tpu.memref_slice %arg3[%add3A, %run_scoped3A, %dma_wait3A_26, %dma_wait3A_27] : memref<32x1x40x128xi32, #tpu.memory_space<hbm>> -> memref<1x1x40x128xi32, #tpu.memory_space<hbm>>
      %dma_wait3A_29 = tpu.memref_squeeze %dma_wait3A_28 : memref<1x1x40x128xi32, #tpu.memory_space<hbm>> -> memref<40x128xi32, #tpu.memory_space<hbm>>
      tpu.wait_dma2 semaphore(%run_scoped3A_15 : memref<!tpu.dma_semaphore, #tpu.memory_space<semaphore_mem>>) src(%dma_wait3A_29 : memref<40x128xi32, #tpu.memory_space<hbm>>) dst(%arg8 : memref<40x128xi32, #tpu.memory_space<vmem>>)
      tpu.yield
    }) : () -> ()
    %mul3A_1 = arith.constant 640 : i32
    %mul3A_2 = arith.muli %arg1, %mul3A_1 : i32
    "tpu.region"() ({
      %run_scoped3A_15 = tpu.sem_alloc : memref<!tpu.dma_semaphore, #tpu.memory_space<semaphore_mem>>
      %dma_start3A = arith.constant 0 : i32
      %dma_start3A_16 = tpu.memref_slice %arg7[%mul3A_2, %dma_start3A] : memref<10240x128xf32, #tpu.memory_space<vmem_shared>> -> memref<640x128xf32, #tpu.memory_space<vmem_shared>>
      tpu.enqueue_dma source(%arg5 : memref<640x128xf32, #tpu.memory_space<hbm>>) target(%dma_start3A_16 : memref<640x128xf32, #tpu.memory_space<vmem_shared>>) target_semaphore(%run_scoped3A_15 : memref<!tpu.dma_semaphore, #tpu.memory_space<semaphore_mem>>)
      %dma_wait3A = arith.constant 0 : i32
      %dma_wait3A_17 = tpu.memref_slice %arg7[%mul3A_2, %dma_wait3A] : memref<10240x128xf32, #tpu.memory_space<vmem_shared>> -> memref<640x128xf32, #tpu.memory_space<vmem_shared>>
      tpu.wait_dma2 semaphore(%run_scoped3A_15 : memref<!tpu.dma_semaphore, #tpu.memory_space<semaphore_mem>>) src(%arg5 : memref<640x128xf32, #tpu.memory_space<hbm>>) dst(%dma_wait3A_17 : memref<640x128xf32, #tpu.memory_space<vmem_shared>>)
      tpu.yield
    }) : () -> ()
    %barrier3A = arith.constant 0 : index
    tpu.barrier barrier_id(%barrier3A)
    %scan3A = arith.constant 0 : i32
    %scan3A_3 = arith.constant 0 : i32
    %scan3A_4 = arith.constant 20 : i32
    %scan3A_5 = arith.addi %scan3A_3, %scan3A_4 : i32
    %scan3A_6 = arith.constant 1 : i32
    scf.for %scan3A_15 = %scan3A_3 to %scan3A_5 step %scan3A_6  : i32 {
      %mul3A_16 = arith.constant 2 : i32
      %mul3A_17 = arith.muli %mul3A_16, %scan3A_15 : i32
      %dma_start3A = arith.constant 0 : i32
      %dma_start3A_18 = arith.constant 0 : i32
      %dma_start3A_19 = arith.constant 0 : i32
      %dma_start3A_20 = tpu.memref_slice %arg10[%dma_start3A, %dma_start3A_18, %dma_start3A_19] : memref<2x128x128xf32, #tpu.memory_space<vmem>> -> memref<1x128x128xf32, #tpu.memory_space<vmem>>
      %dma_start3A_21 = tpu.memref_squeeze %dma_start3A_20 : memref<1x128x128xf32, #tpu.memory_space<vmem>> -> memref<128x128xf32, #tpu.memory_space<vmem>>
      %dma_start3A_22 = arith.constant 0 : i32
      %dma_start3A_23 = tpu.memref_slice %arg8[%mul3A_17, %dma_start3A_22] : memref<40x128xi32, #tpu.memory_space<vmem>> -> memref<1x128xi32, #tpu.memory_space<vmem>>
      %dma_start3A_24 = tpu.memref_squeeze %dma_start3A_23 : memref<1x128xi32, #tpu.memory_space<vmem>> -> memref<128xi32, #tpu.memory_space<vmem>>
      %dma_start3A_25 = arith.constant 0 : i32
      %dma_start3A_26 = arith.constant 0 : i32
      %dma_start3A_27 = tpu.memref_slice %arg2[%dma_start3A_25, %dma_start3A_26] : memref<30000x128xf32, #tpu.memory_space<hbm>> -> memref<30000x128xf32, #tpu.memory_space<hbm>>
      tpu.enqueue_indirect_dma source(%dma_start3A_27 : memref<30000x128xf32, #tpu.memory_space<hbm>>) target(%dma_start3A_21 : memref<128x128xf32, #tpu.memory_space<vmem>>) offsets(%dma_start3A_24 : memref<128xi32, #tpu.memory_space<vmem>>) semaphore(%arg11 : memref<!tpu.dma_semaphore, #tpu.memory_space<semaphore_mem>>)
      %add3A_28 = arith.constant 1 : i32
      %add3A_29 = arith.addi %mul3A_17, %add3A_28 : i32
      %dma_start3A_30 = arith.constant 1 : i32
      %dma_start3A_31 = arith.constant 0 : i32
      %dma_start3A_32 = arith.constant 0 : i32
      %dma_start3A_33 = tpu.memref_slice %arg10[%dma_start3A_30, %dma_start3A_31, %dma_start3A_32] : memref<2x128x128xf32, #tpu.memory_space<vmem>> -> memref<1x128x128xf32, #tpu.memory_space<vmem>>
      %dma_start3A_34 = tpu.memref_squeeze %dma_start3A_33 : memref<1x128x128xf32, #tpu.memory_space<vmem>> -> memref<128x128xf32, #tpu.memory_space<vmem>>
      %dma_start3A_35 = arith.constant 0 : i32
      %dma_start3A_36 = tpu.memref_slice %arg8[%add3A_29, %dma_start3A_35] : memref<40x128xi32, #tpu.memory_space<vmem>> -> memref<1x128xi32, #tpu.memory_space<vmem>>
      %dma_start3A_37 = tpu.memref_squeeze %dma_start3A_36 : memref<1x128xi32, #tpu.memory_space<vmem>> -> memref<128xi32, #tpu.memory_space<vmem>>
      %dma_start3A_38 = arith.constant 0 : i32
      %dma_start3A_39 = arith.constant 0 : i32
      %dma_start3A_40 = tpu.memref_slice %arg2[%dma_start3A_38, %dma_start3A_39] : memref<30000x128xf32, #tpu.memory_space<hbm>> -> memref<30000x128xf32, #tpu.memory_space<hbm>>
      tpu.enqueue_indirect_dma source(%dma_start3A_40 : memref<30000x128xf32, #tpu.memory_space<hbm>>) target(%dma_start3A_34 : memref<128x128xf32, #tpu.memory_space<vmem>>) offsets(%dma_start3A_37 : memref<128xi32, #tpu.memory_space<vmem>>) semaphore(%arg12 : memref<!tpu.dma_semaphore, #tpu.memory_space<semaphore_mem>>)
      %dma_wait3A = arith.constant 0 : i32
      %dma_wait3A_41 = arith.constant 0 : i32
      %dma_wait3A_42 = arith.constant 0 : i32
      %dma_wait3A_43 = tpu.memref_slice %arg10[%dma_wait3A, %dma_wait3A_41, %dma_wait3A_42] : memref<2x128x128xf32, #tpu.memory_space<vmem>> -> memref<1x128x128xf32, #tpu.memory_space<vmem>>
      %dma_wait3A_44 = tpu.memref_squeeze %dma_wait3A_43 : memref<1x128x128xf32, #tpu.memory_space<vmem>> -> memref<128x128xf32, #tpu.memory_space<vmem>>
      %dma_wait3A_45 = arith.constant 0 : i32
      %dma_wait3A_46 = tpu.memref_slice %arg8[%mul3A_17, %dma_wait3A_45] : memref<40x128xi32, #tpu.memory_space<vmem>> -> memref<1x128xi32, #tpu.memory_space<vmem>>
      %dma_wait3A_47 = tpu.memref_squeeze %dma_wait3A_46 : memref<1x128xi32, #tpu.memory_space<vmem>> -> memref<128xi32, #tpu.memory_space<vmem>>
      %dma_wait3A_48 = arith.constant 0 : i32
      %dma_wait3A_49 = arith.constant 0 : i32
      %dma_wait3A_50 = tpu.memref_slice %arg2[%dma_wait3A_48, %dma_wait3A_49] : memref<30000x128xf32, #tpu.memory_space<hbm>> -> memref<30000x128xf32, #tpu.memory_space<hbm>>
      tpu.wait_indirect_dma semaphore(%arg11 : memref<!tpu.dma_semaphore, #tpu.memory_space<semaphore_mem>>) src(%dma_wait3A_50 : memref<30000x128xf32, #tpu.memory_space<hbm>>) dst(%dma_wait3A_44 : memref<128x128xf32, #tpu.memory_space<vmem>>)
      %dma_start3A_51 = arith.constant 0 : i32
      %dma_start3A_52 = arith.constant 0 : i32
      %dma_start3A_53 = arith.constant 0 : i32
      %dma_start3A_54 = tpu.memref_slice %arg10[%dma_start3A_51, %dma_start3A_52, %dma_start3A_53] : memref<2x128x128xf32, #tpu.memory_space<vmem>> -> memref<1x128x128xf32, #tpu.memory_space<vmem>>
      %dma_start3A_55 = tpu.memref_squeeze %dma_start3A_54 : memref<1x128x128xf32, #tpu.memory_space<vmem>> -> memref<128x128xf32, #tpu.memory_space<vmem>>
      %dma_start3A_56 = arith.constant 0 : i32
      %dma_start3A_57 = tpu.memref_slice %arg9[%mul3A_17, %dma_start3A_56] : memref<40x128xi32, #tpu.memory_space<vmem>> -> memref<1x128xi32, #tpu.memory_space<vmem>>
      %dma_start3A_58 = tpu.memref_squeeze %dma_start3A_57 : memref<1x128xi32, #tpu.memory_space<vmem>> -> memref<128xi32, #tpu.memory_space<vmem>>
      %dma_start3A_59 = arith.constant 0 : i32
      %dma_start3A_60 = arith.constant 0 : i32
      %dma_start3A_61 = tpu.memref_slice %arg7[%dma_start3A_59, %dma_start3A_60] : memref<10240x128xf32, #tpu.memory_space<vmem_shared>> -> memref<10240x128xf32, #tpu.memory_space<vmem_shared>>
      tpu.enqueue_indirect_dma source(%dma_start3A_55 : memref<128x128xf32, #tpu.memory_space<vmem>>) target(%dma_start3A_61 : memref<10240x128xf32, #tpu.memory_space<vmem_shared>>) offsets(%dma_start3A_58 : memref<128xi32, #tpu.memory_space<vmem>>) semaphore(%arg13 : memref<!tpu.dma_semaphore, #tpu.memory_space<semaphore_mem>>) {add = true}
      %dma_wait3A_62 = arith.constant 1 : i32
      %dma_wait3A_63 = arith.constant 0 : i32
      %dma_wait3A_64 = arith.constant 0 : i32
      %dma_wait3A_65 = tpu.memref_slice %arg10[%dma_wait3A_62, %dma_wait3A_63, %dma_wait3A_64] : memref<2x128x128xf32, #tpu.memory_space<vmem>> -> memref<1x128x128xf32, #tpu.memory_space<vmem>>
      %dma_wait3A_66 = tpu.memref_squeeze %dma_wait3A_65 : memref<1x128x128xf32, #tpu.memory_space<vmem>> -> memref<128x128xf32, #tpu.memory_space<vmem>>
      %dma_wait3A_67 = arith.constant 0 : i32
      %dma_wait3A_68 = tpu.memref_slice %arg8[%add3A_29, %dma_wait3A_67] : memref<40x128xi32, #tpu.memory_space<vmem>> -> memref<1x128xi32, #tpu.memory_space<vmem>>
      %dma_wait3A_69 = tpu.memref_squeeze %dma_wait3A_68 : memref<1x128xi32, #tpu.memory_space<vmem>> -> memref<128xi32, #tpu.memory_space<vmem>>
      %dma_wait3A_70 = arith.constant 0 : i32
      %dma_wait3A_71 = arith.constant 0 : i32
      %dma_wait3A_72 = tpu.memref_slice %arg2[%dma_wait3A_70, %dma_wait3A_71] : memref<30000x128xf32, #tpu.memory_space<hbm>> -> memref<30000x128xf32, #tpu.memory_space<hbm>>
      tpu.wait_indirect_dma semaphore(%arg12 : memref<!tpu.dma_semaphore, #tpu.memory_space<semaphore_mem>>) src(%dma_wait3A_72 : memref<30000x128xf32, #tpu.memory_space<hbm>>) dst(%dma_wait3A_66 : memref<128x128xf32, #tpu.memory_space<vmem>>)
      %add3A_73 = arith.constant 1 : i32
      %add3A_74 = arith.addi %mul3A_17, %add3A_73 : i32
      %dma_start3A_75 = arith.constant 1 : i32
      %dma_start3A_76 = arith.constant 0 : i32
      %dma_start3A_77 = arith.constant 0 : i32
      %dma_start3A_78 = tpu.memref_slice %arg10[%dma_start3A_75, %dma_start3A_76, %dma_start3A_77] : memref<2x128x128xf32, #tpu.memory_space<vmem>> -> memref<1x128x128xf32, #tpu.memory_space<vmem>>
      %dma_start3A_79 = tpu.memref_squeeze %dma_start3A_78 : memref<1x128x128xf32, #tpu.memory_space<vmem>> -> memref<128x128xf32, #tpu.memory_space<vmem>>
      %dma_start3A_80 = arith.constant 0 : i32
      %dma_start3A_81 = tpu.memref_slice %arg9[%add3A_74, %dma_start3A_80] : memref<40x128xi32, #tpu.memory_space<vmem>> -> memref<1x128xi32, #tpu.memory_space<vmem>>
      %dma_start3A_82 = tpu.memref_squeeze %dma_start3A_81 : memref<1x128xi32, #tpu.memory_space<vmem>> -> memref<128xi32, #tpu.memory_space<vmem>>
      %dma_start3A_83 = arith.constant 0 : i32
      %dma_start3A_84 = arith.constant 0 : i32
      %dma_start3A_85 = tpu.memref_slice %arg7[%dma_start3A_83, %dma_start3A_84] : memref<10240x128xf32, #tpu.memory_space<vmem_shared>> -> memref<10240x128xf32, #tpu.memory_space<vmem_shared>>
      tpu.enqueue_indirect_dma source(%dma_start3A_79 : memref<128x128xf32, #tpu.memory_space<vmem>>) target(%dma_start3A_85 : memref<10240x128xf32, #tpu.memory_space<vmem_shared>>) offsets(%dma_start3A_82 : memref<128xi32, #tpu.memory_space<vmem>>) semaphore(%arg14 : memref<!tpu.dma_semaphore, #tpu.memory_space<semaphore_mem>>) {add = true}
      %dma_wait3A_86 = arith.constant 0 : i32
      %dma_wait3A_87 = arith.constant 0 : i32
      %dma_wait3A_88 = arith.constant 0 : i32
      %dma_wait3A_89 = tpu.memref_slice %arg10[%dma_wait3A_86, %dma_wait3A_87, %dma_wait3A_88] : memref<2x128x128xf32, #tpu.memory_space<vmem>> -> memref<1x128x128xf32, #tpu.memory_space<vmem>>
      %dma_wait3A_90 = tpu.memref_squeeze %dma_wait3A_89 : memref<1x128x128xf32, #tpu.memory_space<vmem>> -> memref<128x128xf32, #tpu.memory_space<vmem>>
      %dma_wait3A_91 = arith.constant 0 : i32
      %dma_wait3A_92 = tpu.memref_slice %arg9[%mul3A_17, %dma_wait3A_91] : memref<40x128xi32, #tpu.memory_space<vmem>> -> memref<1x128xi32, #tpu.memory_space<vmem>>
      %dma_wait3A_93 = tpu.memref_squeeze %dma_wait3A_92 : memref<1x128xi32, #tpu.memory_space<vmem>> -> memref<128xi32, #tpu.memory_space<vmem>>
      %dma_wait3A_94 = arith.constant 0 : i32
      %dma_wait3A_95 = arith.constant 0 : i32
      %dma_wait3A_96 = tpu.memref_slice %arg7[%dma_wait3A_94, %dma_wait3A_95] : memref<10240x128xf32, #tpu.memory_space<vmem_shared>> -> memref<10240x128xf32, #tpu.memory_space<vmem_shared>>
      tpu.wait_indirect_dma semaphore(%arg13 : memref<!tpu.dma_semaphore, #tpu.memory_space<semaphore_mem>>) src(%dma_wait3A_90 : memref<128x128xf32, #tpu.memory_space<vmem>>) dst(%dma_wait3A_96 : memref<10240x128xf32, #tpu.memory_space<vmem_shared>>)
      %dma_wait3A_97 = arith.constant 1 : i32
      %dma_wait3A_98 = arith.constant 0 : i32
      %dma_wait3A_99 = arith.constant 0 : i32
      %dma_wait3A_100 = tpu.memref_slice %arg10[%dma_wait3A_97, %dma_wait3A_98, %dma_wait3A_99] : memref<2x128x128xf32, #tpu.memory_space<vmem>> -> memref<1x128x128xf32, #tpu.memory_space<vmem>>
      %dma_wait3A_101 = tpu.memref_squeeze %dma_wait3A_100 : memref<1x128x128xf32, #tpu.memory_space<vmem>> -> memref<128x128xf32, #tpu.memory_space<vmem>>
      %dma_wait3A_102 = arith.constant 0 : i32
      %dma_wait3A_103 = tpu.memref_slice %arg9[%add3A_74, %dma_wait3A_102] : memref<40x128xi32, #tpu.memory_space<vmem>> -> memref<1x128xi32, #tpu.memory_space<vmem>>
      %dma_wait3A_104 = tpu.memref_squeeze %dma_wait3A_103 : memref<1x128xi32, #tpu.memory_space<vmem>> -> memref<128xi32, #tpu.memory_space<vmem>>
      %dma_wait3A_105 = arith.constant 0 : i32
      %dma_wait3A_106 = arith.constant 0 : i32
      %dma_wait3A_107 = tpu.memref_slice %arg7[%dma_wait3A_105, %dma_wait3A_106] : memref<10240x128xf32, #tpu.memory_space<vmem_shared>> -> memref<10240x128xf32, #tpu.memory_space<vmem_shared>>
      tpu.wait_indirect_dma semaphore(%arg14 : memref<!tpu.dma_semaphore, #tpu.memory_space<semaphore_mem>>) src(%dma_wait3A_101 : memref<128x128xf32, #tpu.memory_space<vmem>>) dst(%dma_wait3A_107 : memref<10240x128xf32, #tpu.memory_space<vmem_shared>>)
    }
    %scan3A_7 = arith.constant 20 : i32
    %barrier3A_8 = arith.constant 0 : index
    tpu.barrier barrier_id(%barrier3A_8)
    %mul3A_9 = arith.constant 624 : i32
    %mul3A_10 = arith.muli %arg1, %mul3A_9 : i32
    %mul3A_11 = arith.constant 624 : i32
    %mul3A_12 = arith.muli %arg1, %mul3A_11 : i32
    "tpu.region"() ({
      %run_scoped3A_15 = tpu.sem_alloc : memref<!tpu.dma_semaphore, #tpu.memory_space<semaphore_mem>>
      %dma_start3A = arith.constant 0 : i32
      %dma_start3A_16 = tpu.memref_slice %arg6[%arg0, %mul3A_12, %dma_start3A] : memref<2x10000x128xf32, #tpu.memory_space<hbm>> -> memref<1x624x128xf32, #tpu.memory_space<hbm>>
      %dma_start3A_17 = tpu.memref_squeeze %dma_start3A_16 : memref<1x624x128xf32, #tpu.memory_space<hbm>> -> memref<624x128xf32, #tpu.memory_space<hbm>>
      %dma_start3A_18 = arith.constant 0 : i32
      %dma_start3A_19 = tpu.memref_slice %arg7[%mul3A_10, %dma_start3A_18] : memref<10240x128xf32, #tpu.memory_space<vmem_shared>> -> memref<624x128xf32, #tpu.memory_space<vmem_shared>>
      tpu.enqueue_dma source(%dma_start3A_19 : memref<624x128xf32, #tpu.memory_space<vmem_shared>>) target(%dma_start3A_17 : memref<624x128xf32, #tpu.memory_space<hbm>>) target_semaphore(%run_scoped3A_15 : memref<!tpu.dma_semaphore, #tpu.memory_space<semaphore_mem>>)
      %dma_wait3A = arith.constant 0 : i32
      %dma_wait3A_20 = tpu.memref_slice %arg6[%arg0, %mul3A_12, %dma_wait3A] : memref<2x10000x128xf32, #tpu.memory_space<hbm>> -> memref<1x624x128xf32, #tpu.memory_space<hbm>>
      %dma_wait3A_21 = tpu.memref_squeeze %dma_wait3A_20 : memref<1x624x128xf32, #tpu.memory_space<hbm>> -> memref<624x128xf32, #tpu.memory_space<hbm>>
      %dma_wait3A_22 = arith.constant 0 : i32
      %dma_wait3A_23 = tpu.memref_slice %arg7[%mul3A_10, %dma_wait3A_22] : memref<10240x128xf32, #tpu.memory_space<vmem_shared>> -> memref<624x128xf32, #tpu.memory_space<vmem_shared>>
      tpu.wait_dma2 semaphore(%run_scoped3A_15 : memref<!tpu.dma_semaphore, #tpu.memory_space<semaphore_mem>>) src(%dma_wait3A_23 : memref<624x128xf32, #tpu.memory_space<vmem_shared>>) dst(%dma_wait3A_21 : memref<624x128xf32, #tpu.memory_space<hbm>>)
      tpu.yield
    }) : () -> ()
    %eq3A = arith.constant 15 : i32
    %eq3A_13 = arith.cmpi eq, %arg1, %eq3A : i32
    %convert_element_type3A = arith.extui %eq3A_13 : i1 to i32
    %cond3A = arith.constant 0 : i32
    %cond3A_14 = arith.cmpi ne, %convert_element_type3A, %cond3A : i32
    scf.if %cond3A_14 {
      "tpu.region"() ({
        %run_scoped3A_15 = tpu.sem_alloc : memref<!tpu.dma_semaphore, #tpu.memory_space<semaphore_mem>>
        %dma_start3A = arith.constant 9984 : i32
        %dma_start3A_16 = arith.constant 0 : i32
        %dma_start3A_17 = tpu.memref_slice %arg6[%arg0, %dma_start3A, %dma_start3A_16] : memref<2x10000x128xf32, #tpu.memory_space<hbm>> -> memref<1x16x128xf32, #tpu.memory_space<hbm>>
        %dma_start3A_18 = tpu.memref_squeeze %dma_start3A_17 : memref<1x16x128xf32, #tpu.memory_space<hbm>> -> memref<16x128xf32, #tpu.memory_space<hbm>>
        %dma_start3A_19 = arith.constant 9984 : i32
        %dma_start3A_20 = arith.constant 0 : i32
        %dma_start3A_21 = tpu.memref_slice %arg7[%dma_start3A_19, %dma_start3A_20] : memref<10240x128xf32, #tpu.memory_space<vmem_shared>> -> memref<16x128xf32, #tpu.memory_space<vmem_shared>>
        tpu.enqueue_dma source(%dma_start3A_21 : memref<16x128xf32, #tpu.memory_space<vmem_shared>>) target(%dma_start3A_18 : memref<16x128xf32, #tpu.memory_space<hbm>>) target_semaphore(%run_scoped3A_15 : memref<!tpu.dma_semaphore, #tpu.memory_space<semaphore_mem>>)
        %dma_wait3A = arith.constant 9984 : i32
        %dma_wait3A_22 = arith.constant 0 : i32
        %dma_wait3A_23 = tpu.memref_slice %arg6[%arg0, %dma_wait3A, %dma_wait3A_22] : memref<2x10000x128xf32, #tpu.memory_space<hbm>> -> memref<1x16x128xf32, #tpu.memory_space<hbm>>
        %dma_wait3A_24 = tpu.memref_squeeze %dma_wait3A_23 : memref<1x16x128xf32, #tpu.memory_space<hbm>> -> memref<16x128xf32, #tpu.memory_space<hbm>>
        %dma_wait3A_25 = arith.constant 9984 : i32
        %dma_wait3A_26 = arith.constant 0 : i32
        %dma_wait3A_27 = tpu.memref_slice %arg7[%dma_wait3A_25, %dma_wait3A_26] : memref<10240x128xf32, #tpu.memory_space<vmem_shared>> -> memref<16x128xf32, #tpu.memory_space<vmem_shared>>
        tpu.wait_dma2 semaphore(%run_scoped3A_15 : memref<!tpu.dma_semaphore, #tpu.memory_space<semaphore_mem>>) src(%dma_wait3A_27 : memref<16x128xf32, #tpu.memory_space<vmem_shared>>) dst(%dma_wait3A_24 : memref<16x128xf32, #tpu.memory_space<hbm>>)
        tpu.yield
      }) : () -> ()
    } else {
    }
    return
  }
}

#map = affine_map<(d0, d1) -> (0, 0)>
#map1 = affine_map<(d0, d1) -> (0, 0, 0, 0)>
#map2 = affine_map<(d0, d1) -> (0, 0, 0)>
module attributes {stable_mosaic.version = 14 : i64} {
  func.func @_seg(%arg0: i32, %arg1: i32, %arg2: memref<30000x128xf32, #tpu.memory_space<hbm>>, %arg3: memref<32x1x40x128xi32, #tpu.memory_space<hbm>>, %arg4: memref<32x40x128xi32, #tpu.memory_space<hbm>>, %arg5: memref<640x128xf32, #tpu.memory_space<hbm>>, %arg6: memref<2x10000x128xf32, #tpu.memory_space<hbm>>, %arg7: memref<10240x128xf32, #tpu.memory_space<vmem_shared>>, %arg8: memref<40x128xi32, #tpu.memory_space<vmem>>, %arg9: memref<40x128xi32, #tpu.memory_space<vmem>>, %arg10: memref<2x128x128xf32, #tpu.memory_space<vmem>>, %arg11: memref<!tpu.dma_semaphore, #tpu.memory_space<semaphore_mem>>, %arg12: memref<!tpu.dma_semaphore, #tpu.memory_space<semaphore_mem>>, %arg13: memref<!tpu.dma_semaphore, #tpu.memory_space<semaphore_mem>>, %arg14: memref<!tpu.dma_semaphore, #tpu.memory_space<semaphore_mem>>) attributes {dimension_semantics = [#tpu.dimension_semantics<core_parallel>, #tpu.dimension_semantics<subcore_parallel>], iteration_bounds = array<i64: 2, 16>, scalar_prefetch = 0 : i64, scratch_operands = 8 : i64, tpu.core_type = #tpu.core_type<sc_vector_subcore>, window_params = [{transform_indices = #map}, {transform_indices = #map1}, {transform_indices = #map2}, {transform_indices = #map}, {transform_indices = #map2}]} {
    %mul3A = arith.constant 2 : i32
    %mul3A_0 = arith.muli %arg1, %mul3A : i32
    %add3A = arith.addi %mul3A_0, %arg0 : i32
    "tpu.region"() ({
      %run_scoped3A_15 = tpu.sem_alloc : memref<!tpu.dma_semaphore, #tpu.memory_space<semaphore_mem>>
      %dma_start3A = arith.constant 0 : i32
      %dma_start3A_16 = arith.constant 0 : i32
      %dma_start3A_17 = tpu.memref_slice %arg4[%add3A, %dma_start3A, %dma_start3A_16] : memref<32x40x128xi32, #tpu.memory_space<hbm>> -> memref<1x40x128xi32, #tpu.memory_space<hbm>>
      %dma_start3A_18 = tpu.memref_squeeze %dma_start3A_17 : memref<1x40x128xi32, #tpu.memory_space<hbm>> -> memref<40x128xi32, #tpu.memory_space<hbm>>
      %dma_start3A_19 = arith.constant 0 : i32
      %dma_start3A_20 = arith.constant 0 : i32
      %dma_start3A_21 = tpu.memref_slice %arg4[%add3A, %dma_start3A_19, %dma_start3A_20] : memref<32x40x128xi32, #tpu.memory_space<hbm>> -> memref<1x40x128xi32, #tpu.memory_space<hbm>>
      %dma_start3A_22 = tpu.memref_squeeze %dma_start3A_21 : memref<1x40x128xi32, #tpu.memory_space<hbm>> -> memref<40x128xi32, #tpu.memory_space<hbm>>
      tpu.enqueue_dma source(%dma_start3A_22 : memref<40x128xi32, #tpu.memory_space<hbm>>) target(%arg9 : memref<40x128xi32, #tpu.memory_space<vmem>>) target_semaphore(%run_scoped3A_15 : memref<!tpu.dma_semaphore, #tpu.memory_space<semaphore_mem>>)
      %dma_wait3A = arith.constant 0 : i32
      %dma_wait3A_23 = arith.constant 0 : i32
      %dma_wait3A_24 = tpu.memref_slice %arg4[%add3A, %dma_wait3A, %dma_wait3A_23] : memref<32x40x128xi32, #tpu.memory_space<hbm>> -> memref<1x40x128xi32, #tpu.memory_space<hbm>>
      %dma_wait3A_25 = tpu.memref_squeeze %dma_wait3A_24 : memref<1x40x128xi32, #tpu.memory_space<hbm>> -> memref<40x128xi32, #tpu.memory_space<hbm>>
      %dma_wait3A_26 = arith.constant 0 : i32
      %dma_wait3A_27 = arith.constant 0 : i32
      %dma_wait3A_28 = tpu.memref_slice %arg4[%add3A, %dma_wait3A_26, %dma_wait3A_27] : memref<32x40x128xi32, #tpu.memory_space<hbm>> -> memref<1x40x128xi32, #tpu.memory_space<hbm>>
      %dma_wait3A_29 = tpu.memref_squeeze %dma_wait3A_28 : memref<1x40x128xi32, #tpu.memory_space<hbm>> -> memref<40x128xi32, #tpu.memory_space<hbm>>
      tpu.wait_dma2 semaphore(%run_scoped3A_15 : memref<!tpu.dma_semaphore, #tpu.memory_space<semaphore_mem>>) src(%dma_wait3A_29 : memref<40x128xi32, #tpu.memory_space<hbm>>) dst(%arg9 : memref<40x128xi32, #tpu.memory_space<vmem>>)
      tpu.yield
    }) : () -> ()
    %run_scoped3A = arith.constant 0 : i32
    "tpu.region"() ({
      %run_scoped3A_15 = tpu.sem_alloc : memref<!tpu.dma_semaphore, #tpu.memory_space<semaphore_mem>>
      %dma_start3A = arith.constant 0 : i32
      %dma_start3A_16 = arith.constant 0 : i32
      %dma_start3A_17 = tpu.memref_slice %arg3[%add3A, %run_scoped3A, %dma_start3A, %dma_start3A_16] : memref<32x1x40x128xi32, #tpu.memory_space<hbm>> -> memref<1x1x40x128xi32, #tpu.memory_space<hbm>>
      %dma_start3A_18 = tpu.memref_squeeze %dma_start3A_17 : memref<1x1x40x128xi32, #tpu.memory_space<hbm>> -> memref<40x128xi32, #tpu.memory_space<hbm>>
      %dma_start3A_19 = arith.constant 0 : i32
      %dma_start3A_20 = arith.constant 0 : i32
      %dma_start3A_21 = tpu.memref_slice %arg3[%add3A, %run_scoped3A, %dma_start3A_19, %dma_start3A_20] : memref<32x1x40x128xi32, #tpu.memory_space<hbm>> -> memref<1x1x40x128xi32, #tpu.memory_space<hbm>>
      %dma_start3A_22 = tpu.memref_squeeze %dma_start3A_21 : memref<1x1x40x128xi32, #tpu.memory_space<hbm>> -> memref<40x128xi32, #tpu.memory_space<hbm>>
      tpu.enqueue_dma source(%dma_start3A_22 : memref<40x128xi32, #tpu.memory_space<hbm>>) target(%arg8 : memref<40x128xi32, #tpu.memory_space<vmem>>) target_semaphore(%run_scoped3A_15 : memref<!tpu.dma_semaphore, #tpu.memory_space<semaphore_mem>>)
      %dma_wait3A = arith.constant 0 : i32
      %dma_wait3A_23 = arith.constant 0 : i32
      %dma_wait3A_24 = tpu.memref_slice %arg3[%add3A, %run_scoped3A, %dma_wait3A, %dma_wait3A_23] : memref<32x1x40x128xi32, #tpu.memory_space<hbm>> -> memref<1x1x40x128xi32, #tpu.memory_space<hbm>>
      %dma_wait3A_25 = tpu.memref_squeeze %dma_wait3A_24 : memref<1x1x40x128xi32, #tpu.memory_space<hbm>> -> memref<40x128xi32, #tpu.memory_space<hbm>>
      %dma_wait3A_26 = arith.constant 0 : i32
      %dma_wait3A_27 = arith.constant 0 : i32
      %dma_wait3A_28 = tpu.memref_slice %arg3[%add3A, %run_scoped3A, %dma_wait3A_26, %dma_wait3A_27] : memref<32x1x40x128xi32, #tpu.memory_space<hbm>> -> memref<1x1x40x128xi32, #tpu.memory_space<hbm>>
      %dma_wait3A_29 = tpu.memref_squeeze %dma_wait3A_28 : memref<1x1x40x128xi32, #tpu.memory_space<hbm>> -> memref<40x128xi32, #tpu.memory_space<hbm>>
      tpu.wait_dma2 semaphore(%run_scoped3A_15 : memref<!tpu.dma_semaphore, #tpu.memory_space<semaphore_mem>>) src(%dma_wait3A_29 : memref<40x128xi32, #tpu.memory_space<hbm>>) dst(%arg8 : memref<40x128xi32, #tpu.memory_space<vmem>>)
      tpu.yield
    }) : () -> ()
    %mul3A_1 = arith.constant 640 : i32
    %mul3A_2 = arith.muli %arg1, %mul3A_1 : i32
    "tpu.region"() ({
      %run_scoped3A_15 = tpu.sem_alloc : memref<!tpu.dma_semaphore, #tpu.memory_space<semaphore_mem>>
      %dma_start3A = arith.constant 0 : i32
      %dma_start3A_16 = tpu.memref_slice %arg7[%mul3A_2, %dma_start3A] : memref<10240x128xf32, #tpu.memory_space<vmem_shared>> -> memref<640x128xf32, #tpu.memory_space<vmem_shared>>
      tpu.enqueue_dma source(%arg5 : memref<640x128xf32, #tpu.memory_space<hbm>>) target(%dma_start3A_16 : memref<640x128xf32, #tpu.memory_space<vmem_shared>>) target_semaphore(%run_scoped3A_15 : memref<!tpu.dma_semaphore, #tpu.memory_space<semaphore_mem>>)
      %dma_wait3A = arith.constant 0 : i32
      %dma_wait3A_17 = tpu.memref_slice %arg7[%mul3A_2, %dma_wait3A] : memref<10240x128xf32, #tpu.memory_space<vmem_shared>> -> memref<640x128xf32, #tpu.memory_space<vmem_shared>>
      tpu.wait_dma2 semaphore(%run_scoped3A_15 : memref<!tpu.dma_semaphore, #tpu.memory_space<semaphore_mem>>) src(%arg5 : memref<640x128xf32, #tpu.memory_space<hbm>>) dst(%dma_wait3A_17 : memref<640x128xf32, #tpu.memory_space<vmem_shared>>)
      tpu.yield
    }) : () -> ()
    %barrier3A = arith.constant 0 : index
    tpu.barrier barrier_id(%barrier3A)
    %scan3A = arith.constant 0 : i32
    %scan3A_3 = arith.constant 0 : i32
    %scan3A_4 = arith.constant 20 : i32
    %scan3A_5 = arith.addi %scan3A_3, %scan3A_4 : i32
    %scan3A_6 = arith.constant 1 : i32
    scf.for %scan3A_15 = %scan3A_3 to %scan3A_5 step %scan3A_6  : i32 {
      %mul3A_16 = arith.constant 2 : i32
      %mul3A_17 = arith.muli %mul3A_16, %scan3A_15 : i32
      %dma_start3A = arith.constant 0 : i32
      %dma_start3A_18 = arith.constant 0 : i32
      %dma_start3A_19 = arith.constant 0 : i32
      %dma_start3A_20 = tpu.memref_slice %arg10[%dma_start3A, %dma_start3A_18, %dma_start3A_19] : memref<2x128x128xf32, #tpu.memory_space<vmem>> -> memref<1x128x128xf32, #tpu.memory_space<vmem>>
      %dma_start3A_21 = tpu.memref_squeeze %dma_start3A_20 : memref<1x128x128xf32, #tpu.memory_space<vmem>> -> memref<128x128xf32, #tpu.memory_space<vmem>>
      %dma_start3A_22 = arith.constant 0 : i32
      %dma_start3A_23 = tpu.memref_slice %arg8[%mul3A_17, %dma_start3A_22] : memref<40x128xi32, #tpu.memory_space<vmem>> -> memref<1x128xi32, #tpu.memory_space<vmem>>
      %dma_start3A_24 = tpu.memref_squeeze %dma_start3A_23 : memref<1x128xi32, #tpu.memory_space<vmem>> -> memref<128xi32, #tpu.memory_space<vmem>>
      %dma_start3A_25 = arith.constant 0 : i32
      %dma_start3A_26 = arith.constant 0 : i32
      %dma_start3A_27 = tpu.memref_slice %arg2[%dma_start3A_25, %dma_start3A_26] : memref<30000x128xf32, #tpu.memory_space<hbm>> -> memref<30000x128xf32, #tpu.memory_space<hbm>>
      tpu.enqueue_indirect_dma source(%dma_start3A_27 : memref<30000x128xf32, #tpu.memory_space<hbm>>) target(%dma_start3A_21 : memref<128x128xf32, #tpu.memory_space<vmem>>) offsets(%dma_start3A_24 : memref<128xi32, #tpu.memory_space<vmem>>) semaphore(%arg11 : memref<!tpu.dma_semaphore, #tpu.memory_space<semaphore_mem>>)
      %add3A_28 = arith.constant 1 : i32
      %add3A_29 = arith.addi %mul3A_17, %add3A_28 : i32
      %dma_start3A_30 = arith.constant 1 : i32
      %dma_start3A_31 = arith.constant 0 : i32
      %dma_start3A_32 = arith.constant 0 : i32
      %dma_start3A_33 = tpu.memref_slice %arg10[%dma_start3A_30, %dma_start3A_31, %dma_start3A_32] : memref<2x128x128xf32, #tpu.memory_space<vmem>> -> memref<1x128x128xf32, #tpu.memory_space<vmem>>
      %dma_start3A_34 = tpu.memref_squeeze %dma_start3A_33 : memref<1x128x128xf32, #tpu.memory_space<vmem>> -> memref<128x128xf32, #tpu.memory_space<vmem>>
      %dma_start3A_35 = arith.constant 0 : i32
      %dma_start3A_36 = tpu.memref_slice %arg8[%add3A_29, %dma_start3A_35] : memref<40x128xi32, #tpu.memory_space<vmem>> -> memref<1x128xi32, #tpu.memory_space<vmem>>
      %dma_start3A_37 = tpu.memref_squeeze %dma_start3A_36 : memref<1x128xi32, #tpu.memory_space<vmem>> -> memref<128xi32, #tpu.memory_space<vmem>>
      %dma_start3A_38 = arith.constant 0 : i32
      %dma_start3A_39 = arith.constant 0 : i32
      %dma_start3A_40 = tpu.memref_slice %arg2[%dma_start3A_38, %dma_start3A_39] : memref<30000x128xf32, #tpu.memory_space<hbm>> -> memref<30000x128xf32, #tpu.memory_space<hbm>>
      tpu.enqueue_indirect_dma source(%dma_start3A_40 : memref<30000x128xf32, #tpu.memory_space<hbm>>) target(%dma_start3A_34 : memref<128x128xf32, #tpu.memory_space<vmem>>) offsets(%dma_start3A_37 : memref<128xi32, #tpu.memory_space<vmem>>) semaphore(%arg12 : memref<!tpu.dma_semaphore, #tpu.memory_space<semaphore_mem>>)
      %dma_wait3A = arith.constant 0 : i32
      %dma_wait3A_41 = arith.constant 0 : i32
      %dma_wait3A_42 = arith.constant 0 : i32
      %dma_wait3A_43 = tpu.memref_slice %arg10[%dma_wait3A, %dma_wait3A_41, %dma_wait3A_42] : memref<2x128x128xf32, #tpu.memory_space<vmem>> -> memref<1x128x128xf32, #tpu.memory_space<vmem>>
      %dma_wait3A_44 = tpu.memref_squeeze %dma_wait3A_43 : memref<1x128x128xf32, #tpu.memory_space<vmem>> -> memref<128x128xf32, #tpu.memory_space<vmem>>
      %dma_wait3A_45 = arith.constant 0 : i32
      %dma_wait3A_46 = tpu.memref_slice %arg8[%mul3A_17, %dma_wait3A_45] : memref<40x128xi32, #tpu.memory_space<vmem>> -> memref<1x128xi32, #tpu.memory_space<vmem>>
      %dma_wait3A_47 = tpu.memref_squeeze %dma_wait3A_46 : memref<1x128xi32, #tpu.memory_space<vmem>> -> memref<128xi32, #tpu.memory_space<vmem>>
      %dma_wait3A_48 = arith.constant 0 : i32
      %dma_wait3A_49 = arith.constant 0 : i32
      %dma_wait3A_50 = tpu.memref_slice %arg2[%dma_wait3A_48, %dma_wait3A_49] : memref<30000x128xf32, #tpu.memory_space<hbm>> -> memref<30000x128xf32, #tpu.memory_space<hbm>>
      tpu.wait_indirect_dma semaphore(%arg11 : memref<!tpu.dma_semaphore, #tpu.memory_space<semaphore_mem>>) src(%dma_wait3A_50 : memref<30000x128xf32, #tpu.memory_space<hbm>>) dst(%dma_wait3A_44 : memref<128x128xf32, #tpu.memory_space<vmem>>)
      %dma_start3A_51 = arith.constant 0 : i32
      %dma_start3A_52 = arith.constant 0 : i32
      %dma_start3A_53 = arith.constant 0 : i32
      %dma_start3A_54 = tpu.memref_slice %arg10[%dma_start3A_51, %dma_start3A_52, %dma_start3A_53] : memref<2x128x128xf32, #tpu.memory_space<vmem>> -> memref<1x128x128xf32, #tpu.memory_space<vmem>>
      %dma_start3A_55 = tpu.memref_squeeze %dma_start3A_54 : memref<1x128x128xf32, #tpu.memory_space<vmem>> -> memref<128x128xf32, #tpu.memory_space<vmem>>
      %dma_start3A_56 = arith.constant 0 : i32
      %dma_start3A_57 = tpu.memref_slice %arg9[%mul3A_17, %dma_start3A_56] : memref<40x128xi32, #tpu.memory_space<vmem>> -> memref<1x128xi32, #tpu.memory_space<vmem>>
      %dma_start3A_58 = tpu.memref_squeeze %dma_start3A_57 : memref<1x128xi32, #tpu.memory_space<vmem>> -> memref<128xi32, #tpu.memory_space<vmem>>
      %dma_start3A_59 = arith.constant 0 : i32
      %dma_start3A_60 = arith.constant 0 : i32
      %dma_start3A_61 = tpu.memref_slice %arg7[%dma_start3A_59, %dma_start3A_60] : memref<10240x128xf32, #tpu.memory_space<vmem_shared>> -> memref<10240x128xf32, #tpu.memory_space<vmem_shared>>
      tpu.enqueue_indirect_dma source(%dma_start3A_55 : memref<128x128xf32, #tpu.memory_space<vmem>>) target(%dma_start3A_61 : memref<10240x128xf32, #tpu.memory_space<vmem_shared>>) offsets(%dma_start3A_58 : memref<128xi32, #tpu.memory_space<vmem>>) semaphore(%arg13 : memref<!tpu.dma_semaphore, #tpu.memory_space<semaphore_mem>>) {add = true}
      %dma_wait3A_62 = arith.constant 1 : i32
      %dma_wait3A_63 = arith.constant 0 : i32
      %dma_wait3A_64 = arith.constant 0 : i32
      %dma_wait3A_65 = tpu.memref_slice %arg10[%dma_wait3A_62, %dma_wait3A_63, %dma_wait3A_64] : memref<2x128x128xf32, #tpu.memory_space<vmem>> -> memref<1x128x128xf32, #tpu.memory_space<vmem>>
      %dma_wait3A_66 = tpu.memref_squeeze %dma_wait3A_65 : memref<1x128x128xf32, #tpu.memory_space<vmem>> -> memref<128x128xf32, #tpu.memory_space<vmem>>
      %dma_wait3A_67 = arith.constant 0 : i32
      %dma_wait3A_68 = tpu.memref_slice %arg8[%add3A_29, %dma_wait3A_67] : memref<40x128xi32, #tpu.memory_space<vmem>> -> memref<1x128xi32, #tpu.memory_space<vmem>>
      %dma_wait3A_69 = tpu.memref_squeeze %dma_wait3A_68 : memref<1x128xi32, #tpu.memory_space<vmem>> -> memref<128xi32, #tpu.memory_space<vmem>>
      %dma_wait3A_70 = arith.constant 0 : i32
      %dma_wait3A_71 = arith.constant 0 : i32
      %dma_wait3A_72 = tpu.memref_slice %arg2[%dma_wait3A_70, %dma_wait3A_71] : memref<30000x128xf32, #tpu.memory_space<hbm>> -> memref<30000x128xf32, #tpu.memory_space<hbm>>
      tpu.wait_indirect_dma semaphore(%arg12 : memref<!tpu.dma_semaphore, #tpu.memory_space<semaphore_mem>>) src(%dma_wait3A_72 : memref<30000x128xf32, #tpu.memory_space<hbm>>) dst(%dma_wait3A_66 : memref<128x128xf32, #tpu.memory_space<vmem>>)
      %add3A_73 = arith.constant 1 : i32
      %add3A_74 = arith.addi %mul3A_17, %add3A_73 : i32
      %dma_start3A_75 = arith.constant 1 : i32
      %dma_start3A_76 = arith.constant 0 : i32
      %dma_start3A_77 = arith.constant 0 : i32
      %dma_start3A_78 = tpu.memref_slice %arg10[%dma_start3A_75, %dma_start3A_76, %dma_start3A_77] : memref<2x128x128xf32, #tpu.memory_space<vmem>> -> memref<1x128x128xf32, #tpu.memory_space<vmem>>
      %dma_start3A_79 = tpu.memref_squeeze %dma_start3A_78 : memref<1x128x128xf32, #tpu.memory_space<vmem>> -> memref<128x128xf32, #tpu.memory_space<vmem>>
      %dma_start3A_80 = arith.constant 0 : i32
      %dma_start3A_81 = tpu.memref_slice %arg9[%add3A_74, %dma_start3A_80] : memref<40x128xi32, #tpu.memory_space<vmem>> -> memref<1x128xi32, #tpu.memory_space<vmem>>
      %dma_start3A_82 = tpu.memref_squeeze %dma_start3A_81 : memref<1x128xi32, #tpu.memory_space<vmem>> -> memref<128xi32, #tpu.memory_space<vmem>>
      %dma_start3A_83 = arith.constant 0 : i32
      %dma_start3A_84 = arith.constant 0 : i32
      %dma_start3A_85 = tpu.memref_slice %arg7[%dma_start3A_83, %dma_start3A_84] : memref<10240x128xf32, #tpu.memory_space<vmem_shared>> -> memref<10240x128xf32, #tpu.memory_space<vmem_shared>>
      tpu.enqueue_indirect_dma source(%dma_start3A_79 : memref<128x128xf32, #tpu.memory_space<vmem>>) target(%dma_start3A_85 : memref<10240x128xf32, #tpu.memory_space<vmem_shared>>) offsets(%dma_start3A_82 : memref<128xi32, #tpu.memory_space<vmem>>) semaphore(%arg14 : memref<!tpu.dma_semaphore, #tpu.memory_space<semaphore_mem>>) {add = true}
      %dma_wait3A_86 = arith.constant 0 : i32
      %dma_wait3A_87 = arith.constant 0 : i32
      %dma_wait3A_88 = arith.constant 0 : i32
      %dma_wait3A_89 = tpu.memref_slice %arg10[%dma_wait3A_86, %dma_wait3A_87, %dma_wait3A_88] : memref<2x128x128xf32, #tpu.memory_space<vmem>> -> memref<1x128x128xf32, #tpu.memory_space<vmem>>
      %dma_wait3A_90 = tpu.memref_squeeze %dma_wait3A_89 : memref<1x128x128xf32, #tpu.memory_space<vmem>> -> memref<128x128xf32, #tpu.memory_space<vmem>>
      %dma_wait3A_91 = arith.constant 0 : i32
      %dma_wait3A_92 = tpu.memref_slice %arg9[%mul3A_17, %dma_wait3A_91] : memref<40x128xi32, #tpu.memory_space<vmem>> -> memref<1x128xi32, #tpu.memory_space<vmem>>
      %dma_wait3A_93 = tpu.memref_squeeze %dma_wait3A_92 : memref<1x128xi32, #tpu.memory_space<vmem>> -> memref<128xi32, #tpu.memory_space<vmem>>
      %dma_wait3A_94 = arith.constant 0 : i32
      %dma_wait3A_95 = arith.constant 0 : i32
      %dma_wait3A_96 = tpu.memref_slice %arg7[%dma_wait3A_94, %dma_wait3A_95] : memref<10240x128xf32, #tpu.memory_space<vmem_shared>> -> memref<10240x128xf32, #tpu.memory_space<vmem_shared>>
      tpu.wait_indirect_dma semaphore(%arg13 : memref<!tpu.dma_semaphore, #tpu.memory_space<semaphore_mem>>) src(%dma_wait3A_90 : memref<128x128xf32, #tpu.memory_space<vmem>>) dst(%dma_wait3A_96 : memref<10240x128xf32, #tpu.memory_space<vmem_shared>>)
      %dma_wait3A_97 = arith.constant 1 : i32
      %dma_wait3A_98 = arith.constant 0 : i32
      %dma_wait3A_99 = arith.constant 0 : i32
      %dma_wait3A_100 = tpu.memref_slice %arg10[%dma_wait3A_97, %dma_wait3A_98, %dma_wait3A_99] : memref<2x128x128xf32, #tpu.memory_space<vmem>> -> memref<1x128x128xf32, #tpu.memory_space<vmem>>
      %dma_wait3A_101 = tpu.memref_squeeze %dma_wait3A_100 : memref<1x128x128xf32, #tpu.memory_space<vmem>> -> memref<128x128xf32, #tpu.memory_space<vmem>>
      %dma_wait3A_102 = arith.constant 0 : i32
      %dma_wait3A_103 = tpu.memref_slice %arg9[%add3A_74, %dma_wait3A_102] : memref<40x128xi32, #tpu.memory_space<vmem>> -> memref<1x128xi32, #tpu.memory_space<vmem>>
      %dma_wait3A_104 = tpu.memref_squeeze %dma_wait3A_103 : memref<1x128xi32, #tpu.memory_space<vmem>> -> memref<128xi32, #tpu.memory_space<vmem>>
      %dma_wait3A_105 = arith.constant 0 : i32
      %dma_wait3A_106 = arith.constant 0 : i32
      %dma_wait3A_107 = tpu.memref_slice %arg7[%dma_wait3A_105, %dma_wait3A_106] : memref<10240x128xf32, #tpu.memory_space<vmem_shared>> -> memref<10240x128xf32, #tpu.memory_space<vmem_shared>>
      tpu.wait_indirect_dma semaphore(%arg14 : memref<!tpu.dma_semaphore, #tpu.memory_space<semaphore_mem>>) src(%dma_wait3A_101 : memref<128x128xf32, #tpu.memory_space<vmem>>) dst(%dma_wait3A_107 : memref<10240x128xf32, #tpu.memory_space<vmem_shared>>)
    }
    %scan3A_7 = arith.constant 20 : i32
    %barrier3A_8 = arith.constant 0 : index
    tpu.barrier barrier_id(%barrier3A_8)
    %mul3A_9 = arith.constant 624 : i32
    %mul3A_10 = arith.muli %arg1, %mul3A_9 : i32
    %mul3A_11 = arith.constant 624 : i32
    %mul3A_12 = arith.muli %arg1, %mul3A_11 : i32
    "tpu.region"() ({
      %run_scoped3A_15 = tpu.sem_alloc : memref<!tpu.dma_semaphore, #tpu.memory_space<semaphore_mem>>
      %dma_start3A = arith.constant 0 : i32
      %dma_start3A_16 = tpu.memref_slice %arg6[%arg0, %mul3A_12, %dma_start3A] : memref<2x10000x128xf32, #tpu.memory_space<hbm>> -> memref<1x624x128xf32, #tpu.memory_space<hbm>>
      %dma_start3A_17 = tpu.memref_squeeze %dma_start3A_16 : memref<1x624x128xf32, #tpu.memory_space<hbm>> -> memref<624x128xf32, #tpu.memory_space<hbm>>
      %dma_start3A_18 = arith.constant 0 : i32
      %dma_start3A_19 = tpu.memref_slice %arg7[%mul3A_10, %dma_start3A_18] : memref<10240x128xf32, #tpu.memory_space<vmem_shared>> -> memref<624x128xf32, #tpu.memory_space<vmem_shared>>
      tpu.enqueue_dma source(%dma_start3A_19 : memref<624x128xf32, #tpu.memory_space<vmem_shared>>) target(%dma_start3A_17 : memref<624x128xf32, #tpu.memory_space<hbm>>) target_semaphore(%run_scoped3A_15 : memref<!tpu.dma_semaphore, #tpu.memory_space<semaphore_mem>>)
      %dma_wait3A = arith.constant 0 : i32
      %dma_wait3A_20 = tpu.memref_slice %arg6[%arg0, %mul3A_12, %dma_wait3A] : memref<2x10000x128xf32, #tpu.memory_space<hbm>> -> memref<1x624x128xf32, #tpu.memory_space<hbm>>
      %dma_wait3A_21 = tpu.memref_squeeze %dma_wait3A_20 : memref<1x624x128xf32, #tpu.memory_space<hbm>> -> memref<624x128xf32, #tpu.memory_space<hbm>>
      %dma_wait3A_22 = arith.constant 0 : i32
      %dma_wait3A_23 = tpu.memref_slice %arg7[%mul3A_10, %dma_wait3A_22] : memref<10240x128xf32, #tpu.memory_space<vmem_shared>> -> memref<624x128xf32, #tpu.memory_space<vmem_shared>>
      tpu.wait_dma2 semaphore(%run_scoped3A_15 : memref<!tpu.dma_semaphore, #tpu.memory_space<semaphore_mem>>) src(%dma_wait3A_23 : memref<624x128xf32, #tpu.memory_space<vmem_shared>>) dst(%dma_wait3A_21 : memref<624x128xf32, #tpu.memory_space<hbm>>)
      tpu.yield
    }) : () -> ()
    %eq3A = arith.constant 15 : i32
    %eq3A_13 = arith.cmpi eq, %arg1, %eq3A : i32
    %convert_element_type3A = arith.extui %eq3A_13 : i1 to i32
    %cond3A = arith.constant 0 : i32
    %cond3A_14 = arith.cmpi ne, %convert_element_type3A, %cond3A : i32
    scf.if %cond3A_14 {
      "tpu.region"() ({
        %run_scoped3A_15 = tpu.sem_alloc : memref<!tpu.dma_semaphore, #tpu.memory_space<semaphore_mem>>
        %dma_start3A = arith.constant 9984 : i32
        %dma_start3A_16 = arith.constant 0 : i32
        %dma_start3A_17 = tpu.memref_slice %arg6[%arg0, %dma_start3A, %dma_start3A_16] : memref<2x10000x128xf32, #tpu.memory_space<hbm>> -> memref<1x16x128xf32, #tpu.memory_space<hbm>>
        %dma_start3A_18 = tpu.memref_squeeze %dma_start3A_17 : memref<1x16x128xf32, #tpu.memory_space<hbm>> -> memref<16x128xf32, #tpu.memory_space<hbm>>
        %dma_start3A_19 = arith.constant 9984 : i32
        %dma_start3A_20 = arith.constant 0 : i32
        %dma_start3A_21 = tpu.memref_slice %arg7[%dma_start3A_19, %dma_start3A_20] : memref<10240x128xf32, #tpu.memory_space<vmem_shared>> -> memref<16x128xf32, #tpu.memory_space<vmem_shared>>
        tpu.enqueue_dma source(%dma_start3A_21 : memref<16x128xf32, #tpu.memory_space<vmem_shared>>) target(%dma_start3A_18 : memref<16x128xf32, #tpu.memory_space<hbm>>) target_semaphore(%run_scoped3A_15 : memref<!tpu.dma_semaphore, #tpu.memory_space<semaphore_mem>>)
        %dma_wait3A = arith.constant 9984 : i32
        %dma_wait3A_22 = arith.constant 0 : i32
        %dma_wait3A_23 = tpu.memref_slice %arg6[%arg0, %dma_wait3A, %dma_wait3A_22] : memref<2x10000x128xf32, #tpu.memory_space<hbm>> -> memref<1x16x128xf32, #tpu.memory_space<hbm>>
        %dma_wait3A_24 = tpu.memref_squeeze %dma_wait3A_23 : memref<1x16x128xf32, #tpu.memory_space<hbm>> -> memref<16x128xf32, #tpu.memory_space<hbm>>
        %dma_wait3A_25 = arith.constant 9984 : i32
        %dma_wait3A_26 = arith.constant 0 : i32
        %dma_wait3A_27 = tpu.memref_slice %arg7[%dma_wait3A_25, %dma_wait3A_26] : memref<10240x128xf32, #tpu.memory_space<vmem_shared>> -> memref<16x128xf32, #tpu.memory_space<vmem_shared>>
        tpu.wait_dma2 semaphore(%run_scoped3A_15 : memref<!tpu.dma_semaphore, #tpu.memory_space<semaphore_mem>>) src(%dma_wait3A_27 : memref<16x128xf32, #tpu.memory_space<vmem_shared>>) dst(%dma_wait3A_24 : memref<16x128xf32, #tpu.memory_space<hbm>>)
        tpu.yield
      }) : () -> ()
    } else {
    }
    return
  }
}

#map = affine_map<(d0, d1) -> (0, 0)>
#map1 = affine_map<(d0, d1) -> (0, 0, 0, 0)>
#map2 = affine_map<(d0, d1) -> (0, 0, 0)>
module attributes {stable_mosaic.version = 14 : i64} {
  func.func @_seg(%arg0: i32, %arg1: i32, %arg2: memref<30000x128xf32, #tpu.memory_space<hbm>>, %arg3: memref<32x1x40x128xi32, #tpu.memory_space<hbm>>, %arg4: memref<32x40x128xi32, #tpu.memory_space<hbm>>, %arg5: memref<640x128xf32, #tpu.memory_space<hbm>>, %arg6: memref<2x10000x128xf32, #tpu.memory_space<hbm>>, %arg7: memref<10240x128xf32, #tpu.memory_space<vmem_shared>>, %arg8: memref<40x128xi32, #tpu.memory_space<vmem>>, %arg9: memref<40x128xi32, #tpu.memory_space<vmem>>, %arg10: memref<2x128x128xf32, #tpu.memory_space<vmem>>, %arg11: memref<!tpu.dma_semaphore, #tpu.memory_space<semaphore_mem>>, %arg12: memref<!tpu.dma_semaphore, #tpu.memory_space<semaphore_mem>>, %arg13: memref<!tpu.dma_semaphore, #tpu.memory_space<semaphore_mem>>, %arg14: memref<!tpu.dma_semaphore, #tpu.memory_space<semaphore_mem>>) attributes {dimension_semantics = [#tpu.dimension_semantics<core_parallel>, #tpu.dimension_semantics<subcore_parallel>], iteration_bounds = array<i64: 2, 16>, scalar_prefetch = 0 : i64, scratch_operands = 8 : i64, tpu.core_type = #tpu.core_type<sc_vector_subcore>, window_params = [{transform_indices = #map}, {transform_indices = #map1}, {transform_indices = #map2}, {transform_indices = #map}, {transform_indices = #map2}]} {
    %mul3A = arith.constant 2 : i32
    %mul3A_0 = arith.muli %arg1, %mul3A : i32
    %add3A = arith.addi %mul3A_0, %arg0 : i32
    "tpu.region"() ({
      %run_scoped3A_15 = tpu.sem_alloc : memref<!tpu.dma_semaphore, #tpu.memory_space<semaphore_mem>>
      %dma_start3A = arith.constant 0 : i32
      %dma_start3A_16 = arith.constant 0 : i32
      %dma_start3A_17 = tpu.memref_slice %arg4[%add3A, %dma_start3A, %dma_start3A_16] : memref<32x40x128xi32, #tpu.memory_space<hbm>> -> memref<1x40x128xi32, #tpu.memory_space<hbm>>
      %dma_start3A_18 = tpu.memref_squeeze %dma_start3A_17 : memref<1x40x128xi32, #tpu.memory_space<hbm>> -> memref<40x128xi32, #tpu.memory_space<hbm>>
      %dma_start3A_19 = arith.constant 0 : i32
      %dma_start3A_20 = arith.constant 0 : i32
      %dma_start3A_21 = tpu.memref_slice %arg4[%add3A, %dma_start3A_19, %dma_start3A_20] : memref<32x40x128xi32, #tpu.memory_space<hbm>> -> memref<1x40x128xi32, #tpu.memory_space<hbm>>
      %dma_start3A_22 = tpu.memref_squeeze %dma_start3A_21 : memref<1x40x128xi32, #tpu.memory_space<hbm>> -> memref<40x128xi32, #tpu.memory_space<hbm>>
      tpu.enqueue_dma source(%dma_start3A_22 : memref<40x128xi32, #tpu.memory_space<hbm>>) target(%arg9 : memref<40x128xi32, #tpu.memory_space<vmem>>) target_semaphore(%run_scoped3A_15 : memref<!tpu.dma_semaphore, #tpu.memory_space<semaphore_mem>>)
      %dma_wait3A = arith.constant 0 : i32
      %dma_wait3A_23 = arith.constant 0 : i32
      %dma_wait3A_24 = tpu.memref_slice %arg4[%add3A, %dma_wait3A, %dma_wait3A_23] : memref<32x40x128xi32, #tpu.memory_space<hbm>> -> memref<1x40x128xi32, #tpu.memory_space<hbm>>
      %dma_wait3A_25 = tpu.memref_squeeze %dma_wait3A_24 : memref<1x40x128xi32, #tpu.memory_space<hbm>> -> memref<40x128xi32, #tpu.memory_space<hbm>>
      %dma_wait3A_26 = arith.constant 0 : i32
      %dma_wait3A_27 = arith.constant 0 : i32
      %dma_wait3A_28 = tpu.memref_slice %arg4[%add3A, %dma_wait3A_26, %dma_wait3A_27] : memref<32x40x128xi32, #tpu.memory_space<hbm>> -> memref<1x40x128xi32, #tpu.memory_space<hbm>>
      %dma_wait3A_29 = tpu.memref_squeeze %dma_wait3A_28 : memref<1x40x128xi32, #tpu.memory_space<hbm>> -> memref<40x128xi32, #tpu.memory_space<hbm>>
      tpu.wait_dma2 semaphore(%run_scoped3A_15 : memref<!tpu.dma_semaphore, #tpu.memory_space<semaphore_mem>>) src(%dma_wait3A_29 : memref<40x128xi32, #tpu.memory_space<hbm>>) dst(%arg9 : memref<40x128xi32, #tpu.memory_space<vmem>>)
      tpu.yield
    }) : () -> ()
    %run_scoped3A = arith.constant 0 : i32
    "tpu.region"() ({
      %run_scoped3A_15 = tpu.sem_alloc : memref<!tpu.dma_semaphore, #tpu.memory_space<semaphore_mem>>
      %dma_start3A = arith.constant 0 : i32
      %dma_start3A_16 = arith.constant 0 : i32
      %dma_start3A_17 = tpu.memref_slice %arg3[%add3A, %run_scoped3A, %dma_start3A, %dma_start3A_16] : memref<32x1x40x128xi32, #tpu.memory_space<hbm>> -> memref<1x1x40x128xi32, #tpu.memory_space<hbm>>
      %dma_start3A_18 = tpu.memref_squeeze %dma_start3A_17 : memref<1x1x40x128xi32, #tpu.memory_space<hbm>> -> memref<40x128xi32, #tpu.memory_space<hbm>>
      %dma_start3A_19 = arith.constant 0 : i32
      %dma_start3A_20 = arith.constant 0 : i32
      %dma_start3A_21 = tpu.memref_slice %arg3[%add3A, %run_scoped3A, %dma_start3A_19, %dma_start3A_20] : memref<32x1x40x128xi32, #tpu.memory_space<hbm>> -> memref<1x1x40x128xi32, #tpu.memory_space<hbm>>
      %dma_start3A_22 = tpu.memref_squeeze %dma_start3A_21 : memref<1x1x40x128xi32, #tpu.memory_space<hbm>> -> memref<40x128xi32, #tpu.memory_space<hbm>>
      tpu.enqueue_dma source(%dma_start3A_22 : memref<40x128xi32, #tpu.memory_space<hbm>>) target(%arg8 : memref<40x128xi32, #tpu.memory_space<vmem>>) target_semaphore(%run_scoped3A_15 : memref<!tpu.dma_semaphore, #tpu.memory_space<semaphore_mem>>)
      %dma_wait3A = arith.constant 0 : i32
      %dma_wait3A_23 = arith.constant 0 : i32
      %dma_wait3A_24 = tpu.memref_slice %arg3[%add3A, %run_scoped3A, %dma_wait3A, %dma_wait3A_23] : memref<32x1x40x128xi32, #tpu.memory_space<hbm>> -> memref<1x1x40x128xi32, #tpu.memory_space<hbm>>
      %dma_wait3A_25 = tpu.memref_squeeze %dma_wait3A_24 : memref<1x1x40x128xi32, #tpu.memory_space<hbm>> -> memref<40x128xi32, #tpu.memory_space<hbm>>
      %dma_wait3A_26 = arith.constant 0 : i32
      %dma_wait3A_27 = arith.constant 0 : i32
      %dma_wait3A_28 = tpu.memref_slice %arg3[%add3A, %run_scoped3A, %dma_wait3A_26, %dma_wait3A_27] : memref<32x1x40x128xi32, #tpu.memory_space<hbm>> -> memref<1x1x40x128xi32, #tpu.memory_space<hbm>>
      %dma_wait3A_29 = tpu.memref_squeeze %dma_wait3A_28 : memref<1x1x40x128xi32, #tpu.memory_space<hbm>> -> memref<40x128xi32, #tpu.memory_space<hbm>>
      tpu.wait_dma2 semaphore(%run_scoped3A_15 : memref<!tpu.dma_semaphore, #tpu.memory_space<semaphore_mem>>) src(%dma_wait3A_29 : memref<40x128xi32, #tpu.memory_space<hbm>>) dst(%arg8 : memref<40x128xi32, #tpu.memory_space<vmem>>)
      tpu.yield
    }) : () -> ()
    %mul3A_1 = arith.constant 640 : i32
    %mul3A_2 = arith.muli %arg1, %mul3A_1 : i32
    "tpu.region"() ({
      %run_scoped3A_15 = tpu.sem_alloc : memref<!tpu.dma_semaphore, #tpu.memory_space<semaphore_mem>>
      %dma_start3A = arith.constant 0 : i32
      %dma_start3A_16 = tpu.memref_slice %arg7[%mul3A_2, %dma_start3A] : memref<10240x128xf32, #tpu.memory_space<vmem_shared>> -> memref<640x128xf32, #tpu.memory_space<vmem_shared>>
      tpu.enqueue_dma source(%arg5 : memref<640x128xf32, #tpu.memory_space<hbm>>) target(%dma_start3A_16 : memref<640x128xf32, #tpu.memory_space<vmem_shared>>) target_semaphore(%run_scoped3A_15 : memref<!tpu.dma_semaphore, #tpu.memory_space<semaphore_mem>>)
      %dma_wait3A = arith.constant 0 : i32
      %dma_wait3A_17 = tpu.memref_slice %arg7[%mul3A_2, %dma_wait3A] : memref<10240x128xf32, #tpu.memory_space<vmem_shared>> -> memref<640x128xf32, #tpu.memory_space<vmem_shared>>
      tpu.wait_dma2 semaphore(%run_scoped3A_15 : memref<!tpu.dma_semaphore, #tpu.memory_space<semaphore_mem>>) src(%arg5 : memref<640x128xf32, #tpu.memory_space<hbm>>) dst(%dma_wait3A_17 : memref<640x128xf32, #tpu.memory_space<vmem_shared>>)
      tpu.yield
    }) : () -> ()
    %barrier3A = arith.constant 0 : index
    tpu.barrier barrier_id(%barrier3A)
    %scan3A = arith.constant 0 : i32
    %scan3A_3 = arith.constant 0 : i32
    %scan3A_4 = arith.constant 20 : i32
    %scan3A_5 = arith.addi %scan3A_3, %scan3A_4 : i32
    %scan3A_6 = arith.constant 1 : i32
    scf.for %scan3A_15 = %scan3A_3 to %scan3A_5 step %scan3A_6  : i32 {
      %mul3A_16 = arith.constant 2 : i32
      %mul3A_17 = arith.muli %mul3A_16, %scan3A_15 : i32
      %dma_start3A = arith.constant 0 : i32
      %dma_start3A_18 = arith.constant 0 : i32
      %dma_start3A_19 = arith.constant 0 : i32
      %dma_start3A_20 = tpu.memref_slice %arg10[%dma_start3A, %dma_start3A_18, %dma_start3A_19] : memref<2x128x128xf32, #tpu.memory_space<vmem>> -> memref<1x128x128xf32, #tpu.memory_space<vmem>>
      %dma_start3A_21 = tpu.memref_squeeze %dma_start3A_20 : memref<1x128x128xf32, #tpu.memory_space<vmem>> -> memref<128x128xf32, #tpu.memory_space<vmem>>
      %dma_start3A_22 = arith.constant 0 : i32
      %dma_start3A_23 = tpu.memref_slice %arg8[%mul3A_17, %dma_start3A_22] : memref<40x128xi32, #tpu.memory_space<vmem>> -> memref<1x128xi32, #tpu.memory_space<vmem>>
      %dma_start3A_24 = tpu.memref_squeeze %dma_start3A_23 : memref<1x128xi32, #tpu.memory_space<vmem>> -> memref<128xi32, #tpu.memory_space<vmem>>
      %dma_start3A_25 = arith.constant 0 : i32
      %dma_start3A_26 = arith.constant 0 : i32
      %dma_start3A_27 = tpu.memref_slice %arg2[%dma_start3A_25, %dma_start3A_26] : memref<30000x128xf32, #tpu.memory_space<hbm>> -> memref<30000x128xf32, #tpu.memory_space<hbm>>
      tpu.enqueue_indirect_dma source(%dma_start3A_27 : memref<30000x128xf32, #tpu.memory_space<hbm>>) target(%dma_start3A_21 : memref<128x128xf32, #tpu.memory_space<vmem>>) offsets(%dma_start3A_24 : memref<128xi32, #tpu.memory_space<vmem>>) semaphore(%arg11 : memref<!tpu.dma_semaphore, #tpu.memory_space<semaphore_mem>>)
      %add3A_28 = arith.constant 1 : i32
      %add3A_29 = arith.addi %mul3A_17, %add3A_28 : i32
      %dma_start3A_30 = arith.constant 1 : i32
      %dma_start3A_31 = arith.constant 0 : i32
      %dma_start3A_32 = arith.constant 0 : i32
      %dma_start3A_33 = tpu.memref_slice %arg10[%dma_start3A_30, %dma_start3A_31, %dma_start3A_32] : memref<2x128x128xf32, #tpu.memory_space<vmem>> -> memref<1x128x128xf32, #tpu.memory_space<vmem>>
      %dma_start3A_34 = tpu.memref_squeeze %dma_start3A_33 : memref<1x128x128xf32, #tpu.memory_space<vmem>> -> memref<128x128xf32, #tpu.memory_space<vmem>>
      %dma_start3A_35 = arith.constant 0 : i32
      %dma_start3A_36 = tpu.memref_slice %arg8[%add3A_29, %dma_start3A_35] : memref<40x128xi32, #tpu.memory_space<vmem>> -> memref<1x128xi32, #tpu.memory_space<vmem>>
      %dma_start3A_37 = tpu.memref_squeeze %dma_start3A_36 : memref<1x128xi32, #tpu.memory_space<vmem>> -> memref<128xi32, #tpu.memory_space<vmem>>
      %dma_start3A_38 = arith.constant 0 : i32
      %dma_start3A_39 = arith.constant 0 : i32
      %dma_start3A_40 = tpu.memref_slice %arg2[%dma_start3A_38, %dma_start3A_39] : memref<30000x128xf32, #tpu.memory_space<hbm>> -> memref<30000x128xf32, #tpu.memory_space<hbm>>
      tpu.enqueue_indirect_dma source(%dma_start3A_40 : memref<30000x128xf32, #tpu.memory_space<hbm>>) target(%dma_start3A_34 : memref<128x128xf32, #tpu.memory_space<vmem>>) offsets(%dma_start3A_37 : memref<128xi32, #tpu.memory_space<vmem>>) semaphore(%arg12 : memref<!tpu.dma_semaphore, #tpu.memory_space<semaphore_mem>>)
      %dma_wait3A = arith.constant 0 : i32
      %dma_wait3A_41 = arith.constant 0 : i32
      %dma_wait3A_42 = arith.constant 0 : i32
      %dma_wait3A_43 = tpu.memref_slice %arg10[%dma_wait3A, %dma_wait3A_41, %dma_wait3A_42] : memref<2x128x128xf32, #tpu.memory_space<vmem>> -> memref<1x128x128xf32, #tpu.memory_space<vmem>>
      %dma_wait3A_44 = tpu.memref_squeeze %dma_wait3A_43 : memref<1x128x128xf32, #tpu.memory_space<vmem>> -> memref<128x128xf32, #tpu.memory_space<vmem>>
      %dma_wait3A_45 = arith.constant 0 : i32
      %dma_wait3A_46 = tpu.memref_slice %arg8[%mul3A_17, %dma_wait3A_45] : memref<40x128xi32, #tpu.memory_space<vmem>> -> memref<1x128xi32, #tpu.memory_space<vmem>>
      %dma_wait3A_47 = tpu.memref_squeeze %dma_wait3A_46 : memref<1x128xi32, #tpu.memory_space<vmem>> -> memref<128xi32, #tpu.memory_space<vmem>>
      %dma_wait3A_48 = arith.constant 0 : i32
      %dma_wait3A_49 = arith.constant 0 : i32
      %dma_wait3A_50 = tpu.memref_slice %arg2[%dma_wait3A_48, %dma_wait3A_49] : memref<30000x128xf32, #tpu.memory_space<hbm>> -> memref<30000x128xf32, #tpu.memory_space<hbm>>
      tpu.wait_indirect_dma semaphore(%arg11 : memref<!tpu.dma_semaphore, #tpu.memory_space<semaphore_mem>>) src(%dma_wait3A_50 : memref<30000x128xf32, #tpu.memory_space<hbm>>) dst(%dma_wait3A_44 : memref<128x128xf32, #tpu.memory_space<vmem>>)
      %dma_start3A_51 = arith.constant 0 : i32
      %dma_start3A_52 = arith.constant 0 : i32
      %dma_start3A_53 = arith.constant 0 : i32
      %dma_start3A_54 = tpu.memref_slice %arg10[%dma_start3A_51, %dma_start3A_52, %dma_start3A_53] : memref<2x128x128xf32, #tpu.memory_space<vmem>> -> memref<1x128x128xf32, #tpu.memory_space<vmem>>
      %dma_start3A_55 = tpu.memref_squeeze %dma_start3A_54 : memref<1x128x128xf32, #tpu.memory_space<vmem>> -> memref<128x128xf32, #tpu.memory_space<vmem>>
      %dma_start3A_56 = arith.constant 0 : i32
      %dma_start3A_57 = tpu.memref_slice %arg9[%mul3A_17, %dma_start3A_56] : memref<40x128xi32, #tpu.memory_space<vmem>> -> memref<1x128xi32, #tpu.memory_space<vmem>>
      %dma_start3A_58 = tpu.memref_squeeze %dma_start3A_57 : memref<1x128xi32, #tpu.memory_space<vmem>> -> memref<128xi32, #tpu.memory_space<vmem>>
      %dma_start3A_59 = arith.constant 0 : i32
      %dma_start3A_60 = arith.constant 0 : i32
      %dma_start3A_61 = tpu.memref_slice %arg7[%dma_start3A_59, %dma_start3A_60] : memref<10240x128xf32, #tpu.memory_space<vmem_shared>> -> memref<10240x128xf32, #tpu.memory_space<vmem_shared>>
      tpu.enqueue_indirect_dma source(%dma_start3A_55 : memref<128x128xf32, #tpu.memory_space<vmem>>) target(%dma_start3A_61 : memref<10240x128xf32, #tpu.memory_space<vmem_shared>>) offsets(%dma_start3A_58 : memref<128xi32, #tpu.memory_space<vmem>>) semaphore(%arg13 : memref<!tpu.dma_semaphore, #tpu.memory_space<semaphore_mem>>) {add = true}
      %dma_wait3A_62 = arith.constant 1 : i32
      %dma_wait3A_63 = arith.constant 0 : i32
      %dma_wait3A_64 = arith.constant 0 : i32
      %dma_wait3A_65 = tpu.memref_slice %arg10[%dma_wait3A_62, %dma_wait3A_63, %dma_wait3A_64] : memref<2x128x128xf32, #tpu.memory_space<vmem>> -> memref<1x128x128xf32, #tpu.memory_space<vmem>>
      %dma_wait3A_66 = tpu.memref_squeeze %dma_wait3A_65 : memref<1x128x128xf32, #tpu.memory_space<vmem>> -> memref<128x128xf32, #tpu.memory_space<vmem>>
      %dma_wait3A_67 = arith.constant 0 : i32
      %dma_wait3A_68 = tpu.memref_slice %arg8[%add3A_29, %dma_wait3A_67] : memref<40x128xi32, #tpu.memory_space<vmem>> -> memref<1x128xi32, #tpu.memory_space<vmem>>
      %dma_wait3A_69 = tpu.memref_squeeze %dma_wait3A_68 : memref<1x128xi32, #tpu.memory_space<vmem>> -> memref<128xi32, #tpu.memory_space<vmem>>
      %dma_wait3A_70 = arith.constant 0 : i32
      %dma_wait3A_71 = arith.constant 0 : i32
      %dma_wait3A_72 = tpu.memref_slice %arg2[%dma_wait3A_70, %dma_wait3A_71] : memref<30000x128xf32, #tpu.memory_space<hbm>> -> memref<30000x128xf32, #tpu.memory_space<hbm>>
      tpu.wait_indirect_dma semaphore(%arg12 : memref<!tpu.dma_semaphore, #tpu.memory_space<semaphore_mem>>) src(%dma_wait3A_72 : memref<30000x128xf32, #tpu.memory_space<hbm>>) dst(%dma_wait3A_66 : memref<128x128xf32, #tpu.memory_space<vmem>>)
      %add3A_73 = arith.constant 1 : i32
      %add3A_74 = arith.addi %mul3A_17, %add3A_73 : i32
      %dma_start3A_75 = arith.constant 1 : i32
      %dma_start3A_76 = arith.constant 0 : i32
      %dma_start3A_77 = arith.constant 0 : i32
      %dma_start3A_78 = tpu.memref_slice %arg10[%dma_start3A_75, %dma_start3A_76, %dma_start3A_77] : memref<2x128x128xf32, #tpu.memory_space<vmem>> -> memref<1x128x128xf32, #tpu.memory_space<vmem>>
      %dma_start3A_79 = tpu.memref_squeeze %dma_start3A_78 : memref<1x128x128xf32, #tpu.memory_space<vmem>> -> memref<128x128xf32, #tpu.memory_space<vmem>>
      %dma_start3A_80 = arith.constant 0 : i32
      %dma_start3A_81 = tpu.memref_slice %arg9[%add3A_74, %dma_start3A_80] : memref<40x128xi32, #tpu.memory_space<vmem>> -> memref<1x128xi32, #tpu.memory_space<vmem>>
      %dma_start3A_82 = tpu.memref_squeeze %dma_start3A_81 : memref<1x128xi32, #tpu.memory_space<vmem>> -> memref<128xi32, #tpu.memory_space<vmem>>
      %dma_start3A_83 = arith.constant 0 : i32
      %dma_start3A_84 = arith.constant 0 : i32
      %dma_start3A_85 = tpu.memref_slice %arg7[%dma_start3A_83, %dma_start3A_84] : memref<10240x128xf32, #tpu.memory_space<vmem_shared>> -> memref<10240x128xf32, #tpu.memory_space<vmem_shared>>
      tpu.enqueue_indirect_dma source(%dma_start3A_79 : memref<128x128xf32, #tpu.memory_space<vmem>>) target(%dma_start3A_85 : memref<10240x128xf32, #tpu.memory_space<vmem_shared>>) offsets(%dma_start3A_82 : memref<128xi32, #tpu.memory_space<vmem>>) semaphore(%arg14 : memref<!tpu.dma_semaphore, #tpu.memory_space<semaphore_mem>>) {add = true}
      %dma_wait3A_86 = arith.constant 0 : i32
      %dma_wait3A_87 = arith.constant 0 : i32
      %dma_wait3A_88 = arith.constant 0 : i32
      %dma_wait3A_89 = tpu.memref_slice %arg10[%dma_wait3A_86, %dma_wait3A_87, %dma_wait3A_88] : memref<2x128x128xf32, #tpu.memory_space<vmem>> -> memref<1x128x128xf32, #tpu.memory_space<vmem>>
      %dma_wait3A_90 = tpu.memref_squeeze %dma_wait3A_89 : memref<1x128x128xf32, #tpu.memory_space<vmem>> -> memref<128x128xf32, #tpu.memory_space<vmem>>
      %dma_wait3A_91 = arith.constant 0 : i32
      %dma_wait3A_92 = tpu.memref_slice %arg9[%mul3A_17, %dma_wait3A_91] : memref<40x128xi32, #tpu.memory_space<vmem>> -> memref<1x128xi32, #tpu.memory_space<vmem>>
      %dma_wait3A_93 = tpu.memref_squeeze %dma_wait3A_92 : memref<1x128xi32, #tpu.memory_space<vmem>> -> memref<128xi32, #tpu.memory_space<vmem>>
      %dma_wait3A_94 = arith.constant 0 : i32
      %dma_wait3A_95 = arith.constant 0 : i32
      %dma_wait3A_96 = tpu.memref_slice %arg7[%dma_wait3A_94, %dma_wait3A_95] : memref<10240x128xf32, #tpu.memory_space<vmem_shared>> -> memref<10240x128xf32, #tpu.memory_space<vmem_shared>>
      tpu.wait_indirect_dma semaphore(%arg13 : memref<!tpu.dma_semaphore, #tpu.memory_space<semaphore_mem>>) src(%dma_wait3A_90 : memref<128x128xf32, #tpu.memory_space<vmem>>) dst(%dma_wait3A_96 : memref<10240x128xf32, #tpu.memory_space<vmem_shared>>)
      %dma_wait3A_97 = arith.constant 1 : i32
      %dma_wait3A_98 = arith.constant 0 : i32
      %dma_wait3A_99 = arith.constant 0 : i32
      %dma_wait3A_100 = tpu.memref_slice %arg10[%dma_wait3A_97, %dma_wait3A_98, %dma_wait3A_99] : memref<2x128x128xf32, #tpu.memory_space<vmem>> -> memref<1x128x128xf32, #tpu.memory_space<vmem>>
      %dma_wait3A_101 = tpu.memref_squeeze %dma_wait3A_100 : memref<1x128x128xf32, #tpu.memory_space<vmem>> -> memref<128x128xf32, #tpu.memory_space<vmem>>
      %dma_wait3A_102 = arith.constant 0 : i32
      %dma_wait3A_103 = tpu.memref_slice %arg9[%add3A_74, %dma_wait3A_102] : memref<40x128xi32, #tpu.memory_space<vmem>> -> memref<1x128xi32, #tpu.memory_space<vmem>>
      %dma_wait3A_104 = tpu.memref_squeeze %dma_wait3A_103 : memref<1x128xi32, #tpu.memory_space<vmem>> -> memref<128xi32, #tpu.memory_space<vmem>>
      %dma_wait3A_105 = arith.constant 0 : i32
      %dma_wait3A_106 = arith.constant 0 : i32
      %dma_wait3A_107 = tpu.memref_slice %arg7[%dma_wait3A_105, %dma_wait3A_106] : memref<10240x128xf32, #tpu.memory_space<vmem_shared>> -> memref<10240x128xf32, #tpu.memory_space<vmem_shared>>
      tpu.wait_indirect_dma semaphore(%arg14 : memref<!tpu.dma_semaphore, #tpu.memory_space<semaphore_mem>>) src(%dma_wait3A_101 : memref<128x128xf32, #tpu.memory_space<vmem>>) dst(%dma_wait3A_107 : memref<10240x128xf32, #tpu.memory_space<vmem_shared>>)
    }
    %scan3A_7 = arith.constant 20 : i32
    %barrier3A_8 = arith.constant 0 : index
    tpu.barrier barrier_id(%barrier3A_8)
    %mul3A_9 = arith.constant 624 : i32
    %mul3A_10 = arith.muli %arg1, %mul3A_9 : i32
    %mul3A_11 = arith.constant 624 : i32
    %mul3A_12 = arith.muli %arg1, %mul3A_11 : i32
    "tpu.region"() ({
      %run_scoped3A_15 = tpu.sem_alloc : memref<!tpu.dma_semaphore, #tpu.memory_space<semaphore_mem>>
      %dma_start3A = arith.constant 0 : i32
      %dma_start3A_16 = tpu.memref_slice %arg6[%arg0, %mul3A_12, %dma_start3A] : memref<2x10000x128xf32, #tpu.memory_space<hbm>> -> memref<1x624x128xf32, #tpu.memory_space<hbm>>
      %dma_start3A_17 = tpu.memref_squeeze %dma_start3A_16 : memref<1x624x128xf32, #tpu.memory_space<hbm>> -> memref<624x128xf32, #tpu.memory_space<hbm>>
      %dma_start3A_18 = arith.constant 0 : i32
      %dma_start3A_19 = tpu.memref_slice %arg7[%mul3A_10, %dma_start3A_18] : memref<10240x128xf32, #tpu.memory_space<vmem_shared>> -> memref<624x128xf32, #tpu.memory_space<vmem_shared>>
      tpu.enqueue_dma source(%dma_start3A_19 : memref<624x128xf32, #tpu.memory_space<vmem_shared>>) target(%dma_start3A_17 : memref<624x128xf32, #tpu.memory_space<hbm>>) target_semaphore(%run_scoped3A_15 : memref<!tpu.dma_semaphore, #tpu.memory_space<semaphore_mem>>)
      %dma_wait3A = arith.constant 0 : i32
      %dma_wait3A_20 = tpu.memref_slice %arg6[%arg0, %mul3A_12, %dma_wait3A] : memref<2x10000x128xf32, #tpu.memory_space<hbm>> -> memref<1x624x128xf32, #tpu.memory_space<hbm>>
      %dma_wait3A_21 = tpu.memref_squeeze %dma_wait3A_20 : memref<1x624x128xf32, #tpu.memory_space<hbm>> -> memref<624x128xf32, #tpu.memory_space<hbm>>
      %dma_wait3A_22 = arith.constant 0 : i32
      %dma_wait3A_23 = tpu.memref_slice %arg7[%mul3A_10, %dma_wait3A_22] : memref<10240x128xf32, #tpu.memory_space<vmem_shared>> -> memref<624x128xf32, #tpu.memory_space<vmem_shared>>
      tpu.wait_dma2 semaphore(%run_scoped3A_15 : memref<!tpu.dma_semaphore, #tpu.memory_space<semaphore_mem>>) src(%dma_wait3A_23 : memref<624x128xf32, #tpu.memory_space<vmem_shared>>) dst(%dma_wait3A_21 : memref<624x128xf32, #tpu.memory_space<hbm>>)
      tpu.yield
    }) : () -> ()
    %eq3A = arith.constant 15 : i32
    %eq3A_13 = arith.cmpi eq, %arg1, %eq3A : i32
    %convert_element_type3A = arith.extui %eq3A_13 : i1 to i32
    %cond3A = arith.constant 0 : i32
    %cond3A_14 = arith.cmpi ne, %convert_element_type3A, %cond3A : i32
    scf.if %cond3A_14 {
      "tpu.region"() ({
        %run_scoped3A_15 = tpu.sem_alloc : memref<!tpu.dma_semaphore, #tpu.memory_space<semaphore_mem>>
        %dma_start3A = arith.constant 9984 : i32
        %dma_start3A_16 = arith.constant 0 : i32
        %dma_start3A_17 = tpu.memref_slice %arg6[%arg0, %dma_start3A, %dma_start3A_16] : memref<2x10000x128xf32, #tpu.memory_space<hbm>> -> memref<1x16x128xf32, #tpu.memory_space<hbm>>
        %dma_start3A_18 = tpu.memref_squeeze %dma_start3A_17 : memref<1x16x128xf32, #tpu.memory_space<hbm>> -> memref<16x128xf32, #tpu.memory_space<hbm>>
        %dma_start3A_19 = arith.constant 9984 : i32
        %dma_start3A_20 = arith.constant 0 : i32
        %dma_start3A_21 = tpu.memref_slice %arg7[%dma_start3A_19, %dma_start3A_20] : memref<10240x128xf32, #tpu.memory_space<vmem_shared>> -> memref<16x128xf32, #tpu.memory_space<vmem_shared>>
        tpu.enqueue_dma source(%dma_start3A_21 : memref<16x128xf32, #tpu.memory_space<vmem_shared>>) target(%dma_start3A_18 : memref<16x128xf32, #tpu.memory_space<hbm>>) target_semaphore(%run_scoped3A_15 : memref<!tpu.dma_semaphore, #tpu.memory_space<semaphore_mem>>)
        %dma_wait3A = arith.constant 9984 : i32
        %dma_wait3A_22 = arith.constant 0 : i32
        %dma_wait3A_23 = tpu.memref_slice %arg6[%arg0, %dma_wait3A, %dma_wait3A_22] : memref<2x10000x128xf32, #tpu.memory_space<hbm>> -> memref<1x16x128xf32, #tpu.memory_space<hbm>>
        %dma_wait3A_24 = tpu.memref_squeeze %dma_wait3A_23 : memref<1x16x128xf32, #tpu.memory_space<hbm>> -> memref<16x128xf32, #tpu.memory_space<hbm>>
        %dma_wait3A_25 = arith.constant 9984 : i32
        %dma_wait3A_26 = arith.constant 0 : i32
        %dma_wait3A_27 = tpu.memref_slice %arg7[%dma_wait3A_25, %dma_wait3A_26] : memref<10240x128xf32, #tpu.memory_space<vmem_shared>> -> memref<16x128xf32, #tpu.memory_space<vmem_shared>>
        tpu.wait_dma2 semaphore(%run_scoped3A_15 : memref<!tpu.dma_semaphore, #tpu.memory_space<semaphore_mem>>) src(%dma_wait3A_27 : memref<16x128xf32, #tpu.memory_space<vmem_shared>>) dst(%dma_wait3A_24 : memref<16x128xf32, #tpu.memory_space<hbm>>)
        tpu.yield
      }) : () -> ()
    } else {
    }
    return
  }
}

#map = affine_map<(d0, d1) -> (0, 0)>
#map1 = affine_map<(d0, d1) -> (0, 0, 0, 0)>
#map2 = affine_map<(d0, d1) -> (0, 0, 0)>
module attributes {stable_mosaic.version = 14 : i64} {
  func.func @_seg(%arg0: i32, %arg1: i32, %arg2: memref<10000x128xf32, #tpu.memory_space<hbm>>, %arg3: memref<32x1x40x128xi32, #tpu.memory_space<hbm>>, %arg4: memref<32x40x128xi32, #tpu.memory_space<hbm>>, %arg5: memref<640x128xf32, #tpu.memory_space<hbm>>, %arg6: memref<2x10000x128xf32, #tpu.memory_space<hbm>>, %arg7: memref<10240x128xf32, #tpu.memory_space<vmem_shared>>, %arg8: memref<40x128xi32, #tpu.memory_space<vmem>>, %arg9: memref<40x128xi32, #tpu.memory_space<vmem>>, %arg10: memref<2x128x128xf32, #tpu.memory_space<vmem>>, %arg11: memref<!tpu.dma_semaphore, #tpu.memory_space<semaphore_mem>>, %arg12: memref<!tpu.dma_semaphore, #tpu.memory_space<semaphore_mem>>, %arg13: memref<!tpu.dma_semaphore, #tpu.memory_space<semaphore_mem>>, %arg14: memref<!tpu.dma_semaphore, #tpu.memory_space<semaphore_mem>>) attributes {dimension_semantics = [#tpu.dimension_semantics<core_parallel>, #tpu.dimension_semantics<subcore_parallel>], iteration_bounds = array<i64: 2, 16>, scalar_prefetch = 0 : i64, scratch_operands = 8 : i64, tpu.core_type = #tpu.core_type<sc_vector_subcore>, window_params = [{transform_indices = #map}, {transform_indices = #map1}, {transform_indices = #map2}, {transform_indices = #map}, {transform_indices = #map2}]} {
    %mul3A = arith.constant 2 : i32
    %mul3A_0 = arith.muli %arg1, %mul3A : i32
    %add3A = arith.addi %mul3A_0, %arg0 : i32
    "tpu.region"() ({
      %run_scoped3A_15 = tpu.sem_alloc : memref<!tpu.dma_semaphore, #tpu.memory_space<semaphore_mem>>
      %dma_start3A = arith.constant 0 : i32
      %dma_start3A_16 = arith.constant 0 : i32
      %dma_start3A_17 = tpu.memref_slice %arg4[%add3A, %dma_start3A, %dma_start3A_16] : memref<32x40x128xi32, #tpu.memory_space<hbm>> -> memref<1x40x128xi32, #tpu.memory_space<hbm>>
      %dma_start3A_18 = tpu.memref_squeeze %dma_start3A_17 : memref<1x40x128xi32, #tpu.memory_space<hbm>> -> memref<40x128xi32, #tpu.memory_space<hbm>>
      %dma_start3A_19 = arith.constant 0 : i32
      %dma_start3A_20 = arith.constant 0 : i32
      %dma_start3A_21 = tpu.memref_slice %arg4[%add3A, %dma_start3A_19, %dma_start3A_20] : memref<32x40x128xi32, #tpu.memory_space<hbm>> -> memref<1x40x128xi32, #tpu.memory_space<hbm>>
      %dma_start3A_22 = tpu.memref_squeeze %dma_start3A_21 : memref<1x40x128xi32, #tpu.memory_space<hbm>> -> memref<40x128xi32, #tpu.memory_space<hbm>>
      tpu.enqueue_dma source(%dma_start3A_22 : memref<40x128xi32, #tpu.memory_space<hbm>>) target(%arg9 : memref<40x128xi32, #tpu.memory_space<vmem>>) target_semaphore(%run_scoped3A_15 : memref<!tpu.dma_semaphore, #tpu.memory_space<semaphore_mem>>)
      %dma_wait3A = arith.constant 0 : i32
      %dma_wait3A_23 = arith.constant 0 : i32
      %dma_wait3A_24 = tpu.memref_slice %arg4[%add3A, %dma_wait3A, %dma_wait3A_23] : memref<32x40x128xi32, #tpu.memory_space<hbm>> -> memref<1x40x128xi32, #tpu.memory_space<hbm>>
      %dma_wait3A_25 = tpu.memref_squeeze %dma_wait3A_24 : memref<1x40x128xi32, #tpu.memory_space<hbm>> -> memref<40x128xi32, #tpu.memory_space<hbm>>
      %dma_wait3A_26 = arith.constant 0 : i32
      %dma_wait3A_27 = arith.constant 0 : i32
      %dma_wait3A_28 = tpu.memref_slice %arg4[%add3A, %dma_wait3A_26, %dma_wait3A_27] : memref<32x40x128xi32, #tpu.memory_space<hbm>> -> memref<1x40x128xi32, #tpu.memory_space<hbm>>
      %dma_wait3A_29 = tpu.memref_squeeze %dma_wait3A_28 : memref<1x40x128xi32, #tpu.memory_space<hbm>> -> memref<40x128xi32, #tpu.memory_space<hbm>>
      tpu.wait_dma2 semaphore(%run_scoped3A_15 : memref<!tpu.dma_semaphore, #tpu.memory_space<semaphore_mem>>) src(%dma_wait3A_29 : memref<40x128xi32, #tpu.memory_space<hbm>>) dst(%arg9 : memref<40x128xi32, #tpu.memory_space<vmem>>)
      tpu.yield
    }) : () -> ()
    %run_scoped3A = arith.constant 0 : i32
    "tpu.region"() ({
      %run_scoped3A_15 = tpu.sem_alloc : memref<!tpu.dma_semaphore, #tpu.memory_space<semaphore_mem>>
      %dma_start3A = arith.constant 0 : i32
      %dma_start3A_16 = arith.constant 0 : i32
      %dma_start3A_17 = tpu.memref_slice %arg3[%add3A, %run_scoped3A, %dma_start3A, %dma_start3A_16] : memref<32x1x40x128xi32, #tpu.memory_space<hbm>> -> memref<1x1x40x128xi32, #tpu.memory_space<hbm>>
      %dma_start3A_18 = tpu.memref_squeeze %dma_start3A_17 : memref<1x1x40x128xi32, #tpu.memory_space<hbm>> -> memref<40x128xi32, #tpu.memory_space<hbm>>
      %dma_start3A_19 = arith.constant 0 : i32
      %dma_start3A_20 = arith.constant 0 : i32
      %dma_start3A_21 = tpu.memref_slice %arg3[%add3A, %run_scoped3A, %dma_start3A_19, %dma_start3A_20] : memref<32x1x40x128xi32, #tpu.memory_space<hbm>> -> memref<1x1x40x128xi32, #tpu.memory_space<hbm>>
      %dma_start3A_22 = tpu.memref_squeeze %dma_start3A_21 : memref<1x1x40x128xi32, #tpu.memory_space<hbm>> -> memref<40x128xi32, #tpu.memory_space<hbm>>
      tpu.enqueue_dma source(%dma_start3A_22 : memref<40x128xi32, #tpu.memory_space<hbm>>) target(%arg8 : memref<40x128xi32, #tpu.memory_space<vmem>>) target_semaphore(%run_scoped3A_15 : memref<!tpu.dma_semaphore, #tpu.memory_space<semaphore_mem>>)
      %dma_wait3A = arith.constant 0 : i32
      %dma_wait3A_23 = arith.constant 0 : i32
      %dma_wait3A_24 = tpu.memref_slice %arg3[%add3A, %run_scoped3A, %dma_wait3A, %dma_wait3A_23] : memref<32x1x40x128xi32, #tpu.memory_space<hbm>> -> memref<1x1x40x128xi32, #tpu.memory_space<hbm>>
      %dma_wait3A_25 = tpu.memref_squeeze %dma_wait3A_24 : memref<1x1x40x128xi32, #tpu.memory_space<hbm>> -> memref<40x128xi32, #tpu.memory_space<hbm>>
      %dma_wait3A_26 = arith.constant 0 : i32
      %dma_wait3A_27 = arith.constant 0 : i32
      %dma_wait3A_28 = tpu.memref_slice %arg3[%add3A, %run_scoped3A, %dma_wait3A_26, %dma_wait3A_27] : memref<32x1x40x128xi32, #tpu.memory_space<hbm>> -> memref<1x1x40x128xi32, #tpu.memory_space<hbm>>
      %dma_wait3A_29 = tpu.memref_squeeze %dma_wait3A_28 : memref<1x1x40x128xi32, #tpu.memory_space<hbm>> -> memref<40x128xi32, #tpu.memory_space<hbm>>
      tpu.wait_dma2 semaphore(%run_scoped3A_15 : memref<!tpu.dma_semaphore, #tpu.memory_space<semaphore_mem>>) src(%dma_wait3A_29 : memref<40x128xi32, #tpu.memory_space<hbm>>) dst(%arg8 : memref<40x128xi32, #tpu.memory_space<vmem>>)
      tpu.yield
    }) : () -> ()
    %mul3A_1 = arith.constant 640 : i32
    %mul3A_2 = arith.muli %arg1, %mul3A_1 : i32
    "tpu.region"() ({
      %run_scoped3A_15 = tpu.sem_alloc : memref<!tpu.dma_semaphore, #tpu.memory_space<semaphore_mem>>
      %dma_start3A = arith.constant 0 : i32
      %dma_start3A_16 = tpu.memref_slice %arg7[%mul3A_2, %dma_start3A] : memref<10240x128xf32, #tpu.memory_space<vmem_shared>> -> memref<640x128xf32, #tpu.memory_space<vmem_shared>>
      tpu.enqueue_dma source(%arg5 : memref<640x128xf32, #tpu.memory_space<hbm>>) target(%dma_start3A_16 : memref<640x128xf32, #tpu.memory_space<vmem_shared>>) target_semaphore(%run_scoped3A_15 : memref<!tpu.dma_semaphore, #tpu.memory_space<semaphore_mem>>)
      %dma_wait3A = arith.constant 0 : i32
      %dma_wait3A_17 = tpu.memref_slice %arg7[%mul3A_2, %dma_wait3A] : memref<10240x128xf32, #tpu.memory_space<vmem_shared>> -> memref<640x128xf32, #tpu.memory_space<vmem_shared>>
      tpu.wait_dma2 semaphore(%run_scoped3A_15 : memref<!tpu.dma_semaphore, #tpu.memory_space<semaphore_mem>>) src(%arg5 : memref<640x128xf32, #tpu.memory_space<hbm>>) dst(%dma_wait3A_17 : memref<640x128xf32, #tpu.memory_space<vmem_shared>>)
      tpu.yield
    }) : () -> ()
    %barrier3A = arith.constant 0 : index
    tpu.barrier barrier_id(%barrier3A)
    %scan3A = arith.constant 0 : i32
    %scan3A_3 = arith.constant 0 : i32
    %scan3A_4 = arith.constant 20 : i32
    %scan3A_5 = arith.addi %scan3A_3, %scan3A_4 : i32
    %scan3A_6 = arith.constant 1 : i32
    scf.for %scan3A_15 = %scan3A_3 to %scan3A_5 step %scan3A_6  : i32 {
      %mul3A_16 = arith.constant 2 : i32
      %mul3A_17 = arith.muli %mul3A_16, %scan3A_15 : i32
      %dma_start3A = arith.constant 0 : i32
      %dma_start3A_18 = arith.constant 0 : i32
      %dma_start3A_19 = arith.constant 0 : i32
      %dma_start3A_20 = tpu.memref_slice %arg10[%dma_start3A, %dma_start3A_18, %dma_start3A_19] : memref<2x128x128xf32, #tpu.memory_space<vmem>> -> memref<1x128x128xf32, #tpu.memory_space<vmem>>
      %dma_start3A_21 = tpu.memref_squeeze %dma_start3A_20 : memref<1x128x128xf32, #tpu.memory_space<vmem>> -> memref<128x128xf32, #tpu.memory_space<vmem>>
      %dma_start3A_22 = arith.constant 0 : i32
      %dma_start3A_23 = tpu.memref_slice %arg8[%mul3A_17, %dma_start3A_22] : memref<40x128xi32, #tpu.memory_space<vmem>> -> memref<1x128xi32, #tpu.memory_space<vmem>>
      %dma_start3A_24 = tpu.memref_squeeze %dma_start3A_23 : memref<1x128xi32, #tpu.memory_space<vmem>> -> memref<128xi32, #tpu.memory_space<vmem>>
      %dma_start3A_25 = arith.constant 0 : i32
      %dma_start3A_26 = arith.constant 0 : i32
      %dma_start3A_27 = tpu.memref_slice %arg2[%dma_start3A_25, %dma_start3A_26] : memref<10000x128xf32, #tpu.memory_space<hbm>> -> memref<10000x128xf32, #tpu.memory_space<hbm>>
      tpu.enqueue_indirect_dma source(%dma_start3A_27 : memref<10000x128xf32, #tpu.memory_space<hbm>>) target(%dma_start3A_21 : memref<128x128xf32, #tpu.memory_space<vmem>>) offsets(%dma_start3A_24 : memref<128xi32, #tpu.memory_space<vmem>>) semaphore(%arg11 : memref<!tpu.dma_semaphore, #tpu.memory_space<semaphore_mem>>)
      %add3A_28 = arith.constant 1 : i32
      %add3A_29 = arith.addi %mul3A_17, %add3A_28 : i32
      %dma_start3A_30 = arith.constant 1 : i32
      %dma_start3A_31 = arith.constant 0 : i32
      %dma_start3A_32 = arith.constant 0 : i32
      %dma_start3A_33 = tpu.memref_slice %arg10[%dma_start3A_30, %dma_start3A_31, %dma_start3A_32] : memref<2x128x128xf32, #tpu.memory_space<vmem>> -> memref<1x128x128xf32, #tpu.memory_space<vmem>>
      %dma_start3A_34 = tpu.memref_squeeze %dma_start3A_33 : memref<1x128x128xf32, #tpu.memory_space<vmem>> -> memref<128x128xf32, #tpu.memory_space<vmem>>
      %dma_start3A_35 = arith.constant 0 : i32
      %dma_start3A_36 = tpu.memref_slice %arg8[%add3A_29, %dma_start3A_35] : memref<40x128xi32, #tpu.memory_space<vmem>> -> memref<1x128xi32, #tpu.memory_space<vmem>>
      %dma_start3A_37 = tpu.memref_squeeze %dma_start3A_36 : memref<1x128xi32, #tpu.memory_space<vmem>> -> memref<128xi32, #tpu.memory_space<vmem>>
      %dma_start3A_38 = arith.constant 0 : i32
      %dma_start3A_39 = arith.constant 0 : i32
      %dma_start3A_40 = tpu.memref_slice %arg2[%dma_start3A_38, %dma_start3A_39] : memref<10000x128xf32, #tpu.memory_space<hbm>> -> memref<10000x128xf32, #tpu.memory_space<hbm>>
      tpu.enqueue_indirect_dma source(%dma_start3A_40 : memref<10000x128xf32, #tpu.memory_space<hbm>>) target(%dma_start3A_34 : memref<128x128xf32, #tpu.memory_space<vmem>>) offsets(%dma_start3A_37 : memref<128xi32, #tpu.memory_space<vmem>>) semaphore(%arg12 : memref<!tpu.dma_semaphore, #tpu.memory_space<semaphore_mem>>)
      %dma_wait3A = arith.constant 0 : i32
      %dma_wait3A_41 = arith.constant 0 : i32
      %dma_wait3A_42 = arith.constant 0 : i32
      %dma_wait3A_43 = tpu.memref_slice %arg10[%dma_wait3A, %dma_wait3A_41, %dma_wait3A_42] : memref<2x128x128xf32, #tpu.memory_space<vmem>> -> memref<1x128x128xf32, #tpu.memory_space<vmem>>
      %dma_wait3A_44 = tpu.memref_squeeze %dma_wait3A_43 : memref<1x128x128xf32, #tpu.memory_space<vmem>> -> memref<128x128xf32, #tpu.memory_space<vmem>>
      %dma_wait3A_45 = arith.constant 0 : i32
      %dma_wait3A_46 = tpu.memref_slice %arg8[%mul3A_17, %dma_wait3A_45] : memref<40x128xi32, #tpu.memory_space<vmem>> -> memref<1x128xi32, #tpu.memory_space<vmem>>
      %dma_wait3A_47 = tpu.memref_squeeze %dma_wait3A_46 : memref<1x128xi32, #tpu.memory_space<vmem>> -> memref<128xi32, #tpu.memory_space<vmem>>
      %dma_wait3A_48 = arith.constant 0 : i32
      %dma_wait3A_49 = arith.constant 0 : i32
      %dma_wait3A_50 = tpu.memref_slice %arg2[%dma_wait3A_48, %dma_wait3A_49] : memref<10000x128xf32, #tpu.memory_space<hbm>> -> memref<10000x128xf32, #tpu.memory_space<hbm>>
      tpu.wait_indirect_dma semaphore(%arg11 : memref<!tpu.dma_semaphore, #tpu.memory_space<semaphore_mem>>) src(%dma_wait3A_50 : memref<10000x128xf32, #tpu.memory_space<hbm>>) dst(%dma_wait3A_44 : memref<128x128xf32, #tpu.memory_space<vmem>>)
      %dma_start3A_51 = arith.constant 0 : i32
      %dma_start3A_52 = arith.constant 0 : i32
      %dma_start3A_53 = arith.constant 0 : i32
      %dma_start3A_54 = tpu.memref_slice %arg10[%dma_start3A_51, %dma_start3A_52, %dma_start3A_53] : memref<2x128x128xf32, #tpu.memory_space<vmem>> -> memref<1x128x128xf32, #tpu.memory_space<vmem>>
      %dma_start3A_55 = tpu.memref_squeeze %dma_start3A_54 : memref<1x128x128xf32, #tpu.memory_space<vmem>> -> memref<128x128xf32, #tpu.memory_space<vmem>>
      %dma_start3A_56 = arith.constant 0 : i32
      %dma_start3A_57 = tpu.memref_slice %arg9[%mul3A_17, %dma_start3A_56] : memref<40x128xi32, #tpu.memory_space<vmem>> -> memref<1x128xi32, #tpu.memory_space<vmem>>
      %dma_start3A_58 = tpu.memref_squeeze %dma_start3A_57 : memref<1x128xi32, #tpu.memory_space<vmem>> -> memref<128xi32, #tpu.memory_space<vmem>>
      %dma_start3A_59 = arith.constant 0 : i32
      %dma_start3A_60 = arith.constant 0 : i32
      %dma_start3A_61 = tpu.memref_slice %arg7[%dma_start3A_59, %dma_start3A_60] : memref<10240x128xf32, #tpu.memory_space<vmem_shared>> -> memref<10240x128xf32, #tpu.memory_space<vmem_shared>>
      tpu.enqueue_indirect_dma source(%dma_start3A_55 : memref<128x128xf32, #tpu.memory_space<vmem>>) target(%dma_start3A_61 : memref<10240x128xf32, #tpu.memory_space<vmem_shared>>) offsets(%dma_start3A_58 : memref<128xi32, #tpu.memory_space<vmem>>) semaphore(%arg13 : memref<!tpu.dma_semaphore, #tpu.memory_space<semaphore_mem>>) {add = true}
      %dma_wait3A_62 = arith.constant 1 : i32
      %dma_wait3A_63 = arith.constant 0 : i32
      %dma_wait3A_64 = arith.constant 0 : i32
      %dma_wait3A_65 = tpu.memref_slice %arg10[%dma_wait3A_62, %dma_wait3A_63, %dma_wait3A_64] : memref<2x128x128xf32, #tpu.memory_space<vmem>> -> memref<1x128x128xf32, #tpu.memory_space<vmem>>
      %dma_wait3A_66 = tpu.memref_squeeze %dma_wait3A_65 : memref<1x128x128xf32, #tpu.memory_space<vmem>> -> memref<128x128xf32, #tpu.memory_space<vmem>>
      %dma_wait3A_67 = arith.constant 0 : i32
      %dma_wait3A_68 = tpu.memref_slice %arg8[%add3A_29, %dma_wait3A_67] : memref<40x128xi32, #tpu.memory_space<vmem>> -> memref<1x128xi32, #tpu.memory_space<vmem>>
      %dma_wait3A_69 = tpu.memref_squeeze %dma_wait3A_68 : memref<1x128xi32, #tpu.memory_space<vmem>> -> memref<128xi32, #tpu.memory_space<vmem>>
      %dma_wait3A_70 = arith.constant 0 : i32
      %dma_wait3A_71 = arith.constant 0 : i32
      %dma_wait3A_72 = tpu.memref_slice %arg2[%dma_wait3A_70, %dma_wait3A_71] : memref<10000x128xf32, #tpu.memory_space<hbm>> -> memref<10000x128xf32, #tpu.memory_space<hbm>>
      tpu.wait_indirect_dma semaphore(%arg12 : memref<!tpu.dma_semaphore, #tpu.memory_space<semaphore_mem>>) src(%dma_wait3A_72 : memref<10000x128xf32, #tpu.memory_space<hbm>>) dst(%dma_wait3A_66 : memref<128x128xf32, #tpu.memory_space<vmem>>)
      %add3A_73 = arith.constant 1 : i32
      %add3A_74 = arith.addi %mul3A_17, %add3A_73 : i32
      %dma_start3A_75 = arith.constant 1 : i32
      %dma_start3A_76 = arith.constant 0 : i32
      %dma_start3A_77 = arith.constant 0 : i32
      %dma_start3A_78 = tpu.memref_slice %arg10[%dma_start3A_75, %dma_start3A_76, %dma_start3A_77] : memref<2x128x128xf32, #tpu.memory_space<vmem>> -> memref<1x128x128xf32, #tpu.memory_space<vmem>>
      %dma_start3A_79 = tpu.memref_squeeze %dma_start3A_78 : memref<1x128x128xf32, #tpu.memory_space<vmem>> -> memref<128x128xf32, #tpu.memory_space<vmem>>
      %dma_start3A_80 = arith.constant 0 : i32
      %dma_start3A_81 = tpu.memref_slice %arg9[%add3A_74, %dma_start3A_80] : memref<40x128xi32, #tpu.memory_space<vmem>> -> memref<1x128xi32, #tpu.memory_space<vmem>>
      %dma_start3A_82 = tpu.memref_squeeze %dma_start3A_81 : memref<1x128xi32, #tpu.memory_space<vmem>> -> memref<128xi32, #tpu.memory_space<vmem>>
      %dma_start3A_83 = arith.constant 0 : i32
      %dma_start3A_84 = arith.constant 0 : i32
      %dma_start3A_85 = tpu.memref_slice %arg7[%dma_start3A_83, %dma_start3A_84] : memref<10240x128xf32, #tpu.memory_space<vmem_shared>> -> memref<10240x128xf32, #tpu.memory_space<vmem_shared>>
      tpu.enqueue_indirect_dma source(%dma_start3A_79 : memref<128x128xf32, #tpu.memory_space<vmem>>) target(%dma_start3A_85 : memref<10240x128xf32, #tpu.memory_space<vmem_shared>>) offsets(%dma_start3A_82 : memref<128xi32, #tpu.memory_space<vmem>>) semaphore(%arg14 : memref<!tpu.dma_semaphore, #tpu.memory_space<semaphore_mem>>) {add = true}
      %dma_wait3A_86 = arith.constant 0 : i32
      %dma_wait3A_87 = arith.constant 0 : i32
      %dma_wait3A_88 = arith.constant 0 : i32
      %dma_wait3A_89 = tpu.memref_slice %arg10[%dma_wait3A_86, %dma_wait3A_87, %dma_wait3A_88] : memref<2x128x128xf32, #tpu.memory_space<vmem>> -> memref<1x128x128xf32, #tpu.memory_space<vmem>>
      %dma_wait3A_90 = tpu.memref_squeeze %dma_wait3A_89 : memref<1x128x128xf32, #tpu.memory_space<vmem>> -> memref<128x128xf32, #tpu.memory_space<vmem>>
      %dma_wait3A_91 = arith.constant 0 : i32
      %dma_wait3A_92 = tpu.memref_slice %arg9[%mul3A_17, %dma_wait3A_91] : memref<40x128xi32, #tpu.memory_space<vmem>> -> memref<1x128xi32, #tpu.memory_space<vmem>>
      %dma_wait3A_93 = tpu.memref_squeeze %dma_wait3A_92 : memref<1x128xi32, #tpu.memory_space<vmem>> -> memref<128xi32, #tpu.memory_space<vmem>>
      %dma_wait3A_94 = arith.constant 0 : i32
      %dma_wait3A_95 = arith.constant 0 : i32
      %dma_wait3A_96 = tpu.memref_slice %arg7[%dma_wait3A_94, %dma_wait3A_95] : memref<10240x128xf32, #tpu.memory_space<vmem_shared>> -> memref<10240x128xf32, #tpu.memory_space<vmem_shared>>
      tpu.wait_indirect_dma semaphore(%arg13 : memref<!tpu.dma_semaphore, #tpu.memory_space<semaphore_mem>>) src(%dma_wait3A_90 : memref<128x128xf32, #tpu.memory_space<vmem>>) dst(%dma_wait3A_96 : memref<10240x128xf32, #tpu.memory_space<vmem_shared>>)
      %dma_wait3A_97 = arith.constant 1 : i32
      %dma_wait3A_98 = arith.constant 0 : i32
      %dma_wait3A_99 = arith.constant 0 : i32
      %dma_wait3A_100 = tpu.memref_slice %arg10[%dma_wait3A_97, %dma_wait3A_98, %dma_wait3A_99] : memref<2x128x128xf32, #tpu.memory_space<vmem>> -> memref<1x128x128xf32, #tpu.memory_space<vmem>>
      %dma_wait3A_101 = tpu.memref_squeeze %dma_wait3A_100 : memref<1x128x128xf32, #tpu.memory_space<vmem>> -> memref<128x128xf32, #tpu.memory_space<vmem>>
      %dma_wait3A_102 = arith.constant 0 : i32
      %dma_wait3A_103 = tpu.memref_slice %arg9[%add3A_74, %dma_wait3A_102] : memref<40x128xi32, #tpu.memory_space<vmem>> -> memref<1x128xi32, #tpu.memory_space<vmem>>
      %dma_wait3A_104 = tpu.memref_squeeze %dma_wait3A_103 : memref<1x128xi32, #tpu.memory_space<vmem>> -> memref<128xi32, #tpu.memory_space<vmem>>
      %dma_wait3A_105 = arith.constant 0 : i32
      %dma_wait3A_106 = arith.constant 0 : i32
      %dma_wait3A_107 = tpu.memref_slice %arg7[%dma_wait3A_105, %dma_wait3A_106] : memref<10240x128xf32, #tpu.memory_space<vmem_shared>> -> memref<10240x128xf32, #tpu.memory_space<vmem_shared>>
      tpu.wait_indirect_dma semaphore(%arg14 : memref<!tpu.dma_semaphore, #tpu.memory_space<semaphore_mem>>) src(%dma_wait3A_101 : memref<128x128xf32, #tpu.memory_space<vmem>>) dst(%dma_wait3A_107 : memref<10240x128xf32, #tpu.memory_space<vmem_shared>>)
    }
    %scan3A_7 = arith.constant 20 : i32
    %barrier3A_8 = arith.constant 0 : index
    tpu.barrier barrier_id(%barrier3A_8)
    %mul3A_9 = arith.constant 624 : i32
    %mul3A_10 = arith.muli %arg1, %mul3A_9 : i32
    %mul3A_11 = arith.constant 624 : i32
    %mul3A_12 = arith.muli %arg1, %mul3A_11 : i32
    "tpu.region"() ({
      %run_scoped3A_15 = tpu.sem_alloc : memref<!tpu.dma_semaphore, #tpu.memory_space<semaphore_mem>>
      %dma_start3A = arith.constant 0 : i32
      %dma_start3A_16 = tpu.memref_slice %arg6[%arg0, %mul3A_12, %dma_start3A] : memref<2x10000x128xf32, #tpu.memory_space<hbm>> -> memref<1x624x128xf32, #tpu.memory_space<hbm>>
      %dma_start3A_17 = tpu.memref_squeeze %dma_start3A_16 : memref<1x624x128xf32, #tpu.memory_space<hbm>> -> memref<624x128xf32, #tpu.memory_space<hbm>>
      %dma_start3A_18 = arith.constant 0 : i32
      %dma_start3A_19 = tpu.memref_slice %arg7[%mul3A_10, %dma_start3A_18] : memref<10240x128xf32, #tpu.memory_space<vmem_shared>> -> memref<624x128xf32, #tpu.memory_space<vmem_shared>>
      tpu.enqueue_dma source(%dma_start3A_19 : memref<624x128xf32, #tpu.memory_space<vmem_shared>>) target(%dma_start3A_17 : memref<624x128xf32, #tpu.memory_space<hbm>>) target_semaphore(%run_scoped3A_15 : memref<!tpu.dma_semaphore, #tpu.memory_space<semaphore_mem>>)
      %dma_wait3A = arith.constant 0 : i32
      %dma_wait3A_20 = tpu.memref_slice %arg6[%arg0, %mul3A_12, %dma_wait3A] : memref<2x10000x128xf32, #tpu.memory_space<hbm>> -> memref<1x624x128xf32, #tpu.memory_space<hbm>>
      %dma_wait3A_21 = tpu.memref_squeeze %dma_wait3A_20 : memref<1x624x128xf32, #tpu.memory_space<hbm>> -> memref<624x128xf32, #tpu.memory_space<hbm>>
      %dma_wait3A_22 = arith.constant 0 : i32
      %dma_wait3A_23 = tpu.memref_slice %arg7[%mul3A_10, %dma_wait3A_22] : memref<10240x128xf32, #tpu.memory_space<vmem_shared>> -> memref<624x128xf32, #tpu.memory_space<vmem_shared>>
      tpu.wait_dma2 semaphore(%run_scoped3A_15 : memref<!tpu.dma_semaphore, #tpu.memory_space<semaphore_mem>>) src(%dma_wait3A_23 : memref<624x128xf32, #tpu.memory_space<vmem_shared>>) dst(%dma_wait3A_21 : memref<624x128xf32, #tpu.memory_space<hbm>>)
      tpu.yield
    }) : () -> ()
    %eq3A = arith.constant 15 : i32
    %eq3A_13 = arith.cmpi eq, %arg1, %eq3A : i32
    %convert_element_type3A = arith.extui %eq3A_13 : i1 to i32
    %cond3A = arith.constant 0 : i32
    %cond3A_14 = arith.cmpi ne, %convert_element_type3A, %cond3A : i32
    scf.if %cond3A_14 {
      "tpu.region"() ({
        %run_scoped3A_15 = tpu.sem_alloc : memref<!tpu.dma_semaphore, #tpu.memory_space<semaphore_mem>>
        %dma_start3A = arith.constant 9984 : i32
        %dma_start3A_16 = arith.constant 0 : i32
        %dma_start3A_17 = tpu.memref_slice %arg6[%arg0, %dma_start3A, %dma_start3A_16] : memref<2x10000x128xf32, #tpu.memory_space<hbm>> -> memref<1x16x128xf32, #tpu.memory_space<hbm>>
        %dma_start3A_18 = tpu.memref_squeeze %dma_start3A_17 : memref<1x16x128xf32, #tpu.memory_space<hbm>> -> memref<16x128xf32, #tpu.memory_space<hbm>>
        %dma_start3A_19 = arith.constant 9984 : i32
        %dma_start3A_20 = arith.constant 0 : i32
        %dma_start3A_21 = tpu.memref_slice %arg7[%dma_start3A_19, %dma_start3A_20] : memref<10240x128xf32, #tpu.memory_space<vmem_shared>> -> memref<16x128xf32, #tpu.memory_space<vmem_shared>>
        tpu.enqueue_dma source(%dma_start3A_21 : memref<16x128xf32, #tpu.memory_space<vmem_shared>>) target(%dma_start3A_18 : memref<16x128xf32, #tpu.memory_space<hbm>>) target_semaphore(%run_scoped3A_15 : memref<!tpu.dma_semaphore, #tpu.memory_space<semaphore_mem>>)
        %dma_wait3A = arith.constant 9984 : i32
        %dma_wait3A_22 = arith.constant 0 : i32
        %dma_wait3A_23 = tpu.memref_slice %arg6[%arg0, %dma_wait3A, %dma_wait3A_22] : memref<2x10000x128xf32, #tpu.memory_space<hbm>> -> memref<1x16x128xf32, #tpu.memory_space<hbm>>
        %dma_wait3A_24 = tpu.memref_squeeze %dma_wait3A_23 : memref<1x16x128xf32, #tpu.memory_space<hbm>> -> memref<16x128xf32, #tpu.memory_space<hbm>>
        %dma_wait3A_25 = arith.constant 9984 : i32
        %dma_wait3A_26 = arith.constant 0 : i32
        %dma_wait3A_27 = tpu.memref_slice %arg7[%dma_wait3A_25, %dma_wait3A_26] : memref<10240x128xf32, #tpu.memory_space<vmem_shared>> -> memref<16x128xf32, #tpu.memory_space<vmem_shared>>
        tpu.wait_dma2 semaphore(%run_scoped3A_15 : memref<!tpu.dma_semaphore, #tpu.memory_space<semaphore_mem>>) src(%dma_wait3A_27 : memref<16x128xf32, #tpu.memory_space<vmem_shared>>) dst(%dma_wait3A_24 : memref<16x128xf32, #tpu.memory_space<hbm>>)
        tpu.yield
      }) : () -> ()
    } else {
    }
    return
  }
}

module attributes {stable_mosaic.version = 14 : i64} {
  func.func @_stage1_body(%arg0: i32, %arg1: memref<2000x384xf32, #tpu.memory_space<vmem>>, %arg2: memref<2000x128xf32, #tpu.memory_space<vmem>>, %arg3: memref<2000x128xf32, #tpu.memory_space<vmem>>, %arg4: memref<2000x128xf32, #tpu.memory_space<vmem>>, %arg5: memref<2000x128xf32, #tpu.memory_space<vmem>>, %arg6: memref<2000x128xf32, #tpu.memory_space<vmem>>, %arg7: memref<2000x128xf32, #tpu.memory_space<vmem>>, %arg8: memref<384x128xf32, #tpu.memory_space<vmem>>, %arg9: memref<128xf32, #tpu.memory_space<vmem>>, %arg10: memref<128x128xf32, #tpu.memory_space<vmem>>, %arg11: memref<128xf32, #tpu.memory_space<vmem>>, %arg12: memref<2000x128xf32, #tpu.memory_space<vmem>>) attributes {dimension_semantics = [#tpu.dimension_semantics<arbitrary>], iteration_bounds = array<i64: 5>, scalar_prefetch = 0 : i64, scratch_operands = 0 : i64, tpu.core_type = #tpu.core_type<tc>, window_params = [{transform_indices = @transform_0, window_bounds = array<i64: 2000, 384>}, {transform_indices = @transform_1, window_bounds = array<i64: 2000, 128>}, {transform_indices = @transform_2, window_bounds = array<i64: 2000, 128>}, {transform_indices = @transform_3, window_bounds = array<i64: 2000, 128>}, {transform_indices = @transform_4, window_bounds = array<i64: 2000, 128>}, {transform_indices = @transform_5, window_bounds = array<i64: 2000, 128>}, {transform_indices = @transform_6, window_bounds = array<i64: 2000, 128>}, {pipeline_mode = #tpu.pipeline_mode<synchronous>, transform_indices = @transform_7, window_bounds = array<i64: 384, 128>}, {pipeline_mode = #tpu.pipeline_mode<synchronous>, transform_indices = @transform_8, window_bounds = array<i64: 128>}, {pipeline_mode = #tpu.pipeline_mode<synchronous>, transform_indices = @transform_9, window_bounds = array<i64: 128, 128>}, {pipeline_mode = #tpu.pipeline_mode<synchronous>, transform_indices = @transform_10, window_bounds = array<i64: 128>}, {transform_indices = @transform_11, window_bounds = array<i64: 2000, 128>}]} {
    %get3A = arith.constant 0 : index
    %get3A_0 = arith.constant 0 : index
    %get3A_1 = vector.load %arg2[%get3A, %get3A_0] : memref<2000x128xf32, #tpu.memory_space<vmem>>, vector<2000x128xf32>
    %get3A_2 = arith.constant 0 : index
    %get3A_3 = arith.constant 0 : index
    %get3A_4 = vector.load %arg3[%get3A_2, %get3A_3] : memref<2000x128xf32, #tpu.memory_space<vmem>>, vector<2000x128xf32>
    %add3A = arith.addf %get3A_1, %get3A_4 : vector<2000x128xf32>
    %get3A_5 = arith.constant 0 : index
    %get3A_6 = arith.constant 0 : index
    %get3A_7 = vector.load %arg4[%get3A_5, %get3A_6] : memref<2000x128xf32, #tpu.memory_space<vmem>>, vector<2000x128xf32>
    %get3A_8 = arith.constant 0 : index
    %get3A_9 = arith.constant 0 : index
    %get3A_10 = vector.load %arg5[%get3A_8, %get3A_9] : memref<2000x128xf32, #tpu.memory_space<vmem>>, vector<2000x128xf32>
    %add3A_11 = arith.addf %get3A_7, %get3A_10 : vector<2000x128xf32>
    %get3A_12 = arith.constant 0 : index
    %get3A_13 = arith.constant 0 : index
    %get3A_14 = vector.load %arg6[%get3A_12, %get3A_13] : memref<2000x128xf32, #tpu.memory_space<vmem>>, vector<2000x128xf32>
    %get3A_15 = arith.constant 0 : index
    %get3A_16 = arith.constant 0 : index
    %get3A_17 = vector.load %arg7[%get3A_15, %get3A_16] : memref<2000x128xf32, #tpu.memory_space<vmem>>, vector<2000x128xf32>
    %add3A_18 = arith.addf %get3A_14, %get3A_17 : vector<2000x128xf32>
    %concatenate3A = tpu.concatenate %add3A, %add3A_11, %add3A_18 in 1 : vector<2000x128xf32>, vector<2000x128xf32>, vector<2000x128xf32> -> vector<2000x384xf32>
    %get3A_19 = arith.constant 0 : index
    %get3A_20 = arith.constant 0 : index
    %get3A_21 = vector.load %arg1[%get3A_19, %get3A_20] : memref<2000x384xf32, #tpu.memory_space<vmem>>, vector<2000x384xf32>
    %add3A_22 = arith.addf %get3A_21, %concatenate3A : vector<2000x384xf32>
    %get3A_23 = arith.constant 0 : index
    %get3A_24 = arith.constant 0 : index
    %get3A_25 = vector.load %arg8[%get3A_23, %get3A_24] : memref<384x128xf32, #tpu.memory_space<vmem>>, vector<384x128xf32>
    %dot_general3A = arith.constant dense<0.000000e+00> : vector<2000x128xf32>
    %dot_general3A_26 = tpu.matmul %add3A_22, %get3A_25, %dot_general3A {dimension_numbers = #tpu.dot_dimension_numbers<[1], [0], [0], [1], [0, 0, 1, 1], [], []>, transpose_lhs_hint = false} : vector<2000x384xf32>, vector<384x128xf32>, vector<2000x128xf32> -> vector<2000x128xf32>
    %get3A_27 = arith.constant 0 : index
    %get3A_28 = vector.load %arg9[%get3A_27] : memref<128xf32, #tpu.memory_space<vmem>>, vector<128xf32>
    %broadcast_in_dim3A = vector.shape_cast %get3A_28 : vector<128xf32> to vector<1x128xf32>
    %add3A_29 = vector.broadcast %broadcast_in_dim3A : vector<1x128xf32> to vector<2000x128xf32>
    %add3A_30 = arith.addf %dot_general3A_26, %add3A_29 : vector<2000x128xf32>
    %max3A = arith.constant 0.000000e+00 : f32
    %max3A_31 = vector.broadcast %max3A : f32 to vector<2000x128xf32>
    %max3A_32 = arith.maximumf %add3A_30, %max3A_31 : vector<2000x128xf32>
    %get3A_33 = arith.constant 0 : index
    %get3A_34 = arith.constant 0 : index
    %get3A_35 = vector.load %arg10[%get3A_33, %get3A_34] : memref<128x128xf32, #tpu.memory_space<vmem>>, vector<128x128xf32>
    %dot_general3A_36 = arith.constant dense<0.000000e+00> : vector<2000x128xf32>
    %dot_general3A_37 = tpu.matmul %max3A_32, %get3A_35, %dot_general3A_36 {dimension_numbers = #tpu.dot_dimension_numbers<[1], [0], [0], [1], [0, 0, 1, 1], [], []>, transpose_lhs_hint = false} : vector<2000x128xf32>, vector<128x128xf32>, vector<2000x128xf32> -> vector<2000x128xf32>
    %get3A_38 = arith.constant 0 : index
    %get3A_39 = vector.load %arg11[%get3A_38] : memref<128xf32, #tpu.memory_space<vmem>>, vector<128xf32>
    %broadcast_in_dim3A_40 = vector.shape_cast %get3A_39 : vector<128xf32> to vector<1x128xf32>
    %add3A_41 = vector.broadcast %broadcast_in_dim3A_40 : vector<1x128xf32> to vector<2000x128xf32>
    %add3A_42 = arith.addf %dot_general3A_37, %add3A_41 : vector<2000x128xf32>
    %max3A_43 = arith.constant 0.000000e+00 : f32
    %max3A_44 = vector.broadcast %max3A_43 : f32 to vector<2000x128xf32>
    %max3A_45 = arith.maximumf %add3A_42, %max3A_44 : vector<2000x128xf32>
    %swap3A = arith.constant 0 : index
    %swap3A_46 = arith.constant 0 : index
    %swap3A_47 = vector.load %arg12[%swap3A, %swap3A_46] : memref<2000x128xf32, #tpu.memory_space<vmem>>, vector<2000x128xf32>
    tpu.vector_store %arg12[%swap3A, %swap3A_46], %max3A_45 {strides = array<i32>} : memref<2000x128xf32, #tpu.memory_space<vmem>>, vector<2000x128xf32>,
    return
  }
  func.func @transform_0(%arg0: i32) -> (i32, i32) {
    %c0_i32 = arith.constant 0 : i32
    %c0_i32_0 = arith.constant 0 : i32
    return %arg0, %c0_i32 : i32, i32
  }
  func.func @transform_1(%arg0: i32) -> (i32, i32) {
    %c0_i32 = arith.constant 0 : i32
    %c0_i32_0 = arith.constant 0 : i32
    return %arg0, %c0_i32 : i32, i32
  }
  func.func @transform_2(%arg0: i32) -> (i32, i32) {
    %c0_i32 = arith.constant 0 : i32
    %c0_i32_0 = arith.constant 0 : i32
    return %arg0, %c0_i32 : i32, i32
  }
  func.func @transform_3(%arg0: i32) -> (i32, i32) {
    %c0_i32 = arith.constant 0 : i32
    %c0_i32_0 = arith.constant 0 : i32
    return %arg0, %c0_i32 : i32, i32
  }
  func.func @transform_4(%arg0: i32) -> (i32, i32) {
    %c0_i32 = arith.constant 0 : i32
    %c0_i32_0 = arith.constant 0 : i32
    return %arg0, %c0_i32 : i32, i32
  }
  func.func @transform_5(%arg0: i32) -> (i32, i32) {
    %c0_i32 = arith.constant 0 : i32
    %c0_i32_0 = arith.constant 0 : i32
    return %arg0, %c0_i32 : i32, i32
  }
  func.func @transform_6(%arg0: i32) -> (i32, i32) {
    %c0_i32 = arith.constant 0 : i32
    %c0_i32_0 = arith.constant 0 : i32
    return %arg0, %c0_i32 : i32, i32
  }
  func.func @transform_7(%arg0: i32) -> (i32, i32) {
    %c0_i32 = arith.constant 0 : i32
    %c0_i32_0 = arith.constant 0 : i32
    %c0_i32_1 = arith.constant 0 : i32
    return %c0_i32, %c0_i32_0 : i32, i32
  }
  func.func @transform_8(%arg0: i32) -> i32 {
    %c0_i32 = arith.constant 0 : i32
    %c0_i32_0 = arith.constant 0 : i32
    return %c0_i32 : i32
  }
  func.func @transform_9(%arg0: i32) -> (i32, i32) {
    %c0_i32 = arith.constant 0 : i32
    %c0_i32_0 = arith.constant 0 : i32
    %c0_i32_1 = arith.constant 0 : i32
    return %c0_i32, %c0_i32_0 : i32, i32
  }
  func.func @transform_10(%arg0: i32) -> i32 {
    %c0_i32 = arith.constant 0 : i32
    %c0_i32_0 = arith.constant 0 : i32
    return %c0_i32 : i32
  }
  func.func @transform_11(%arg0: i32) -> (i32, i32) {
    %c0_i32 = arith.constant 0 : i32
    %c0_i32_0 = arith.constant 0 : i32
    return %arg0, %c0_i32 : i32, i32
  }
}

module attributes {stable_mosaic.version = 14 : i64} {
  func.func @_stage2_body(%arg0: i32, %arg1: memref<2000x128xf32, #tpu.memory_space<vmem>>, %arg2: memref<2000x128xf32, #tpu.memory_space<vmem>>, %arg3: memref<2000x128xf32, #tpu.memory_space<vmem>>, %arg4: memref<128x128xf32, #tpu.memory_space<vmem>>, %arg5: memref<128xf32, #tpu.memory_space<vmem>>, %arg6: memref<128x128xf32, #tpu.memory_space<vmem>>, %arg7: memref<128xf32, #tpu.memory_space<vmem>>, %arg8: memref<1x1x2000xi32, #tpu.memory_space<vmem>>, %arg9: memref<128x100xf32, #tpu.memory_space<vmem>>, %arg10: memref<100xf32, #tpu.memory_space<vmem>>, %arg11: memref<64x100xf32, #tpu.memory_space<vmem>>, %arg12: memref<64x128xf32, #tpu.memory_space<vmem>>) attributes {dimension_semantics = [#tpu.dimension_semantics<arbitrary>], iteration_bounds = array<i64: 5>, scalar_prefetch = 0 : i64, scratch_operands = 1 : i64, tpu.core_type = #tpu.core_type<tc>, window_params = [{transform_indices = @transform_0, window_bounds = array<i64: 2000, 128>}, {transform_indices = @transform_1, window_bounds = array<i64: 2000, 128>}, {transform_indices = @transform_2, window_bounds = array<i64: 2000, 128>}, {pipeline_mode = #tpu.pipeline_mode<synchronous>, transform_indices = @transform_3, window_bounds = array<i64: 128, 128>}, {pipeline_mode = #tpu.pipeline_mode<synchronous>, transform_indices = @transform_4, window_bounds = array<i64: 128>}, {pipeline_mode = #tpu.pipeline_mode<synchronous>, transform_indices = @transform_5, window_bounds = array<i64: 128, 128>}, {pipeline_mode = #tpu.pipeline_mode<synchronous>, transform_indices = @transform_6, window_bounds = array<i64: 128>}, {transform_indices = @transform_7, window_bounds = array<i64: 1, 1, 2000>}, {pipeline_mode = #tpu.pipeline_mode<synchronous>, transform_indices = @transform_8, window_bounds = array<i64: 128, 100>}, {pipeline_mode = #tpu.pipeline_mode<synchronous>, transform_indices = @transform_9, window_bounds = array<i64: 100>}, {pipeline_mode = #tpu.pipeline_mode<synchronous>, transform_indices = @transform_10, window_bounds = array<i64: 64, 100>}]} {
    %eq3A = arith.constant 0 : i32
    %eq3A_0 = arith.cmpi eq, %arg0, %eq3A : i32
    %convert_element_type3A = arith.extui %eq3A_0 : i1 to i32
    %cond3A = arith.constant 0 : i32
    %cond3A_1 = arith.cmpi ne, %convert_element_type3A, %cond3A : i32
    scf.if %cond3A_1 {
      %broadcast_in_dim3A_57 = arith.constant 0.000000e+00 : f32
      %broadcast_in_dim3A_58 = vector.broadcast %broadcast_in_dim3A_57 : f32 to vector<64x128xf32>
      %swap3A_59 = arith.constant 0 : index
      %swap3A_60 = arith.constant 0 : index
      %swap3A_61 = vector.load %arg12[%swap3A_59, %swap3A_60] : memref<64x128xf32, #tpu.memory_space<vmem>>, vector<64x128xf32>
      tpu.vector_store %arg12[%swap3A_59, %swap3A_60], %broadcast_in_dim3A_58 {strides = array<i32>} : memref<64x128xf32, #tpu.memory_space<vmem>>, vector<64x128xf32>,
    } else {
    }
    %get3A = arith.constant 0 : index
    %get3A_2 = arith.constant 0 : index
    %get3A_3 = vector.load %arg1[%get3A, %get3A_2] : memref<2000x128xf32, #tpu.memory_space<vmem>>, vector<2000x128xf32>
    %get3A_4 = arith.constant 0 : index
    %get3A_5 = arith.constant 0 : index
    %get3A_6 = vector.load %arg2[%get3A_4, %get3A_5] : memref<2000x128xf32, #tpu.memory_space<vmem>>, vector<2000x128xf32>
    %add3A = arith.addf %get3A_3, %get3A_6 : vector<2000x128xf32>
    %get3A_7 = arith.constant 0 : index
    %get3A_8 = arith.constant 0 : index
    %get3A_9 = vector.load %arg3[%get3A_7, %get3A_8] : memref<2000x128xf32, #tpu.memory_space<vmem>>, vector<2000x128xf32>
    %add3A_10 = arith.addf %add3A, %get3A_9 : vector<2000x128xf32>
    %get3A_11 = arith.constant 0 : index
    %get3A_12 = arith.constant 0 : index
    %get3A_13 = vector.load %arg4[%get3A_11, %get3A_12] : memref<128x128xf32, #tpu.memory_space<vmem>>, vector<128x128xf32>
    %dot_general3A = arith.constant dense<0.000000e+00> : vector<2000x128xf32>
    %dot_general3A_14 = tpu.matmul %add3A_10, %get3A_13, %dot_general3A {dimension_numbers = #tpu.dot_dimension_numbers<[1], [0], [0], [1], [0, 0, 1, 1], [], []>, transpose_lhs_hint = false} : vector<2000x128xf32>, vector<128x128xf32>, vector<2000x128xf32> -> vector<2000x128xf32>
    %get3A_15 = arith.constant 0 : index
    %get3A_16 = vector.load %arg5[%get3A_15] : memref<128xf32, #tpu.memory_space<vmem>>, vector<128xf32>
    %broadcast_in_dim3A = vector.shape_cast %get3A_16 : vector<128xf32> to vector<1x128xf32>
    %add3A_17 = vector.broadcast %broadcast_in_dim3A : vector<1x128xf32> to vector<2000x128xf32>
    %add3A_18 = arith.addf %dot_general3A_14, %add3A_17 : vector<2000x128xf32>
    %max3A = arith.constant 0.000000e+00 : f32
    %max3A_19 = vector.broadcast %max3A : f32 to vector<2000x128xf32>
    %max3A_20 = arith.maximumf %add3A_18, %max3A_19 : vector<2000x128xf32>
    %get3A_21 = arith.constant 0 : index
    %get3A_22 = arith.constant 0 : index
    %get3A_23 = vector.load %arg6[%get3A_21, %get3A_22] : memref<128x128xf32, #tpu.memory_space<vmem>>, vector<128x128xf32>
    %dot_general3A_24 = arith.constant dense<0.000000e+00> : vector<2000x128xf32>
    %dot_general3A_25 = tpu.matmul %max3A_20, %get3A_23, %dot_general3A_24 {dimension_numbers = #tpu.dot_dimension_numbers<[1], [0], [0], [1], [0, 0, 1, 1], [], []>, transpose_lhs_hint = false} : vector<2000x128xf32>, vector<128x128xf32>, vector<2000x128xf32> -> vector<2000x128xf32>
    %get3A_26 = arith.constant 0 : index
    %get3A_27 = vector.load %arg7[%get3A_26] : memref<128xf32, #tpu.memory_space<vmem>>, vector<128xf32>
    %broadcast_in_dim3A_28 = vector.shape_cast %get3A_27 : vector<128xf32> to vector<1x128xf32>
    %add3A_29 = vector.broadcast %broadcast_in_dim3A_28 : vector<1x128xf32> to vector<2000x128xf32>
    %add3A_30 = arith.addf %dot_general3A_25, %add3A_29 : vector<2000x128xf32>
    %max3A_31 = arith.constant 0.000000e+00 : f32
    %max3A_32 = vector.broadcast %max3A_31 : f32 to vector<2000x128xf32>
    %max3A_33 = arith.maximumf %add3A_30, %max3A_32 : vector<2000x128xf32>
    %iota3A = tpu.iota {dimensions = array<i32: 0>} : vector<64x2000xi32>
    %get3A_34 = arith.constant 0 : index
    %get3A_35 = arith.constant 0 : index
    %get3A_36 = arith.constant 0 : index
    %get3A_37 = vector.load %arg8[%get3A_34, %get3A_35, %get3A_36] : memref<1x1x2000xi32, #tpu.memory_space<vmem>>, vector<1x1x2000xi32>
    %get3A_38 = vector.shape_cast %get3A_37 : vector<1x1x2000xi32> to vector<1x2000xi32>
    %broadcast_in_dim3A_39 = vector.shape_cast %get3A_38 : vector<1x2000xi32> to vector<1x2000xi32>
    %broadcast_in_dim3A_40 = vector.broadcast %broadcast_in_dim3A_39 : vector<1x2000xi32> to vector<64x2000xi32>
    %eq3A_41 = arith.cmpi eq, %broadcast_in_dim3A_40, %iota3A : vector<64x2000xi32>
    %convert_element_type3A_42 = arith.extui %eq3A_41 : vector<64x2000xi1> to vector<64x2000xi32>
    %convert_element_type3A_43 = arith.sitofp %convert_element_type3A_42 : vector<64x2000xi32> to vector<64x2000xf32>
    %dot_general3A_44 = arith.constant dense<0.000000e+00> : vector<64x128xf32>
    %dot_general3A_45 = tpu.matmul %convert_element_type3A_43, %max3A_33, %dot_general3A_44 {dimension_numbers = #tpu.dot_dimension_numbers<[1], [0], [0], [1], [0, 0, 1, 1], [], []>, precision = #tpu.contract_precision<fp32>, transpose_lhs_hint = false} : vector<64x2000xf32>, vector<2000x128xf32>, vector<64x128xf32> -> vector<64x128xf32>
    %get3A_46 = arith.constant 0 : index
    %get3A_47 = arith.constant 0 : index
    %get3A_48 = vector.load %arg12[%get3A_46, %get3A_47] : memref<64x128xf32, #tpu.memory_space<vmem>>, vector<64x128xf32>
    %add3A_49 = arith.addf %get3A_48, %dot_general3A_45 : vector<64x128xf32>
    %swap3A = arith.constant 0 : index
    %swap3A_50 = arith.constant 0 : index
    %swap3A_51 = vector.load %arg12[%swap3A, %swap3A_50] : memref<64x128xf32, #tpu.memory_space<vmem>>, vector<64x128xf32>
    tpu.vector_store %arg12[%swap3A, %swap3A_50], %add3A_49 {strides = array<i32>} : memref<64x128xf32, #tpu.memory_space<vmem>>, vector<64x128xf32>,
    %eq3A_52 = arith.constant 4 : i32
    %eq3A_53 = arith.cmpi eq, %arg0, %eq3A_52 : i32
    %convert_element_type3A_54 = arith.extui %eq3A_53 : i1 to i32
    %cond3A_55 = arith.constant 0 : i32
    %cond3A_56 = arith.cmpi ne, %convert_element_type3A_54, %cond3A_55 : i32
    scf.if %cond3A_56 {
      %get3A_57 = arith.constant 0 : index
      %get3A_58 = arith.constant 0 : index
      %get3A_59 = vector.load %arg12[%get3A_57, %get3A_58] : memref<64x128xf32, #tpu.memory_space<vmem>>, vector<64x128xf32>
      %get3A_60 = arith.constant 0 : index
      %get3A_61 = arith.constant 0 : index
      %get3A_62 = vector.load %arg9[%get3A_60, %get3A_61] : memref<128x100xf32, #tpu.memory_space<vmem>>, vector<128x100xf32>
      %dot_general3A_63 = arith.constant dense<0.000000e+00> : vector<64x100xf32>
      %dot_general3A_64 = tpu.matmul %get3A_59, %get3A_62, %dot_general3A_63 {dimension_numbers = #tpu.dot_dimension_numbers<[1], [0], [0], [1], [0, 0, 1, 1], [], []>, transpose_lhs_hint = false} : vector<64x128xf32>, vector<128x100xf32>, vector<64x100xf32> -> vector<64x100xf32>
      %get3A_65 = arith.constant 0 : index
      %get3A_66 = vector.load %arg10[%get3A_65] : memref<100xf32, #tpu.memory_space<vmem>>, vector<100xf32>
      %broadcast_in_dim3A_67 = vector.shape_cast %get3A_66 : vector<100xf32> to vector<1x100xf32>
      %add3A_68 = vector.broadcast %broadcast_in_dim3A_67 : vector<1x100xf32> to vector<64x100xf32>
      %add3A_69 = arith.addf %dot_general3A_64, %add3A_68 : vector<64x100xf32>
      %logistic3A = arith.negf %add3A_69 : vector<64x100xf32>
      %logistic3A_70 = math.exp %logistic3A : vector<64x100xf32>
      %logistic3A_71 = arith.constant 1.000000e+00 : f32
      %logistic3A_72 = vector.broadcast %logistic3A_71 : f32 to vector<64x100xf32>
      %logistic3A_73 = arith.addf %logistic3A_72, %logistic3A_70 : vector<64x100xf32>
      %logistic3A_74 = arith.divf %logistic3A_72, %logistic3A_73 : vector<64x100xf32>
      %swap3A_75 = arith.constant 0 : index
      %swap3A_76 = arith.constant 0 : index
      %swap3A_77 = vector.load %arg11[%swap3A_75, %swap3A_76] : memref<64x100xf32, #tpu.memory_space<vmem>>, vector<64x100xf32>
      tpu.vector_store %arg11[%swap3A_75, %swap3A_76], %logistic3A_74 {strides = array<i32>} : memref<64x100xf32, #tpu.memory_space<vmem>>, vector<64x100xf32>,
    } else {
    }
    return
  }
  func.func @transform_0(%arg0: i32) -> (i32, i32) {
    %c0_i32 = arith.constant 0 : i32
    %c0_i32_0 = arith.constant 0 : i32
    return %arg0, %c0_i32 : i32, i32
  }
  func.func @transform_1(%arg0: i32) -> (i32, i32) {
    %c0_i32 = arith.constant 0 : i32
    %c0_i32_0 = arith.constant 0 : i32
    return %arg0, %c0_i32 : i32, i32
  }
  func.func @transform_2(%arg0: i32) -> (i32, i32) {
    %c0_i32 = arith.constant 0 : i32
    %c0_i32_0 = arith.constant 0 : i32
    return %arg0, %c0_i32 : i32, i32
  }
  func.func @transform_3(%arg0: i32) -> (i32, i32) {
    %c0_i32 = arith.constant 0 : i32
    %c0_i32_0 = arith.constant 0 : i32
    %c0_i32_1 = arith.constant 0 : i32
    return %c0_i32, %c0_i32_0 : i32, i32
  }
  func.func @transform_4(%arg0: i32) -> i32 {
    %c0_i32 = arith.constant 0 : i32
    %c0_i32_0 = arith.constant 0 : i32
    return %c0_i32 : i32
  }
  func.func @transform_5(%arg0: i32) -> (i32, i32) {
    %c0_i32 = arith.constant 0 : i32
    %c0_i32_0 = arith.constant 0 : i32
    %c0_i32_1 = arith.constant 0 : i32
    return %c0_i32, %c0_i32_0 : i32, i32
  }
  func.func @transform_6(%arg0: i32) -> i32 {
    %c0_i32 = arith.constant 0 : i32
    %c0_i32_0 = arith.constant 0 : i32
    return %c0_i32 : i32
  }
  func.func @transform_7(%arg0: i32) -> (i32, i32, i32) {
    %c0_i32 = arith.constant 0 : i32
    %c0_i32_0 = arith.constant 0 : i32
    %c0_i32_1 = arith.constant 0 : i32
    return %arg0, %c0_i32, %c0_i32_0 : i32, i32, i32
  }
  func.func @transform_8(%arg0: i32) -> (i32, i32) {
    %c0_i32 = arith.constant 0 : i32
    %c0_i32_0 = arith.constant 0 : i32
    %c0_i32_1 = arith.constant 0 : i32
    return %c0_i32, %c0_i32_0 : i32, i32
  }
  func.func @transform_9(%arg0: i32) -> i32 {
    %c0_i32 = arith.constant 0 : i32
    %c0_i32_0 = arith.constant 0 : i32
    return %c0_i32 : i32
  }
  func.func @transform_10(%arg0: i32) -> (i32, i32) {
    %c0_i32 = arith.constant 0 : i32
    %c0_i32_0 = arith.constant 0 : i32
    %c0_i32_1 = arith.constant 0 : i32
    return %c0_i32, %c0_i32_0 : i32, i32
  }
}

</mosaic_0001>

<sc_bundles>
// kernel: kernel.11.cloned.1.call-start
scs
__scs_entry_jumppad:
0x0: {  	(pc) =	sbr.rel $0x88, $3  }
0x1: {  	(tag) =	ssettag $0x0;
	lr =	simm.s32 $0x1  }
0x2: {  	[smem:$0x3F94] =	sst lr;
	_ =	strace $0xD0000000  }
0x3: {  	_ = 	snop  }
0x4: {  	_ = 	snop  }
0x5: {  	_ = 	snop  }
0x6: {  	_ = 	snop  }
0x7: {  	_ = 	snop  }
__scs_overlays_trampoline_lowered:
0x8: {  	[smem:$0x3FA3] =	sst s0  }
0x9: {  	[smem:$0x3FA4] =	sst s1  }
0xa: {  	[smem:$0x3FA5] =	sst s2  }
0xb: {  	[smem:$0x3FA6] =	sst s3  }
0xc: {  	[smem:$0x3FA7] =	sst s4  }
0xd: {  	[smem:$0x3FA8] =	sst s5  }
0xe: {  	[smem:$0x3FA9] =	sst s6  }
0xf: {  	[smem:$0x3FAA] =	sst s7  }
0x10: {  	[smem:$0x3FAB] =	sst s8  }
0x11: {  	[smem:$0x3FAC] =	sst s9;
	s0 =	simm.s32 @!p0 $0x0  }
0x12: {  	s1 =	sld [smem:$0x3F92];
	s0 =	simm.s32 @p0 $0x1  }
0x13: {  	[smem:$0x3FAD] =	sst s0;
	s0 =	simm.s32 @!p1 $0x0  }
0x14: {  	s2 =	sld [smem:$0x3F91];
	s0 =	simm.s32 @p1 $0x1  }
0x15: {  	[smem:$0x3FAE] =	sst s0;
	s0 =	simm.s32 @!p2 $0x0  }
0x16: {  	s3 =	sld [smem:$0x3FDB];
	s0 =	simm.s32 @p2 $0x1  }
0x17: {  	s4 =	simm.s32 $0x1BF5;
	[smem:$0x3FB0] =	sst s0  }
0x18: {  	s0 =	sld [smem:$0x3F93];
	_ =	swait.ge [sflag:s4], $0x0  }
0x19: {  	s7 =	sld [smem:$0x3F94]  }
0x1a: {  	s8 =	sadd.s32 $0xFFFFE003, lr  }
0x1b: {  	s9 =	sadd.s32 $0xFFFFFEF7, lr;
	s5 =	simm.s32 $0xFFFFFFFF;
	p2 =	slt.u32 s8, $0xFFFFF086  }
0x1c: {  	p1 =	slt.u32 s9, $0xF7A;
	s5 =	simm.s32 @!p2 $0x0  }
0x1d: {  	s5 =	simm.s32 @p1 $0x1;
	p0 =	seq.s32 s7, s2  }
0x1e: {  	s7 =	smul.u32 @!p0 $0xF7A, s2;
	p2 =	seq.s32 @!p0 s5, $0x0  }
0x1f: {  	s9 =	smul.u32 $0xF7A, s1;
	s8 =	simm.s32 @!p0 $0x1BF5;
	p2 =	por !p2, p0  }
0x20: {  	[sflag:s8] =	ssyncset.s32 @!p0 $0xFFFFF086;
	s6 =	sadd.s32 @!p0 s3, s7;
	s7 =	simm.s32 @!p0 $0x108  }
0x21: {  	s3 =	sadd.s32 s3, s9;
	s6 =	sadd.s32 @!p0 $0x88, s6;
	s7 =	simm.s32 @p2 $0x1082  }
0x22: {  	[simem:s7], [sflag:s8] =	dma.local @!p0 [hbm:s6], $0xF7A  }
0x23: {  	s9 =	sor.u32 $0xD0000000, s2;
	s6 =	simm.s32 $0x108;
	_ =	swait.ge @!p0 [sflag:s8], $0x0  }
0x24: {  	s3 =	sadd.s32 $0x88, s3;
	s6 =	simm.s32 @!p1 $0x1082;
	[sflag:s4] =	ssyncset.s32 $0xFFFFF086  }
0x25: {  	[simem:s6], [sflag:s4] =	dma.local [hbm:s3], $0xF7A  }
0x26: {  	[smem:$0x3F94] =	sst s1;
	(tag) =	ssettag s2;
	_ =	strace s9  }
0x27: {  	s1 =	sld [smem:$0x3FA4]  }
0x28: {  	s2 =	sld [smem:$0x3FA5]  }
0x29: {  	s4 =	sld [smem:$0x3FA7]  }
0x2a: {  	p0 =	seq.s32 s5, $0x0;
	s5 =	sld [smem:$0x3FA8]  }
0x2b: {  	s6 =	sld [smem:$0x3FA9]  }
0x2c: {  	s7 =	sld [smem:$0x3FAA]  }
0x2d: {  	s3 =	simm.s32 $0x108;
	s8 =	sld [smem:$0x3FAB]  }
0x2e: {  	s3 =	simm.s32 @!p0 $0x1082;
	s9 =	sld [smem:$0x3FAC]  }
0x2f: {  	lr =	sadd.s32 s0, s3;
	s0 =	sld [smem:$0x3FA3]  }
0x30: {  	s3 =	sld [smem:$0x3FA6]  }
0x31: {  	[smem:$0x3FAF] =	sst s10  }
0x32: {  	s10 =	sld [smem:$0x3FAD];
	_ =	sdelay $0x3  }
0x33: {  	p0 =	seq.s32 s10, $0x1;
	s10 =	sld [smem:$0x3FAF];
	_ =	sdelay $0x3  }
0x34: {  	[smem:$0x3FAF] =	sst s10  }
0x35: {  	s10 =	sld [smem:$0x3FAE];
	_ =	sdelay $0x3  }
0x36: {  	p1 =	seq.s32 s10, $0x1;
	s10 =	sld [smem:$0x3FAF];
	_ =	sdelay $0x3  }
0x37: {  	[smem:$0x3FAF] =	sst s10  }
0x38: {  	s10 =	sld [smem:$0x3FB0]  }
0x39: {  	_ = 	snop;
	(pc) =	sbr.ind lr, $3  }
0x3a: {  	_ = 	snop  }
0x3b: {  	_ = 	snop  }
0x3c: {  	p2 =	seq.s32 s10, $0x1;
	s10 =	sld [smem:$0x3FAF]  }
0x3d: {  	_ =	shalt  }
0x3e: {  	_ =	shalt  }
0x3f: {  	_ =	shalt  }
0x40: {  	_ =	shalt  }
0x41: {  	_ =	shalt  }
0x42: {  	_ =	shalt  }
0x43: {  	_ =	shalt  }
0x44: {  	_ =	shalt  }
0x45: {  	_ =	shalt  }
0x46: {  	_ =	shalt  }
0x47: {  	_ =	shalt  }
0x48: {  	_ =	shalt  }
0x49: {  	_ =	shalt  }
0x4a: {  	_ =	shalt  }
0x4b: {  	_ =	shalt  }
0x4c: {  	_ =	shalt  }
0x4d: {  	_ =	shalt  }
0x4e: {  	_ =	shalt  }
0x4f: {  	_ =	shalt  }
0x50: {  	_ =	shalt  }
0x51: {  	_ =	shalt  }
0x52: {  	_ =	shalt  }
0x53: {  	_ =	shalt  }
0x54: {  	_ =	shalt  }
0x55: {  	_ =	shalt  }
0x56: {  	_ =	shalt  }
0x57: {  	_ =	shalt  }
0x58: {  	_ =	shalt  }
0x59: {  	_ =	shalt  }
0x5a: {  	_ =	shalt  }
0x5b: {  	_ =	shalt  }
0x5c: {  	_ =	shalt  }
0x5d: {  	_ =	shalt  }
0x5e: {  	_ =	shalt  }
0x5f: {  	_ =	shalt  }
0x60: {  	_ =	shalt  }
0x61: {  	_ =	shalt  }
0x62: {  	_ =	shalt  }
0x63: {  	_ =	shalt  }
0x64: {  	_ =	shalt  }
0x65: {  	_ =	shalt  }
0x66: {  	_ =	shalt  }
0x67: {  	_ =	shalt  }
0x68: {  	_ =	shalt  }
0x69: {  	_ =	shalt  }
0x6a: {  	_ =	shalt  }
0x6b: {  	_ =	shalt  }
0x6c: {  	_ =	shalt  }
0x6d: {  	_ =	shalt  }
0x6e: {  	_ =	shalt  }
0x6f: {  	_ =	shalt  }
0x70: {  	_ =	shalt  }
0x71: {  	_ =	shalt  }
0x72: {  	_ =	shalt  }
0x73: {  	_ =	shalt  }
0x74: {  	_ =	shalt  }
0x75: {  	_ =	shalt  }
0x76: {  	_ =	shalt  }
0x77: {  	_ =	shalt  }
0x78: {  	_ =	shalt  }
0x79: {  	_ =	shalt  }
0x7a: {  	_ =	shalt  }
0x7b: {  	_ =	shalt  }
0x7c: {  	_ =	shalt  }
0x7d: {  	_ =	shalt  }
0x7e: {  	_ =	shalt  }
0x7f: {  	_ =	shalt  }
0x80: {  	_ =	shalt  }
0x81: {  	_ =	shalt  }
0x82: {  	_ =	shalt  }
0x83: {  	_ =	shalt  }
0x84: {  	_ =	shalt  }
0x85: {  	_ =	shalt  }
0x86: {  	_ =	shalt  }
0x87: {  	_ =	shalt  }
.Lfunc_end0:
.L_simem_size_0:
called_computation.1_lowered:
.L_overlay_start_0:
0x88: {  	s2 =	sld [smem:$0x3FD9]  }
0x89: {  	s3 =	sld [smem:$0x3FFE];
	_ =	sdelay $0x1  }
0x8a: {  	s1 =	srdreg.scid  }
0x8b: {  	s0 =	sand.u32 $0x1, s1  }
0x8c: {  	s17 =	sshll.u32 s0, $0xA;
	s2 =	sadd.s32 s3, s2  }
0x8d: {  	s2 =	sadd.s32 s2, s17  }
0x8e: {  	[smem:$0x3FBB] =	sst s2  }
0x8f: {  	_ = 	snop  }
0x90: {  	(tm) =	ssettm $0x1  }
0x91: {  	s18 =	sld [smem:$0x3FFB];
	_ =	sdelay $0x3  }
0x92: {  	_ =	strace s18  }
0x93: {  	s2 =	sld [smem:$0x3FFC];
	_ =	sdelay $0x3  }
0x94: {  	_ =	strace s2  }
0x95: {  	s2 =	sld [smem:$0x3FFD];
	_ =	sdelay $0x3  }
0x96: {  	_ =	strace s2  }
0x97: {  	_ =	strace $0x8FFFFFFF  }
0x98: {  	s19 =	sld [smem:$0x3FDB];
	_ =	sdelay $0x1  }
0x99: {  	s20 =	simm.s32 $_scs_section_size  }
0x9a: {  	s4 =	simm.s32 $_size__tile_overlayer_lowered;
	s5 =	simm.s32 $_tile_overlayer_lowered  }
0x9b: {  	s6 =	simm.s32 $0x1BFF;
	s21 =	sshll.u32 s5, $0x1;
	s3 =	sadd.s32 s20, s19  }
0x9c: {  	s22 =	simm.s32 $0x0;
	s4 =	sshll.u32 s4, $0x1;
	s5 =	sadd.s32 s21, s3  }
0x9d: {  	[timem:s22], [sflag:s6] =	dma.local [hbm:s5], s4  }
0x9e: {  	_ =	swait.ge [sflag:s6], s4  }
0x9f: {  	s4 =	ssub.s32 $0x0, s4;
	[sflag:s6] =	ssyncset.done $0x0  }
0xa0: {  	[sflag:s6] =	ssyncadd.s32 s4;
	_ =	sdelay $0x1  }
0xa1: {  	s23 =	simm.s32 $0x1B8B  }
0xa2: {  	_ =	swait.ge [sflag:s23], $0x1  }
0xa3: {  	[sflag:s23] =	ssyncset.done $0x0  }
0xa4: {  	[sflag:s23] =	ssyncadd.s32 $0xFFFFFFFF  }
0xa5: {  	s4 =	sld [smem:$0x0]  }
0xa6: {  	s5 =	sand.u32 $0xFFFFFFFE, s1  }
0xa7: {  	p0 =	sne.s32 s1, s5  }
0xa8: {  	s5 =	sshll.u32 @p0 s5, $0xE  }
0xa9: {  	s5 =	sadd.s32 @p0 $0x11B8D, s5;
	s6 =	sshll.u32 @p0 s4, $0x11  }
0xaa: {  	s5 =	sor.u32 @p0 s6, s5  }
0xab: {  	[sflag:s5] =	ssyncadd.remote.s32 @p0 $0x1;
	_ =	sdelay $0x1  }
0xac: {  	s5 =	simm.s32 @p0 $0x1B8D  }
0xad: {  	_ =	swait.eq @p0 [sflag:s5], $0x1  }
0xae: {  	[sflag:s5] =	ssyncadd.s32 @p0 $0xFFFFFFFF  }
0xaf: {  	s6 =	sshll.u32 @!p0 s1, $0xE  }
0xb0: {  	s6 =	sor.u32 @!p0 $0x4000, s6;
	s5 =	simm.s32 @!p0 $0x1B8D  }
0xb1: {  	s4 =	sshll.u32 @!p0 s4, $0x11;
	s6 =	sadd.s32 @!p0 $0x11B8D, s6;
	_ =	swait.eq @!p0 [sflag:s5], $0x1  }
0xb2: {  	s4 =	sor.u32 @!p0 s4, s6;
	[sflag:s5] =	ssyncadd.s32 @!p0 $0xFFFFFFFF  }
0xb3: {  	s25 =	simm.s32 $0x1B8E;
	s24 =	sld [smem:$0x3FFE];
	[sflag:s4] =	ssyncadd.remote.s32 @!p0 $0x1  }
0xb4: {  	s26 =	simm.s32 $execute0_lowered;
	[smem:$0x3FD2] =	sst s25  }
0xb5: {  	s5 =	sshll.u32 s26, $0x1;
	_ =	strace $0x8000004C;
	[dreg:$0x1] =	wrdreg $0xFFFFFFFF  }
0xb6: {  	s28 =	simm.s32 $_size_execute0_lowered;
	s3 =	sadd.s32 s3, s5;
	[dreg:$0x0] =	wrdreg $0x0  }
0xb7: {  	s5 =	sshll.u32 s28, $0x1;
	[dreg:$0x2] =	wrdreg s3  }
0xb8: {  	[dreg:$0x3] =	wrdreg s5  }
0xb9: {  	[dreg:$0x4] =	wrdreg $0xC0  }
0xba: {  	_ =	task [dreg:s22], $0x5FFFF  }
0xbb: {  	[dreg:$0x1] =	wrdreg $0xFFFFFFFF  }
0xbc: {  	[dreg:$0x0] =	wrdreg $0x60  }
0xbd: {  	[dreg:$0x2] =	wrdreg s24  }
0xbe: {  	[dreg:$0x3] =	wrdreg $0x0  }
0xbf: {  	[dreg:$0x4] =	wrdreg $0xA  }
0xc0: {  	_ =	task.clear_ibuf [dreg:s22], $0x5FFFF;
	_ =	strace $0x9000004C  }
0xc1: {  	s29 =	simm.s32 $0xA;
	_ =	strace $0x8000004E  }
0xc2: {  	_ =	swait.ge [sflag:s29], $0x1  }
0xc3: {  	[sflag:s29] =	ssyncadd.s32 $0xFFFFFFFF  }
0xc4: {  	_ =	strace $0x9000004E  }
0xc5: {  	_ =	sfence  }
0xc6: {  	s30 =	sld [smem:$0x0];
	_ =	sdelay $0x2  }
0xc7: {  	s31 =	sshll.u32 s1, $0xD;
	s1 =	sshrl.u32 s1, $0x2  }
0xc8: {  	s4 =	sand.u32 $0x4000, s31;
	s1 =	sadd.s32 s1, s30  }
0xc9: {  	s0 =	sor.u32 s4, s0;
	s1 =	sshll.u32 s1, $0x11  }
0xca: {  	s0 =	sor.u32 s1, s0  }
0xcb: {  	s0 =	sadd.s32 $0x8F2B, s0  }
0xcc: {  	[sflag:s0] =	ssyncadd.remote.s32 $0x1  }
0xcd: {  	_ =	sfence.sel $0xFFFF  }
0xce: {  	[dreg:$0x0] =	wrdreg $0xFFFFFFFF;
	(pc) =	sbr.abs _section_cstart, $3  }
0xcf: {  	[dreg:$0x1] =	wrdreg $0xFFFFFFFF  }
0xd0: {  	_ =	task.clear_ibuf [dreg:s22], $0x2FFFF;
	_ =	strace $0x9FFFFFFF  }
0xd1: {  	(tm) =	ssettm $0x7FFFFFFF  }
tec
execute0_lowered:
.L_overlay_start_1:
0x0: {  	(tag) =	ssettag $0x1  }
0x1: {  	s6 =	rddreg [dreg:$0x0]  }
0x2: {  	s1 =	srdreg.scid;
	s0 =	stileid.u32  }
0x3: {  	s2 =	rddreg [dreg:$0x1];
	s3 =	simm.s32 $0x0;
	s16 =	simm.s32 $0x80  }
0x4: {  	s17 =	simm.s32 $0x16800;
	s18 =	simm.s32 $0x1A800;
	s19 =	simm.s32 $0x1  }
0x5: {  	s20 =	simm.s32 $0x2;
	s21 =	simm.s32 $0x3;
	s22 =	simm.s32 $0x4  }
0x6: {  	s7 =	sand.u32 $0x1, s1;
	s1 =	rddreg [dreg:$0x2];
	s9 =	smul.u32 $0x50000, s0  }
0x7: {  	s4 =	sshll.u32 s0, $0x1;
	[smem:$0x7FF] =	sst s3;
	s13 =	smul.u32 $0x13800, s0  }
0x8: {  	s12 =	sadd.s32 $0x130200, s6;
	s28 =	smul.u32 $0x4E000, s0;
	s14 =	sshll.u32 s0, $0x6  }
0x9: {  	p0 =	sne.s32 s0, $0xF;
	s4 =	sor.u32 s7, s4;
	_ =	strace $0x8000004D  }
0xa: {  	s10 =	ssub.s32 $0x2, s7;
	s11 =	smul.u32 $0x138800, s7;
	s14 =	sor.u32 $0x1C05, s14  }
0xb: {  	s5 =	smul.u32 $0x280, s4;
	s4 =	sadd.s32 $0x3200, s6;
	s24 =	sshrl.u32 s10, $0x1  }
0xc: {  	s25 =	sshrl.u32 s9, $0x2;
	s31 =	sshrl.u32 s28, $0x2;
	s10 =	ssub.s32 s10, s24  }
0xd: {  	s26 =	sadd.s32 s13, s11;
	s15 =	sadd.s32 s25, s2;
	s30 =	sshrl.u32 s11, $0x3  }
0xe: {  	s23 =	sadd.s32 s31, s2;
	s24 =	sadd.s32 $0x138000, s2;
	s11 =	simm.s32 $0x15400  }
0xf: {  	s13 =	simm.s32 $0x14000;
	s25 =	simm.s32 $0x0;
	s8 =	sadd.s32 s5, s6  }
0x10: {  	s5 =	sadd.s32 $0x91600, s6;
	s29 =	sshrl.u32 s26, $0x3;
	s9 =	sadd.s32 s12, s30  }
0x11: {  	s10 =	smax.u32 s10, $0x1;
	s15 =	sshrl.u32 s15, $0x3;
	s23 =	sshrl.u32 s23, $0x3  }
0x12: {  	s24 =	sshrl.u32 @!p0 s24, $0x3;
	s6 =	sadd.s32 $0x8C600, s8;
	s7 =	sadd.s32 $0x82600, s8  }
0x13: {  	s8 =	sadd.s32 s12, s29;
	s9 =	sadd.s32 $0x27000, s9;
	s12 =	simm.s32 $0x5  }
.LBB2_1:
0x14: {  	[tilespmem:s11], [sflag:$0x5] =	stream.linear.gather [hbm4b:s6+s3], $0x1400, $0x38;
	[tilespmem:$0x1E800] =	vst v63  }
0x15: {  	_ =	swait.ge [sflag:s12], $0x1400  }
0x16: {  	[sflag:s12] =	ssyncset.done $0x0  }
0x17: {  	[sflag:s12] =	ssyncadd.s32 $0xFFFFEC00  }
0x18: {  	[tilespmem:s13], [sflag:$0x5] =	stream.linear.gather [hbm4b:s7+s3], $0x1400, $0x38;
	[tilespmem:$0x1E800] =	vst v63  }
0x19: {  	_ =	swait.ge [sflag:s12], $0x1400  }
0x1a: {  	[sflag:s12] =	ssyncset.done $0x0  }
0x1b: {  	[sflag:s12] =	ssyncadd.s32 $0xFFFFEC00  }
0x1c: {  	[spmem:s15], [sflag:s14] =	dma.local [hbm:s5], $0x2800  }
0x1d: {  	_ =	swait.ge [sflag:s12], $0x2800  }
0x1e: {  	[sflag:s12] =	ssyncset.done $0x0  }
0x1f: {  	[sflag:s12] =	ssyncadd.s32 $0xFFFFD800  }
0x20: {  	s26 =	simm.s32 $0x14000;
	[bflag:$0x0] =	sbarrier.arrive $0xFFFF  }
0x21: {  	[tilespmem:s17], [sflag:$0x1] =	stream.indirect.gather [hbm4b:s4+s16], $0x80, s26, s16, $0xb8;
	[tilespmem:$0x1E800] =	vst v63  }
0x22: {  	s29 =	simm.s32 $0x14080  }
0x23: {  	[tilespmem:s18], [sflag:$0x2] =	stream.indirect.gather [hbm4b:s4+s16], $0x80, s29, s16, $0xb8;
	[tilespmem:$0x1E800] =	vst v63  }
0x24: {  	_ =	swait.ge [sflag:s19], $0x4000  }
0x25: {  	[sflag:s19] =	ssyncset.done $0x0  }
0x26: {  	s30 =	simm.s32 $0x15400;
	[sflag:s19] =	ssyncadd.s32 $0xFFFFC000  }
0x27: {  	[spmem:s2] =	stream.indirect.scatter.add.f32 [tilespmem:s17], [sflag:$0x3], $0x80, s30, s16, $0xb8;
	[tilespmem:$0x1E800] =	vst v63  }
0x28: {  	_ =	swait.ge [sflag:s20], $0x4000  }
0x29: {  	[sflag:s20] =	ssyncset.done $0x0  }
0x2a: {  	s31 =	simm.s32 $0x15480;
	[sflag:s20] =	ssyncadd.s32 $0xFFFFC000  }
0x2b: {  	[spmem:s2] =	stream.indirect.scatter.add.f32 [tilespmem:s18], [sflag:$0x4], $0x80, s31, s16, $0xb8;
	[tilespmem:$0x1E800] =	vst v63  }
0x2c: {  	_ =	swait.ge [sflag:s21], $0x4000  }
0x2d: {  	[sflag:s21] =	ssyncset.done $0x0  }
0x2e: {  	[sflag:s21] =	ssyncadd.s32 $0xFFFFC000  }
0x2f: {  	_ =	swait.ge [sflag:s22], $0x4000  }
0x30: {  	s28 =	simm.s32 $0x800;
	s26 =	simm.s32 $0x100;
	[sflag:s22] =	ssyncset.done $0x0  }
.LBB2_2:
0x31: {  	s29 =	sadd.s32 $0x14000, s26  }
0x32: {  	[sflag:s22] =	ssyncadd.s32 $0xFFFFC000;
	s30 =	smov.u32 s28;
	s31 =	sadd.s32 $0x400, s28  }
0x33: {  	[tilespmem:s17], [sflag:$0x1] =	stream.indirect.gather [hbm4b:s4+s16], $0x80, s29, s16, $0xb8;
	[tilespmem:$0x1E800] =	vst v63  }
0x34: {  	p1 =	sne.s32 s28, $0x4C00;
	s28 =	sadd.s32 $0x14080, s26  }
0x35: {  	[tilespmem:s18], [sflag:$0x2] =	stream.indirect.gather [hbm4b:s4+s16], $0x80, s28, s16, $0xb8;
	[tilespmem:$0x1E800] =	vst v63  }
0x36: {  	_ =	swait.ge [sflag:s19], $0x4000  }
0x37: {  	[sflag:s19] =	ssyncset.done $0x0  }
0x38: {  	s28 =	sadd.s32 $0x15400, s26;
	[sflag:s19] =	ssyncadd.s32 $0xFFFFC000  }
0x39: {  	[spmem:s2] =	stream.indirect.scatter.add.f32 [tilespmem:s17], [sflag:$0x3], $0x80, s28, s16, $0xb8;
	[tilespmem:$0x1E800] =	vst v63  }
0x3a: {  	_ =	swait.ge [sflag:s20], $0x4000  }
0x3b: {  	[sflag:s20] =	ssyncset.done $0x0  }
0x3c: {  	s26 =	sadd.s32 $0x15480, s26;
	[sflag:s20] =	ssyncadd.s32 $0xFFFFC000  }
0x3d: {  	[spmem:s2] =	stream.indirect.scatter.add.f32 [tilespmem:s18], [sflag:$0x4], $0x80, s26, s16, $0xb8;
	[tilespmem:$0x1E800] =	vst v63  }
.Ltmp0:
0x3e: {  	_ =	swait.ge [sflag:s21], $0x4000;
	(pc) =	sbr.rel @p1 .LBB2_2-.Ltmp0, $4  }
0x3f: {  	[sflag:s21] =	ssyncset.done $0x0  }
0x40: {  	[sflag:s21] =	ssyncadd.s32 $0xFFFFC000  }
0x41: {  	_ =	swait.ge [sflag:s22], $0x4000  }
0x42: {  	s28 =	smov.u32 s31;
	s26 =	sshra.s32 s30, $0x2;
	[sflag:s22] =	ssyncset.done $0x0  }
0x43: {  	s28 =	sadd.s32 $0x14000, s26;
	[sflag:s22] =	ssyncadd.s32 $0xFFFFC000  }
0x44: {  	[tilespmem:s17], [sflag:$0x1] =	stream.indirect.gather [hbm4b:s4+s16], $0x80, s28, s16, $0xb8;
	[tilespmem:$0x1E800] =	vst v63  }
0x45: {  	s29 =	sadd.s32 $0x14080, s26  }
0x46: {  	[tilespmem:s18], [sflag:$0x2] =	stream.indirect.gather [hbm4b:s4+s16], $0x80, s29, s16, $0xb8;
	[tilespmem:$0x1E800] =	vst v63  }
0x47: {  	_ =	swait.ge [sflag:s19], $0x4000  }
0x48: {  	[sflag:s19] =	ssyncset.done $0x0  }
0x49: {  	s30 =	sadd.s32 $0x15400, s26;
	[sflag:s19] =	ssyncadd.s32 $0xFFFFC000  }
0x4a: {  	[spmem:s2] =	stream.indirect.scatter.add.f32 [tilespmem:s17], [sflag:$0x3], $0x80, s30, s16, $0xb8;
	[tilespmem:$0x1E800] =	vst v63  }
0x4b: {  	_ =	swait.ge [sflag:s20], $0x4000  }
0x4c: {  	[sflag:s20] =	ssyncset.done $0x0  }
0x4d: {  	s31 =	sadd.s32 $0x15480, s26;
	[sflag:s20] =	ssyncadd.s32 $0xFFFFC000  }
0x4e: {  	[spmem:s2] =	stream.indirect.scatter.add.f32 [tilespmem:s18], [sflag:$0x4], $0x80, s31, s16, $0xb8;
	[tilespmem:$0x1E800] =	vst v63  }
0x4f: {  	_ =	swait.ge [sflag:s21], $0x4000  }
0x50: {  	[sflag:s21] =	ssyncset.done $0x0  }
0x51: {  	[sflag:s21] =	ssyncadd.s32 $0xFFFFC000  }
0x52: {  	_ =	swait.ge [sflag:s22], $0x4000  }
0x53: {  	[sflag:s22] =	ssyncset.done $0x0  }
0x54: {  	[sflag:s22] =	ssyncadd.s32 $0xFFFFC000  }
0x55: {  	[bflag:$0x0] =	sbarrier.arrive $0xFFFF  }
0x56: {  	[hbm:s8], [sflag:s14] =	dma.local [spmem:s23], $0x2700  }
0x57: {  	s25 =	sadd.s32 $0x1, s25;
	_ =	swait.ge [sflag:s12], $0x2700  }
0x58: {  	p1 =	sne.s32 s25, s10;
	[sflag:s12] =	ssyncset.done $0x0  }
.Ltmp1:
0x59: {  	s26 =	simm.s32 @!p0 $0x5;
	[sflag:s12] =	ssyncadd.s32 $0xFFFFD900;
	(pc) =	sbr.rel @p1 .LBB2_1-.Ltmp1, $4  }
0x5a: {  	[hbm:s9], [sflag:s14] =	dma.local @!p0 [spmem:s24], $0x100  }
0x5b: {  	_ =	swait.ge @!p0 [sflag:s26], $0x100  }
0x5c: {  	[sflag:s26] =	ssyncset.done @!p0 $0x0  }
0x5d: {  	[sflag:s26] =	ssyncadd.s32 @!p0 $0xFFFFFF00  }
0x5e: {  	_ =	sfence.sel $0x180000  }
0x5f: {  	[bflag:$0x0] =	sbarrier.arrive $0xFFFF  }
0x60: {  	p0 =	sne.s32 s0, $0x0;
	_ =	strace $0x9000004D  }
0x61: {  	s0 =	sadd.s32 @!p0 $0x100000, s1;
	[bflag:$0x2] =	sbarrier.arrive $0xFFFF  }
0x62: {  	[sflag:s0] =	ssyncadd.tile.s32 @!p0 $0x1;
	_ =	shalt  }
.Lfunc_end2:
_tile_overlayer_lowered:
.L_overlay_start_2:
0x63: {  	(tag) =	ssettag $0x2  }
0x64: {  	s0 =	rddreg [dreg:$0x0];
	s2 =	stileid.u32  }
0x65: {  	s1 =	rddreg [dreg:$0x1];
	p0 =	sne.s32 s2, $0x0  }
0x66: {  	s3 =	rddreg [dreg:$0x2];
	[bflag:$0x3] =	sbarrier.arrive $0xFFFF;
	s2 =	simm.s32 @!p0 $0x1C05  }
0x67: {  	[timem:s3], [sflag:s2] =	dma.local @!p0 [hbm:s0], s1  }
0x68: {  	s0 =	simm.s32 @!p0 $0x5  }
0x69: {  	_ =	swait.ge @!p0 [sflag:s0], s1  }
0x6a: {  	s1 =	ssub.s32 @!p0 $0x0, s1;
	[sflag:s0] =	ssyncset.done @!p0 $0x0  }
0x6b: {  	[sflag:s0] =	ssyncadd.s32 @!p0 s1  }
0x6c: {  	[bflag:$0x3] =	sbarrier.arrive $0xFFFF  }
0x6d: {  	_ =	shalt  }

// kernel: kernel.14.cloned.1.call-start
scs
__scs_entry_jumppad:
0x0: {  	(pc) =	sbr.rel $0x88, $3  }
0x1: {  	(tag) =	ssettag $0x0;
	lr =	simm.s32 $0x1  }
0x2: {  	[smem:$0x3F94] =	sst lr;
	_ =	strace $0xD0000000  }
0x3: {  	_ = 	snop  }
0x4: {  	_ = 	snop  }
0x5: {  	_ = 	snop  }
0x6: {  	_ = 	snop  }
0x7: {  	_ = 	snop  }
__scs_overlays_trampoline_lowered:
0x8: {  	[smem:$0x3FA3] =	sst s0  }
0x9: {  	[smem:$0x3FA4] =	sst s1  }
0xa: {  	[smem:$0x3FA5] =	sst s2  }
0xb: {  	[smem:$0x3FA6] =	sst s3  }
0xc: {  	[smem:$0x3FA7] =	sst s4  }
0xd: {  	[smem:$0x3FA8] =	sst s5  }
0xe: {  	[smem:$0x3FA9] =	sst s6  }
0xf: {  	[smem:$0x3FAA] =	sst s7  }
0x10: {  	[smem:$0x3FAB] =	sst s8  }
0x11: {  	[smem:$0x3FAC] =	sst s9;
	s0 =	simm.s32 @!p0 $0x0  }
0x12: {  	s1 =	sld [smem:$0x3F92];
	s0 =	simm.s32 @p0 $0x1  }
0x13: {  	[smem:$0x3FAD] =	sst s0;
	s0 =	simm.s32 @!p1 $0x0  }
0x14: {  	s2 =	sld [smem:$0x3F91];
	s0 =	simm.s32 @p1 $0x1  }
0x15: {  	[smem:$0x3FAE] =	sst s0;
	s0 =	simm.s32 @!p2 $0x0  }
0x16: {  	s3 =	sld [smem:$0x3FDB];
	s0 =	simm.s32 @p2 $0x1  }
0x17: {  	s4 =	simm.s32 $0x1BF5;
	[smem:$0x3FB0] =	sst s0  }
0x18: {  	s0 =	sld [smem:$0x3F93];
	_ =	swait.ge [sflag:s4], $0x0  }
0x19: {  	s7 =	sld [smem:$0x3F94]  }
0x1a: {  	s8 =	sadd.s32 $0xFFFFE003, lr  }
0x1b: {  	s9 =	sadd.s32 $0xFFFFFEF7, lr;
	s5 =	simm.s32 $0xFFFFFFFF;
	p2 =	slt.u32 s8, $0xFFFFF086  }
0x1c: {  	p1 =	slt.u32 s9, $0xF7A;
	s5 =	simm.s32 @!p2 $0x0  }
0x1d: {  	s5 =	simm.s32 @p1 $0x1;
	p0 =	seq.s32 s7, s2  }
0x1e: {  	s7 =	smul.u32 @!p0 $0xF7A, s2;
	p2 =	seq.s32 @!p0 s5, $0x0  }
0x1f: {  	s9 =	smul.u32 $0xF7A, s1;
	s8 =	simm.s32 @!p0 $0x1BF5;
	p2 =	por !p2, p0  }
0x20: {  	[sflag:s8] =	ssyncset.s32 @!p0 $0xFFFFF086;
	s6 =	sadd.s32 @!p0 s3, s7;
	s7 =	simm.s32 @!p0 $0x108  }
0x21: {  	s3 =	sadd.s32 s3, s9;
	s6 =	sadd.s32 @!p0 $0x88, s6;
	s7 =	simm.s32 @p2 $0x1082  }
0x22: {  	[simem:s7], [sflag:s8] =	dma.local @!p0 [hbm:s6], $0xF7A  }
0x23: {  	s9 =	sor.u32 $0xD0000000, s2;
	s6 =	simm.s32 $0x108;
	_ =	swait.ge @!p0 [sflag:s8], $0x0  }
0x24: {  	s3 =	sadd.s32 $0x88, s3;
	s6 =	simm.s32 @!p1 $0x1082;
	[sflag:s4] =	ssyncset.s32 $0xFFFFF086  }
0x25: {  	[simem:s6], [sflag:s4] =	dma.local [hbm:s3], $0xF7A  }
0x26: {  	[smem:$0x3F94] =	sst s1;
	(tag) =	ssettag s2;
	_ =	strace s9  }
0x27: {  	s1 =	sld [smem:$0x3FA4]  }
0x28: {  	s2 =	sld [smem:$0x3FA5]  }
0x29: {  	s4 =	sld [smem:$0x3FA7]  }
0x2a: {  	p0 =	seq.s32 s5, $0x0;
	s5 =	sld [smem:$0x3FA8]  }
0x2b: {  	s6 =	sld [smem:$0x3FA9]  }
0x2c: {  	s7 =	sld [smem:$0x3FAA]  }
0x2d: {  	s3 =	simm.s32 $0x108;
	s8 =	sld [smem:$0x3FAB]  }
0x2e: {  	s3 =	simm.s32 @!p0 $0x1082;
	s9 =	sld [smem:$0x3FAC]  }
0x2f: {  	lr =	sadd.s32 s0, s3;
	s0 =	sld [smem:$0x3FA3]  }
0x30: {  	s3 =	sld [smem:$0x3FA6]  }
0x31: {  	[smem:$0x3FAF] =	sst s10  }
0x32: {  	s10 =	sld [smem:$0x3FAD];
	_ =	sdelay $0x3  }
0x33: {  	p0 =	seq.s32 s10, $0x1;
	s10 =	sld [smem:$0x3FAF];
	_ =	sdelay $0x3  }
0x34: {  	[smem:$0x3FAF] =	sst s10  }
0x35: {  	s10 =	sld [smem:$0x3FAE];
	_ =	sdelay $0x3  }
0x36: {  	p1 =	seq.s32 s10, $0x1;
	s10 =	sld [smem:$0x3FAF];
	_ =	sdelay $0x3  }
0x37: {  	[smem:$0x3FAF] =	sst s10  }
0x38: {  	s10 =	sld [smem:$0x3FB0]  }
0x39: {  	_ = 	snop;
	(pc) =	sbr.ind lr, $3  }
0x3a: {  	_ = 	snop  }
0x3b: {  	_ = 	snop  }
0x3c: {  	p2 =	seq.s32 s10, $0x1;
	s10 =	sld [smem:$0x3FAF]  }
0x3d: {  	_ =	shalt  }
0x3e: {  	_ =	shalt  }
0x3f: {  	_ =	shalt  }
0x40: {  	_ =	shalt  }
0x41: {  	_ =	shalt  }
0x42: {  	_ =	shalt  }
0x43: {  	_ =	shalt  }
0x44: {  	_ =	shalt  }
0x45: {  	_ =	shalt  }
0x46: {  	_ =	shalt  }
0x47: {  	_ =	shalt  }
0x48: {  	_ =	shalt  }
0x49: {  	_ =	shalt  }
0x4a: {  	_ =	shalt  }
0x4b: {  	_ =	shalt  }
0x4c: {  	_ =	shalt  }
0x4d: {  	_ =	shalt  }
0x4e: {  	_ =	shalt  }
0x4f: {  	_ =	shalt  }
0x50: {  	_ =	shalt  }
0x51: {  	_ =	shalt  }
0x52: {  	_ =	shalt  }
0x53: {  	_ =	shalt  }
0x54: {  	_ =	shalt  }
0x55: {  	_ =	shalt  }
0x56: {  	_ =	shalt  }
0x57: {  	_ =	shalt  }
0x58: {  	_ =	shalt  }
0x59: {  	_ =	shalt  }
0x5a: {  	_ =	shalt  }
0x5b: {  	_ =	shalt  }
0x5c: {  	_ =	shalt  }
0x5d: {  	_ =	shalt  }
0x5e: {  	_ =	shalt  }
0x5f: {  	_ =	shalt  }
0x60: {  	_ =	shalt  }
0x61: {  	_ =	shalt  }
0x62: {  	_ =	shalt  }
0x63: {  	_ =	shalt  }
0x64: {  	_ =	shalt  }
0x65: {  	_ =	shalt  }
0x66: {  	_ =	shalt  }
0x67: {  	_ =	shalt  }
0x68: {  	_ =	shalt  }
0x69: {  	_ =	shalt  }
0x6a: {  	_ =	shalt  }
0x6b: {  	_ =	shalt  }
0x6c: {  	_ =	shalt  }
0x6d: {  	_ =	shalt  }
0x6e: {  	_ =	shalt  }
0x6f: {  	_ =	shalt  }
0x70: {  	_ =	shalt  }
0x71: {  	_ =	shalt  }
0x72: {  	_ =	shalt  }
0x73: {  	_ =	shalt  }
0x74: {  	_ =	shalt  }
0x75: {  	_ =	shalt  }
0x76: {  	_ =	shalt  }
0x77: {  	_ =	shalt  }
0x78: {  	_ =	shalt  }
0x79: {  	_ =	shalt  }
0x7a: {  	_ =	shalt  }
0x7b: {  	_ =	shalt  }
0x7c: {  	_ =	shalt  }
0x7d: {  	_ =	shalt  }
0x7e: {  	_ =	shalt  }
0x7f: {  	_ =	shalt  }
0x80: {  	_ =	shalt  }
0x81: {  	_ =	shalt  }
0x82: {  	_ =	shalt  }
0x83: {  	_ =	shalt  }
0x84: {  	_ =	shalt  }
0x85: {  	_ =	shalt  }
0x86: {  	_ =	shalt  }
0x87: {  	_ =	shalt  }
.Lfunc_end0:
.L_simem_size_0:
called_computation.2_lowered:
.L_overlay_start_0:
0x88: {  	s2 =	sld [smem:$0x3FD9]  }
0x89: {  	s3 =	sld [smem:$0x3FFE];
	_ =	sdelay $0x1  }
0x8a: {  	s1 =	srdreg.scid  }
0x8b: {  	s0 =	sand.u32 $0x1, s1  }
0x8c: {  	s17 =	sshll.u32 s0, $0xA;
	s2 =	sadd.s32 s3, s2  }
0x8d: {  	s2 =	sadd.s32 s2, s17  }
0x8e: {  	[smem:$0x3FBB] =	sst s2  }
0x8f: {  	_ = 	snop  }
0x90: {  	(tm) =	ssettm $0x1  }
0x91: {  	s18 =	sld [smem:$0x3FFB];
	_ =	sdelay $0x3  }
0x92: {  	_ =	strace s18  }
0x93: {  	s2 =	sld [smem:$0x3FFC];
	_ =	sdelay $0x3  }
0x94: {  	_ =	strace s2  }
0x95: {  	s2 =	sld [smem:$0x3FFD];
	_ =	sdelay $0x3  }
0x96: {  	_ =	strace s2  }
0x97: {  	_ =	strace $0x8FFFFFFF  }
0x98: {  	s19 =	sld [smem:$0x3FDB];
	_ =	sdelay $0x1  }
0x99: {  	s20 =	simm.s32 $_scs_section_size  }
0x9a: {  	s4 =	simm.s32 $_size__tile_overlayer_lowered;
	s5 =	simm.s32 $_tile_overlayer_lowered  }
0x9b: {  	s6 =	simm.s32 $0x1BFF;
	s21 =	sshll.u32 s5, $0x1;
	s3 =	sadd.s32 s20, s19  }
0x9c: {  	s22 =	simm.s32 $0x0;
	s4 =	sshll.u32 s4, $0x1;
	s5 =	sadd.s32 s21, s3  }
0x9d: {  	[timem:s22], [sflag:s6] =	dma.local [hbm:s5], s4  }
0x9e: {  	_ =	swait.ge [sflag:s6], s4  }
0x9f: {  	s4 =	ssub.s32 $0x0, s4;
	[sflag:s6] =	ssyncset.done $0x0  }
0xa0: {  	[sflag:s6] =	ssyncadd.s32 s4;
	_ =	sdelay $0x1  }
0xa1: {  	s23 =	simm.s32 $0x1B8B  }
0xa2: {  	_ =	swait.ge [sflag:s23], $0x1  }
0xa3: {  	[sflag:s23] =	ssyncset.done $0x0  }
0xa4: {  	[sflag:s23] =	ssyncadd.s32 $0xFFFFFFFF  }
0xa5: {  	s4 =	sld [smem:$0x0]  }
0xa6: {  	s5 =	sand.u32 $0xFFFFFFFE, s1  }
0xa7: {  	p0 =	sne.s32 s1, s5  }
0xa8: {  	s5 =	sshll.u32 @p0 s5, $0xE  }
0xa9: {  	s5 =	sadd.s32 @p0 $0x11B8D, s5;
	s6 =	sshll.u32 @p0 s4, $0x11  }
0xaa: {  	s5 =	sor.u32 @p0 s6, s5  }
0xab: {  	[sflag:s5] =	ssyncadd.remote.s32 @p0 $0x1;
	_ =	sdelay $0x1  }
0xac: {  	s5 =	simm.s32 @p0 $0x1B8D  }
0xad: {  	_ =	swait.eq @p0 [sflag:s5], $0x1  }
0xae: {  	[sflag:s5] =	ssyncadd.s32 @p0 $0xFFFFFFFF  }
0xaf: {  	s6 =	sshll.u32 @!p0 s1, $0xE  }
0xb0: {  	s6 =	sor.u32 @!p0 $0x4000, s6;
	s5 =	simm.s32 @!p0 $0x1B8D  }
0xb1: {  	s4 =	sshll.u32 @!p0 s4, $0x11;
	s6 =	sadd.s32 @!p0 $0x11B8D, s6;
	_ =	swait.eq @!p0 [sflag:s5], $0x1  }
0xb2: {  	s4 =	sor.u32 @!p0 s4, s6;
	[sflag:s5] =	ssyncadd.s32 @!p0 $0xFFFFFFFF  }
0xb3: {  	s25 =	simm.s32 $0x1B8E;
	s24 =	sld [smem:$0x3FFE];
	[sflag:s4] =	ssyncadd.remote.s32 @!p0 $0x1  }
0xb4: {  	s26 =	simm.s32 $execute0_lowered;
	[smem:$0x3FD2] =	sst s25  }
0xb5: {  	s5 =	sshll.u32 s26, $0x1;
	_ =	strace $0x80000049;
	[dreg:$0x1] =	wrdreg $0xFFFFFFFF  }
0xb6: {  	s28 =	simm.s32 $_size_execute0_lowered;
	s3 =	sadd.s32 s3, s5;
	[dreg:$0x0] =	wrdreg $0x0  }
0xb7: {  	s5 =	sshll.u32 s28, $0x1;
	[dreg:$0x2] =	wrdreg s3  }
0xb8: {  	[dreg:$0x3] =	wrdreg s5  }
0xb9: {  	[dreg:$0x4] =	wrdreg $0xC0  }
0xba: {  	_ =	task [dreg:s22], $0x5FFFF  }
0xbb: {  	[dreg:$0x1] =	wrdreg $0xFFFFFFFF  }
0xbc: {  	[dreg:$0x0] =	wrdreg $0x60  }
0xbd: {  	[dreg:$0x2] =	wrdreg s24  }
0xbe: {  	[dreg:$0x3] =	wrdreg $0x0  }
0xbf: {  	[dreg:$0x4] =	wrdreg $0xB  }
0xc0: {  	_ =	task.clear_ibuf [dreg:s22], $0x5FFFF;
	_ =	strace $0x90000049  }
0xc1: {  	s29 =	simm.s32 $0xB;
	_ =	strace $0x8000004B  }
0xc2: {  	_ =	swait.ge [sflag:s29], $0x1  }
0xc3: {  	[sflag:s29] =	ssyncadd.s32 $0xFFFFFFFF  }
0xc4: {  	_ =	strace $0x9000004B  }
0xc5: {  	_ =	sfence  }
0xc6: {  	s30 =	sld [smem:$0x0];
	_ =	sdelay $0x2  }
0xc7: {  	s31 =	sshll.u32 s1, $0xD;
	s1 =	sshrl.u32 s1, $0x2  }
0xc8: {  	s4 =	sand.u32 $0x4000, s31;
	s1 =	sadd.s32 s1, s30  }
0xc9: {  	s0 =	sor.u32 s4, s0;
	s1 =	sshll.u32 s1, $0x11  }
0xca: {  	s0 =	sor.u32 s1, s0  }
0xcb: {  	s0 =	sadd.s32 $0x8F2B, s0  }
0xcc: {  	[sflag:s0] =	ssyncadd.remote.s32 $0x1  }
0xcd: {  	_ =	sfence.sel $0xFFFF  }
0xce: {  	[dreg:$0x0] =	wrdreg $0xFFFFFFFF;
	(pc) =	sbr.abs _section_cstart, $3  }
0xcf: {  	[dreg:$0x1] =	wrdreg $0xFFFFFFFF  }
0xd0: {  	_ =	task.clear_ibuf [dreg:s22], $0x2FFFF;
	_ =	strace $0x9FFFFFFF  }
0xd1: {  	(tm) =	ssettm $0x7FFFFFFF  }
tec
execute0_lowered:
.L_overlay_start_1:
0x0: {  	(tag) =	ssettag $0x1  }
0x1: {  	s6 =	rddreg [dreg:$0x0]  }
0x2: {  	s1 =	srdreg.scid;
	s0 =	stileid.u32  }
0x3: {  	s2 =	rddreg [dreg:$0x1];
	s3 =	simm.s32 $0x0;
	s16 =	simm.s32 $0x80  }
0x4: {  	s17 =	simm.s32 $0x16800;
	s18 =	simm.s32 $0x1A800;
	s19 =	simm.s32 $0x1  }
0x5: {  	s20 =	simm.s32 $0x2;
	s21 =	simm.s32 $0x3;
	s22 =	simm.s32 $0x4  }
0x6: {  	s7 =	sand.u32 $0x1, s1;
	s1 =	rddreg [dreg:$0x2];
	s9 =	smul.u32 $0x50000, s0  }
0x7: {  	s4 =	sshll.u32 s0, $0x1;
	[smem:$0x7FF] =	sst s3;
	s13 =	smul.u32 $0x13800, s0  }
0x8: {  	s12 =	sadd.s32 $0xE2000, s6;
	s28 =	smul.u32 $0x4E000, s0;
	s14 =	sshll.u32 s0, $0x6  }
0x9: {  	p0 =	sne.s32 s0, $0xF;
	s4 =	sor.u32 s7, s4;
	_ =	strace $0x8000004A  }
0xa: {  	s10 =	ssub.s32 $0x2, s7;
	s11 =	smul.u32 $0x138800, s7;
	s14 =	sor.u32 $0x1C05, s14  }
0xb: {  	s5 =	smul.u32 $0x280, s4;
	s4 =	sadd.s32 $0x3200, s6;
	s24 =	sshrl.u32 s10, $0x1  }
0xc: {  	s25 =	sshrl.u32 s9, $0x2;
	s31 =	sshrl.u32 s28, $0x2;
	s10 =	ssub.s32 s10, s24  }
0xd: {  	s26 =	sadd.s32 s13, s11;
	s15 =	sadd.s32 s25, s2;
	s30 =	sshrl.u32 s11, $0x3  }
0xe: {  	s23 =	sadd.s32 s31, s2;
	s24 =	sadd.s32 $0x138000, s2;
	s11 =	simm.s32 $0x15400  }
0xf: {  	s13 =	simm.s32 $0x14000;
	s25 =	simm.s32 $0x0;
	s8 =	sadd.s32 s5, s6  }
0x10: {  	s5 =	sadd.s32 $0x91600, s6;
	s29 =	sshrl.u32 s26, $0x3;
	s9 =	sadd.s32 s12, s30  }
0x11: {  	s10 =	smax.u32 s10, $0x1;
	s15 =	sshrl.u32 s15, $0x3;
	s23 =	sshrl.u32 s23, $0x3  }
0x12: {  	s24 =	sshrl.u32 @!p0 s24, $0x3;
	s6 =	sadd.s32 $0x8C600, s8;
	s7 =	sadd.s32 $0x7D600, s8  }
0x13: {  	s8 =	sadd.s32 s12, s29;
	s9 =	sadd.s32 $0x27000, s9;
	s12 =	simm.s32 $0x5  }
.LBB2_1:
0x14: {  	[tilespmem:s11], [sflag:$0x5] =	stream.linear.gather [hbm4b:s6+s3], $0x1400, $0x38;
	[tilespmem:$0x1E800] =	vst v63  }
0x15: {  	_ =	swait.ge [sflag:s12], $0x1400  }
0x16: {  	[sflag:s12] =	ssyncset.done $0x0  }
0x17: {  	[sflag:s12] =	ssyncadd.s32 $0xFFFFEC00  }
0x18: {  	[tilespmem:s13], [sflag:$0x5] =	stream.linear.gather [hbm4b:s7+s3], $0x1400, $0x38;
	[tilespmem:$0x1E800] =	vst v63  }
0x19: {  	_ =	swait.ge [sflag:s12], $0x1400  }
0x1a: {  	[sflag:s12] =	ssyncset.done $0x0  }
0x1b: {  	[sflag:s12] =	ssyncadd.s32 $0xFFFFEC00  }
0x1c: {  	[spmem:s15], [sflag:s14] =	dma.local [hbm:s5], $0x2800  }
0x1d: {  	_ =	swait.ge [sflag:s12], $0x2800  }
0x1e: {  	[sflag:s12] =	ssyncset.done $0x0  }
0x1f: {  	[sflag:s12] =	ssyncadd.s32 $0xFFFFD800  }
0x20: {  	s26 =	simm.s32 $0x14000;
	[bflag:$0x0] =	sbarrier.arrive $0xFFFF  }
0x21: {  	[tilespmem:s17], [sflag:$0x1] =	stream.indirect.gather [hbm4b:s4+s16], $0x80, s26, s16, $0xb8;
	[tilespmem:$0x1E800] =	vst v63  }
0x22: {  	s29 =	simm.s32 $0x14080  }
0x23: {  	[tilespmem:s18], [sflag:$0x2] =	stream.indirect.gather [hbm4b:s4+s16], $0x80, s29, s16, $0xb8;
	[tilespmem:$0x1E800] =	vst v63  }
0x24: {  	_ =	swait.ge [sflag:s19], $0x4000  }
0x25: {  	[sflag:s19] =	ssyncset.done $0x0  }
0x26: {  	s30 =	simm.s32 $0x15400;
	[sflag:s19] =	ssyncadd.s32 $0xFFFFC000  }
0x27: {  	[spmem:s2] =	stream.indirect.scatter.add.f32 [tilespmem:s17], [sflag:$0x3], $0x80, s30, s16, $0xb8;
	[tilespmem:$0x1E800] =	vst v63  }
0x28: {  	_ =	swait.ge [sflag:s20], $0x4000  }
0x29: {  	[sflag:s20] =	ssyncset.done $0x0  }
0x2a: {  	s31 =	simm.s32 $0x15480;
	[sflag:s20] =	ssyncadd.s32 $0xFFFFC000  }
0x2b: {  	[spmem:s2] =	stream.indirect.scatter.add.f32 [tilespmem:s18], [sflag:$0x4], $0x80, s31, s16, $0xb8;
	[tilespmem:$0x1E800] =	vst v63  }
0x2c: {  	_ =	swait.ge [sflag:s21], $0x4000  }
0x2d: {  	[sflag:s21] =	ssyncset.done $0x0  }
0x2e: {  	[sflag:s21] =	ssyncadd.s32 $0xFFFFC000  }
0x2f: {  	_ =	swait.ge [sflag:s22], $0x4000  }
0x30: {  	s28 =	simm.s32 $0x800;
	s26 =	simm.s32 $0x100;
	[sflag:s22] =	ssyncset.done $0x0  }
.LBB2_2:
0x31: {  	s29 =	sadd.s32 $0x14000, s26  }
0x32: {  	[sflag:s22] =	ssyncadd.s32 $0xFFFFC000;
	s30 =	smov.u32 s28;
	s31 =	sadd.s32 $0x400, s28  }
0x33: {  	[tilespmem:s17], [sflag:$0x1] =	stream.indirect.gather [hbm4b:s4+s16], $0x80, s29, s16, $0xb8;
	[tilespmem:$0x1E800] =	vst v63  }
0x34: {  	p1 =	sne.s32 s28, $0x4C00;
	s28 =	sadd.s32 $0x14080, s26  }
0x35: {  	[tilespmem:s18], [sflag:$0x2] =	stream.indirect.gather [hbm4b:s4+s16], $0x80, s28, s16, $0xb8;
	[tilespmem:$0x1E800] =	vst v63  }
0x36: {  	_ =	swait.ge [sflag:s19], $0x4000  }
0x37: {  	[sflag:s19] =	ssyncset.done $0x0  }
0x38: {  	s28 =	sadd.s32 $0x15400, s26;
	[sflag:s19] =	ssyncadd.s32 $0xFFFFC000  }
0x39: {  	[spmem:s2] =	stream.indirect.scatter.add.f32 [tilespmem:s17], [sflag:$0x3], $0x80, s28, s16, $0xb8;
	[tilespmem:$0x1E800] =	vst v63  }
0x3a: {  	_ =	swait.ge [sflag:s20], $0x4000  }
0x3b: {  	[sflag:s20] =	ssyncset.done $0x0  }
0x3c: {  	s26 =	sadd.s32 $0x15480, s26;
	[sflag:s20] =	ssyncadd.s32 $0xFFFFC000  }
0x3d: {  	[spmem:s2] =	stream.indirect.scatter.add.f32 [tilespmem:s18], [sflag:$0x4], $0x80, s26, s16, $0xb8;
	[tilespmem:$0x1E800] =	vst v63  }
.Ltmp0:
0x3e: {  	_ =	swait.ge [sflag:s21], $0x4000;
	(pc) =	sbr.rel @p1 .LBB2_2-.Ltmp0, $4  }
0x3f: {  	[sflag:s21] =	ssyncset.done $0x0  }
0x40: {  	[sflag:s21] =	ssyncadd.s32 $0xFFFFC000  }
0x41: {  	_ =	swait.ge [sflag:s22], $0x4000  }
0x42: {  	s28 =	smov.u32 s31;
	s26 =	sshra.s32 s30, $0x2;
	[sflag:s22] =	ssyncset.done $0x0  }
0x43: {  	s28 =	sadd.s32 $0x14000, s26;
	[sflag:s22] =	ssyncadd.s32 $0xFFFFC000  }
0x44: {  	[tilespmem:s17], [sflag:$0x1] =	stream.indirect.gather [hbm4b:s4+s16], $0x80, s28, s16, $0xb8;
	[tilespmem:$0x1E800] =	vst v63  }
0x45: {  	s29 =	sadd.s32 $0x14080, s26  }
0x46: {  	[tilespmem:s18], [sflag:$0x2] =	stream.indirect.gather [hbm4b:s4+s16], $0x80, s29, s16, $0xb8;
	[tilespmem:$0x1E800] =	vst v63  }
0x47: {  	_ =	swait.ge [sflag:s19], $0x4000  }
0x48: {  	[sflag:s19] =	ssyncset.done $0x0  }
0x49: {  	s30 =	sadd.s32 $0x15400, s26;
	[sflag:s19] =	ssyncadd.s32 $0xFFFFC000  }
0x4a: {  	[spmem:s2] =	stream.indirect.scatter.add.f32 [tilespmem:s17], [sflag:$0x3], $0x80, s30, s16, $0xb8;
	[tilespmem:$0x1E800] =	vst v63  }
0x4b: {  	_ =	swait.ge [sflag:s20], $0x4000  }
0x4c: {  	[sflag:s20] =	ssyncset.done $0x0  }
0x4d: {  	s31 =	sadd.s32 $0x15480, s26;
	[sflag:s20] =	ssyncadd.s32 $0xFFFFC000  }
0x4e: {  	[spmem:s2] =	stream.indirect.scatter.add.f32 [tilespmem:s18], [sflag:$0x4], $0x80, s31, s16, $0xb8;
	[tilespmem:$0x1E800] =	vst v63  }
0x4f: {  	_ =	swait.ge [sflag:s21], $0x4000  }
0x50: {  	[sflag:s21] =	ssyncset.done $0x0  }
0x51: {  	[sflag:s21] =	ssyncadd.s32 $0xFFFFC000  }
0x52: {  	_ =	swait.ge [sflag:s22], $0x4000  }
0x53: {  	[sflag:s22] =	ssyncset.done $0x0  }
0x54: {  	[sflag:s22] =	ssyncadd.s32 $0xFFFFC000  }
0x55: {  	[bflag:$0x0] =	sbarrier.arrive $0xFFFF  }
0x56: {  	[hbm:s8], [sflag:s14] =	dma.local [spmem:s23], $0x2700  }
0x57: {  	s25 =	sadd.s32 $0x1, s25;
	_ =	swait.ge [sflag:s12], $0x2700  }
0x58: {  	p1 =	sne.s32 s25, s10;
	[sflag:s12] =	ssyncset.done $0x0  }
.Ltmp1:
0x59: {  	s26 =	simm.s32 @!p0 $0x5;
	[sflag:s12] =	ssyncadd.s32 $0xFFFFD900;
	(pc) =	sbr.rel @p1 .LBB2_1-.Ltmp1, $4  }
0x5a: {  	[hbm:s9], [sflag:s14] =	dma.local @!p0 [spmem:s24], $0x100  }
0x5b: {  	_ =	swait.ge @!p0 [sflag:s26], $0x100  }
0x5c: {  	[sflag:s26] =	ssyncset.done @!p0 $0x0  }
0x5d: {  	[sflag:s26] =	ssyncadd.s32 @!p0 $0xFFFFFF00  }
0x5e: {  	_ =	sfence.sel $0x180000  }
0x5f: {  	[bflag:$0x0] =	sbarrier.arrive $0xFFFF  }
0x60: {  	p0 =	sne.s32 s0, $0x0;
	_ =	strace $0x9000004A  }
0x61: {  	s0 =	sadd.s32 @!p0 $0x100000, s1;
	[bflag:$0x2] =	sbarrier.arrive $0xFFFF  }
0x62: {  	[sflag:s0] =	ssyncadd.tile.s32 @!p0 $0x1;
	_ =	shalt  }
.Lfunc_end2:
_tile_overlayer_lowered:
.L_overlay_start_2:
0x63: {  	(tag) =	ssettag $0x2  }
0x64: {  	s0 =	rddreg [dreg:$0x0];
	s2 =	stileid.u32  }
0x65: {  	s1 =	rddreg [dreg:$0x1];
	p0 =	sne.s32 s2, $0x0  }
0x66: {  	s3 =	rddreg [dreg:$0x2];
	[bflag:$0x3] =	sbarrier.arrive $0xFFFF;
	s2 =	simm.s32 @!p0 $0x1C05  }
0x67: {  	[timem:s3], [sflag:s2] =	dma.local @!p0 [hbm:s0], s1  }
0x68: {  	s0 =	simm.s32 @!p0 $0x5  }
0x69: {  	_ =	swait.ge @!p0 [sflag:s0], s1  }
0x6a: {  	s1 =	ssub.s32 @!p0 $0x0, s1;
	[sflag:s0] =	ssyncset.done @!p0 $0x0  }
0x6b: {  	[sflag:s0] =	ssyncadd.s32 @!p0 s1  }
0x6c: {  	[bflag:$0x3] =	sbarrier.arrive $0xFFFF  }
0x6d: {  	_ =	shalt  }

// kernel: kernel.17.cloned.1.call-start
scs
__scs_entry_jumppad:
0x0: {  	(pc) =	sbr.rel $0x88, $3  }
0x1: {  	(tag) =	ssettag $0x0;
	lr =	simm.s32 $0x1  }
0x2: {  	[smem:$0x3F94] =	sst lr;
	_ =	strace $0xD0000000  }
0x3: {  	_ = 	snop  }
0x4: {  	_ = 	snop  }
0x5: {  	_ = 	snop  }
0x6: {  	_ = 	snop  }
0x7: {  	_ = 	snop  }
__scs_overlays_trampoline_lowered:
0x8: {  	[smem:$0x3FA3] =	sst s0  }
0x9: {  	[smem:$0x3FA4] =	sst s1  }
0xa: {  	[smem:$0x3FA5] =	sst s2  }
0xb: {  	[smem:$0x3FA6] =	sst s3  }
0xc: {  	[smem:$0x3FA7] =	sst s4  }
0xd: {  	[smem:$0x3FA8] =	sst s5  }
0xe: {  	[smem:$0x3FA9] =	sst s6  }
0xf: {  	[smem:$0x3FAA] =	sst s7  }
0x10: {  	[smem:$0x3FAB] =	sst s8  }
0x11: {  	[smem:$0x3FAC] =	sst s9;
	s0 =	simm.s32 @!p0 $0x0  }
0x12: {  	s1 =	sld [smem:$0x3F92];
	s0 =	simm.s32 @p0 $0x1  }
0x13: {  	[smem:$0x3FAD] =	sst s0;
	s0 =	simm.s32 @!p1 $0x0  }
0x14: {  	s2 =	sld [smem:$0x3F91];
	s0 =	simm.s32 @p1 $0x1  }
0x15: {  	[smem:$0x3FAE] =	sst s0;
	s0 =	simm.s32 @!p2 $0x0  }
0x16: {  	s3 =	sld [smem:$0x3FDB];
	s0 =	simm.s32 @p2 $0x1  }
0x17: {  	s4 =	simm.s32 $0x1BF5;
	[smem:$0x3FB0] =	sst s0  }
0x18: {  	s0 =	sld [smem:$0x3F93];
	_ =	swait.ge [sflag:s4], $0x0  }
0x19: {  	s7 =	sld [smem:$0x3F94]  }
0x1a: {  	s8 =	sadd.s32 $0xFFFFE003, lr  }
0x1b: {  	s9 =	sadd.s32 $0xFFFFFEF7, lr;
	s5 =	simm.s32 $0xFFFFFFFF;
	p2 =	slt.u32 s8, $0xFFFFF086  }
0x1c: {  	p1 =	slt.u32 s9, $0xF7A;
	s5 =	simm.s32 @!p2 $0x0  }
0x1d: {  	s5 =	simm.s32 @p1 $0x1;
	p0 =	seq.s32 s7, s2  }
0x1e: {  	s7 =	smul.u32 @!p0 $0xF7A, s2;
	p2 =	seq.s32 @!p0 s5, $0x0  }
0x1f: {  	s9 =	smul.u32 $0xF7A, s1;
	s8 =	simm.s32 @!p0 $0x1BF5;
	p2 =	por !p2, p0  }
0x20: {  	[sflag:s8] =	ssyncset.s32 @!p0 $0xFFFFF086;
	s6 =	sadd.s32 @!p0 s3, s7;
	s7 =	simm.s32 @!p0 $0x108  }
0x21: {  	s3 =	sadd.s32 s3, s9;
	s6 =	sadd.s32 @!p0 $0x88, s6;
	s7 =	simm.s32 @p2 $0x1082  }
0x22: {  	[simem:s7], [sflag:s8] =	dma.local @!p0 [hbm:s6], $0xF7A  }
0x23: {  	s9 =	sor.u32 $0xD0000000, s2;
	s6 =	simm.s32 $0x108;
	_ =	swait.ge @!p0 [sflag:s8], $0x0  }
0x24: {  	s3 =	sadd.s32 $0x88, s3;
	s6 =	simm.s32 @!p1 $0x1082;
	[sflag:s4] =	ssyncset.s32 $0xFFFFF086  }
0x25: {  	[simem:s6], [sflag:s4] =	dma.local [hbm:s3], $0xF7A  }
0x26: {  	[smem:$0x3F94] =	sst s1;
	(tag) =	ssettag s2;
	_ =	strace s9  }
0x27: {  	s1 =	sld [smem:$0x3FA4]  }
0x28: {  	s2 =	sld [smem:$0x3FA5]  }
0x29: {  	s4 =	sld [smem:$0x3FA7]  }
0x2a: {  	p0 =	seq.s32 s5, $0x0;
	s5 =	sld [smem:$0x3FA8]  }
0x2b: {  	s6 =	sld [smem:$0x3FA9]  }
0x2c: {  	s7 =	sld [smem:$0x3FAA]  }
0x2d: {  	s3 =	simm.s32 $0x108;
	s8 =	sld [smem:$0x3FAB]  }
0x2e: {  	s3 =	simm.s32 @!p0 $0x1082;
	s9 =	sld [smem:$0x3FAC]  }
0x2f: {  	lr =	sadd.s32 s0, s3;
	s0 =	sld [smem:$0x3FA3]  }
0x30: {  	s3 =	sld [smem:$0x3FA6]  }
0x31: {  	[smem:$0x3FAF] =	sst s10  }
0x32: {  	s10 =	sld [smem:$0x3FAD];
	_ =	sdelay $0x3  }
0x33: {  	p0 =	seq.s32 s10, $0x1;
	s10 =	sld [smem:$0x3FAF];
	_ =	sdelay $0x3  }
0x34: {  	[smem:$0x3FAF] =	sst s10  }
0x35: {  	s10 =	sld [smem:$0x3FAE];
	_ =	sdelay $0x3  }
0x36: {  	p1 =	seq.s32 s10, $0x1;
	s10 =	sld [smem:$0x3FAF];
	_ =	sdelay $0x3  }
0x37: {  	[smem:$0x3FAF] =	sst s10  }
0x38: {  	s10 =	sld [smem:$0x3FB0]  }
0x39: {  	_ = 	snop;
	(pc) =	sbr.ind lr, $3  }
0x3a: {  	_ = 	snop  }
0x3b: {  	_ = 	snop  }
0x3c: {  	p2 =	seq.s32 s10, $0x1;
	s10 =	sld [smem:$0x3FAF]  }
0x3d: {  	_ =	shalt  }
0x3e: {  	_ =	shalt  }
0x3f: {  	_ =	shalt  }
0x40: {  	_ =	shalt  }
0x41: {  	_ =	shalt  }
0x42: {  	_ =	shalt  }
0x43: {  	_ =	shalt  }
0x44: {  	_ =	shalt  }
0x45: {  	_ =	shalt  }
0x46: {  	_ =	shalt  }
0x47: {  	_ =	shalt  }
0x48: {  	_ =	shalt  }
0x49: {  	_ =	shalt  }
0x4a: {  	_ =	shalt  }
0x4b: {  	_ =	shalt  }
0x4c: {  	_ =	shalt  }
0x4d: {  	_ =	shalt  }
0x4e: {  	_ =	shalt  }
0x4f: {  	_ =	shalt  }
0x50: {  	_ =	shalt  }
0x51: {  	_ =	shalt  }
0x52: {  	_ =	shalt  }
0x53: {  	_ =	shalt  }
0x54: {  	_ =	shalt  }
0x55: {  	_ =	shalt  }
0x56: {  	_ =	shalt  }
0x57: {  	_ =	shalt  }
0x58: {  	_ =	shalt  }
0x59: {  	_ =	shalt  }
0x5a: {  	_ =	shalt  }
0x5b: {  	_ =	shalt  }
0x5c: {  	_ =	shalt  }
0x5d: {  	_ =	shalt  }
0x5e: {  	_ =	shalt  }
0x5f: {  	_ =	shalt  }
0x60: {  	_ =	shalt  }
0x61: {  	_ =	shalt  }
0x62: {  	_ =	shalt  }
0x63: {  	_ =	shalt  }
0x64: {  	_ =	shalt  }
0x65: {  	_ =	shalt  }
0x66: {  	_ =	shalt  }
0x67: {  	_ =	shalt  }
0x68: {  	_ =	shalt  }
0x69: {  	_ =	shalt  }
0x6a: {  	_ =	shalt  }
0x6b: {  	_ =	shalt  }
0x6c: {  	_ =	shalt  }
0x6d: {  	_ =	shalt  }
0x6e: {  	_ =	shalt  }
0x6f: {  	_ =	shalt  }
0x70: {  	_ =	shalt  }
0x71: {  	_ =	shalt  }
0x72: {  	_ =	shalt  }
0x73: {  	_ =	shalt  }
0x74: {  	_ =	shalt  }
0x75: {  	_ =	shalt  }
0x76: {  	_ =	shalt  }
0x77: {  	_ =	shalt  }
0x78: {  	_ =	shalt  }
0x79: {  	_ =	shalt  }
0x7a: {  	_ =	shalt  }
0x7b: {  	_ =	shalt  }
0x7c: {  	_ =	shalt  }
0x7d: {  	_ =	shalt  }
0x7e: {  	_ =	shalt  }
0x7f: {  	_ =	shalt  }
0x80: {  	_ =	shalt  }
0x81: {  	_ =	shalt  }
0x82: {  	_ =	shalt  }
0x83: {  	_ =	shalt  }
0x84: {  	_ =	shalt  }
0x85: {  	_ =	shalt  }
0x86: {  	_ =	shalt  }
0x87: {  	_ =	shalt  }
.Lfunc_end0:
.L_simem_size_0:
called_computation.3_lowered:
.L_overlay_start_0:
0x88: {  	s2 =	sld [smem:$0x3FD9]  }
0x89: {  	s3 =	sld [smem:$0x3FFE];
	_ =	sdelay $0x1  }
0x8a: {  	s1 =	srdreg.scid  }
0x8b: {  	s0 =	sand.u32 $0x1, s1  }
0x8c: {  	s16 =	sshll.u32 s0, $0xA;
	s2 =	sadd.s32 s3, s2  }
0x8d: {  	s2 =	sadd.s32 s2, s16  }
0x8e: {  	[smem:$0x3FBB] =	sst s2  }
0x8f: {  	_ = 	snop  }
0x90: {  	(tm) =	ssettm $0x1  }
0x91: {  	s17 =	sld [smem:$0x3FFB];
	_ =	sdelay $0x3  }
0x92: {  	_ =	strace s17  }
0x93: {  	s2 =	sld [smem:$0x3FFC];
	_ =	sdelay $0x3  }
0x94: {  	_ =	strace s2  }
0x95: {  	s2 =	sld [smem:$0x3FFD];
	_ =	sdelay $0x3  }
0x96: {  	_ =	strace s2  }
0x97: {  	_ =	strace $0x8FFFFFFF  }
0x98: {  	s18 =	sld [smem:$0x3FDB];
	_ =	sdelay $0x1  }
0x99: {  	s19 =	simm.s32 $_scs_section_size  }
0x9a: {  	s4 =	simm.s32 $_size__tile_overlayer_lowered;
	s5 =	simm.s32 $_tile_overlayer_lowered  }
0x9b: {  	s22 =	simm.s32 $0x1BFF;
	s21 =	sshll.u32 s5, $0x1;
	s2 =	sadd.s32 s19, s18  }
0x9c: {  	s6 =	simm.s32 $0x0;
	s20 =	sshll.u32 s4, $0x1;
	s4 =	sadd.s32 s21, s2  }
0x9d: {  	[timem:s6], [sflag:s22] =	dma.local [hbm:s4], s20  }
0x9e: {  	_ =	swait.ge [sflag:s22], s20  }
0x9f: {  	s3 =	ssub.s32 $0x0, s20;
	[sflag:s22] =	ssyncset.done $0x0  }
0xa0: {  	[sflag:s22] =	ssyncadd.s32 s3;
	_ =	sdelay $0x1  }
0xa1: {  	s23 =	simm.s32 $0x1B8B  }
0xa2: {  	_ =	swait.ge [sflag:s23], $0x1  }
0xa3: {  	[sflag:s23] =	ssyncset.done $0x0  }
0xa4: {  	s25 =	simm.s32 $0x1B8E;
	s24 =	sld [smem:$0x3FFE];
	[sflag:s23] =	ssyncadd.s32 $0xFFFFFFFF  }
0xa5: {  	s26 =	simm.s32 $execute0_lowered;
	[smem:$0x3FD2] =	sst s25  }
0xa6: {  	s4 =	sshll.u32 s26, $0x1;
	_ =	strace $0x8000004F;
	[dreg:$0x1] =	wrdreg $0xFFFFFFFF  }
0xa7: {  	s28 =	simm.s32 $_size_execute0_lowered;
	s2 =	sadd.s32 s2, s4;
	[dreg:$0x0] =	wrdreg $0x0  }
0xa8: {  	s4 =	sshll.u32 s28, $0x1;
	[dreg:$0x2] =	wrdreg s2  }
0xa9: {  	[dreg:$0x3] =	wrdreg s4  }
0xaa: {  	[dreg:$0x4] =	wrdreg $0xC0  }
0xab: {  	_ =	task [dreg:s6], $0x5FFFF  }
0xac: {  	[dreg:$0x1] =	wrdreg $0xFFFFFFFF  }
0xad: {  	[dreg:$0x0] =	wrdreg $0x60  }
0xae: {  	[dreg:$0x2] =	wrdreg s24  }
0xaf: {  	[dreg:$0x3] =	wrdreg $0x0  }
0xb0: {  	[dreg:$0x4] =	wrdreg $0x9  }
0xb1: {  	_ =	task.clear_ibuf [dreg:s6], $0x5FFFF;
	_ =	strace $0x9000004F  }
0xb2: {  	s29 =	simm.s32 $0x9;
	_ =	strace $0x80000051  }
0xb3: {  	_ =	swait.ge [sflag:s29], $0x1  }
0xb4: {  	[sflag:s29] =	ssyncadd.s32 $0xFFFFFFFF  }
0xb5: {  	_ =	strace $0x90000051  }
0xb6: {  	_ =	sfence  }
0xb7: {  	s30 =	sld [smem:$0x0];
	_ =	sdelay $0x2  }
0xb8: {  	s31 =	sshll.u32 s1, $0xD;
	s1 =	sshrl.u32 s1, $0x2  }
0xb9: {  	s3 =	sand.u32 $0x4000, s31;
	s1 =	sadd.s32 s1, s30  }
0xba: {  	s0 =	sor.u32 s3, s0;
	s1 =	sshll.u32 s1, $0x11  }
0xbb: {  	s0 =	sor.u32 s1, s0  }
0xbc: {  	s0 =	sadd.s32 $0x8F2B, s0  }
0xbd: {  	[sflag:s0] =	ssyncadd.remote.s32 $0x1  }
0xbe: {  	_ =	sfence.sel $0xFFFF  }
0xbf: {  	[dreg:$0x0] =	wrdreg $0xFFFFFFFF;
	(pc) =	sbr.abs _section_cstart, $3  }
0xc0: {  	[dreg:$0x1] =	wrdreg $0xFFFFFFFF  }
0xc1: {  	_ =	task.clear_ibuf [dreg:s6], $0x2FFFF;
	_ =	strace $0x9FFFFFFF  }
0xc2: {  	(tm) =	ssettm $0x7FFFFFFF  }
0xc3: {  	_ =	shalt  }
tec
execute0_lowered:
.L_overlay_start_1:
0x0: {  	(tag) =	ssettag $0x1  }
0x1: {  	s6 =	rddreg [dreg:$0x0]  }
0x2: {  	s1 =	srdreg.scid;
	s0 =	stileid.u32  }
0x3: {  	s2 =	rddreg [dreg:$0x1];
	s3 =	simm.s32 $0x0;
	s16 =	simm.s32 $0x80  }
0x4: {  	s17 =	simm.s32 $0x16800;
	s18 =	simm.s32 $0x1A800;
	s19 =	simm.s32 $0x1  }
0x5: {  	s20 =	simm.s32 $0x2;
	s21 =	simm.s32 $0x3;
	s22 =	simm.s32 $0x4  }
0x6: {  	s7 =	sand.u32 $0x1, s1;
	s1 =	rddreg [dreg:$0x2];
	s9 =	smul.u32 $0x50000, s0  }
0x7: {  	s4 =	sshll.u32 s0, $0x1;
	[smem:$0x7FF] =	sst s3;
	s13 =	smul.u32 $0x13800, s0  }
0x8: {  	s12 =	sadd.s32 $0x2A400, s6;
	s28 =	smul.u32 $0x4E000, s0;
	s14 =	sshll.u32 s0, $0x6  }
0x9: {  	p0 =	sne.s32 s0, $0xF;
	s4 =	sor.u32 s7, s4;
	_ =	strace $0x80000050  }
0xa: {  	s10 =	ssub.s32 $0x2, s7;
	s11 =	smul.u32 $0x138800, s7;
	s14 =	sor.u32 $0x1C05, s14  }
0xb: {  	s5 =	smul.u32 $0x280, s4;
	s4 =	sadd.s32 $0x3200, s6;
	s24 =	sshrl.u32 s10, $0x1  }
0xc: {  	s25 =	sshrl.u32 s9, $0x2;
	s31 =	sshrl.u32 s28, $0x2;
	s10 =	ssub.s32 s10, s24  }
0xd: {  	s26 =	sadd.s32 s13, s11;
	s15 =	sadd.s32 s25, s2;
	s30 =	sshrl.u32 s11, $0x3  }
0xe: {  	s23 =	sadd.s32 s31, s2;
	s24 =	sadd.s32 $0x138000, s2;
	s11 =	simm.s32 $0x15400  }
0xf: {  	s13 =	simm.s32 $0x14000;
	s25 =	simm.s32 $0x0;
	s8 =	sadd.s32 s5, s6  }
0x10: {  	s5 =	sadd.s32 $0x91600, s6;
	s29 =	sshrl.u32 s26, $0x3;
	s9 =	sadd.s32 s12, s30  }
0x11: {  	s10 =	smax.u32 s10, $0x1;
	s15 =	sshrl.u32 s15, $0x3;
	s23 =	sshrl.u32 s23, $0x3  }
0x12: {  	s24 =	sshrl.u32 @!p0 s24, $0x3;
	s6 =	sadd.s32 $0x8C600, s8;
	s7 =	sadd.s32 $0x87600, s8  }
0x13: {  	s8 =	sadd.s32 s12, s29;
	s9 =	sadd.s32 $0x27000, s9;
	s12 =	simm.s32 $0x5  }
.LBB2_1:
0x14: {  	[tilespmem:s11], [sflag:$0x5] =	stream.linear.gather [hbm4b:s6+s3], $0x1400, $0x38;
	[tilespmem:$0x1E800] =	vst v63  }
0x15: {  	_ =	swait.ge [sflag:s12], $0x1400  }
0x16: {  	[sflag:s12] =	ssyncset.done $0x0  }
0x17: {  	[sflag:s12] =	ssyncadd.s32 $0xFFFFEC00  }
0x18: {  	[tilespmem:s13], [sflag:$0x5] =	stream.linear.gather [hbm4b:s7+s3], $0x1400, $0x38;
	[tilespmem:$0x1E800] =	vst v63  }
0x19: {  	_ =	swait.ge [sflag:s12], $0x1400  }
0x1a: {  	[sflag:s12] =	ssyncset.done $0x0  }
0x1b: {  	[sflag:s12] =	ssyncadd.s32 $0xFFFFEC00  }
0x1c: {  	[spmem:s15], [sflag:s14] =	dma.local [hbm:s5], $0x2800  }
0x1d: {  	_ =	swait.ge [sflag:s12], $0x2800  }
0x1e: {  	[sflag:s12] =	ssyncset.done $0x0  }
0x1f: {  	[sflag:s12] =	ssyncadd.s32 $0xFFFFD800  }
0x20: {  	s26 =	simm.s32 $0x14000;
	[bflag:$0x0] =	sbarrier.arrive $0xFFFF  }
0x21: {  	[tilespmem:s17], [sflag:$0x1] =	stream.indirect.gather [hbm4b:s4+s16], $0x80, s26, s16, $0xb8;
	[tilespmem:$0x1E800] =	vst v63  }
0x22: {  	s29 =	simm.s32 $0x14080  }
0x23: {  	[tilespmem:s18], [sflag:$0x2] =	stream.indirect.gather [hbm4b:s4+s16], $0x80, s29, s16, $0xb8;
	[tilespmem:$0x1E800] =	vst v63  }
0x24: {  	_ =	swait.ge [sflag:s19], $0x4000  }
0x25: {  	[sflag:s19] =	ssyncset.done $0x0  }
0x26: {  	s30 =	simm.s32 $0x15400;
	[sflag:s19] =	ssyncadd.s32 $0xFFFFC000  }
0x27: {  	[spmem:s2] =	stream.indirect.scatter.add.f32 [tilespmem:s17], [sflag:$0x3], $0x80, s30, s16, $0xb8;
	[tilespmem:$0x1E800] =	vst v63  }
0x28: {  	_ =	swait.ge [sflag:s20], $0x4000  }
0x29: {  	[sflag:s20] =	ssyncset.done $0x0  }
0x2a: {  	s31 =	simm.s32 $0x15480;
	[sflag:s20] =	ssyncadd.s32 $0xFFFFC000  }
0x2b: {  	[spmem:s2] =	stream.indirect.scatter.add.f32 [tilespmem:s18], [sflag:$0x4], $0x80, s31, s16, $0xb8;
	[tilespmem:$0x1E800] =	vst v63  }
0x2c: {  	_ =	swait.ge [sflag:s21], $0x4000  }
0x2d: {  	[sflag:s21] =	ssyncset.done $0x0  }
0x2e: {  	[sflag:s21] =	ssyncadd.s32 $0xFFFFC000  }
0x2f: {  	_ =	swait.ge [sflag:s22], $0x4000  }
0x30: {  	s28 =	simm.s32 $0x800;
	s26 =	simm.s32 $0x100;
	[sflag:s22] =	ssyncset.done $0x0  }
.LBB2_2:
0x31: {  	s29 =	sadd.s32 $0x14000, s26  }
0x32: {  	[sflag:s22] =	ssyncadd.s32 $0xFFFFC000;
	s30 =	smov.u32 s28;
	s31 =	sadd.s32 $0x400, s28  }
0x33: {  	[tilespmem:s17], [sflag:$0x1] =	stream.indirect.gather [hbm4b:s4+s16], $0x80, s29, s16, $0xb8;
	[tilespmem:$0x1E800] =	vst v63  }
0x34: {  	p1 =	sne.s32 s28, $0x4C00;
	s28 =	sadd.s32 $0x14080, s26  }
0x35: {  	[tilespmem:s18], [sflag:$0x2] =	stream.indirect.gather [hbm4b:s4+s16], $0x80, s28, s16, $0xb8;
	[tilespmem:$0x1E800] =	vst v63  }
0x36: {  	_ =	swait.ge [sflag:s19], $0x4000  }
0x37: {  	[sflag:s19] =	ssyncset.done $0x0  }
0x38: {  	s28 =	sadd.s32 $0x15400, s26;
	[sflag:s19] =	ssyncadd.s32 $0xFFFFC000  }
0x39: {  	[spmem:s2] =	stream.indirect.scatter.add.f32 [tilespmem:s17], [sflag:$0x3], $0x80, s28, s16, $0xb8;
	[tilespmem:$0x1E800] =	vst v63  }
0x3a: {  	_ =	swait.ge [sflag:s20], $0x4000  }
0x3b: {  	[sflag:s20] =	ssyncset.done $0x0  }
0x3c: {  	s26 =	sadd.s32 $0x15480, s26;
	[sflag:s20] =	ssyncadd.s32 $0xFFFFC000  }
0x3d: {  	[spmem:s2] =	stream.indirect.scatter.add.f32 [tilespmem:s18], [sflag:$0x4], $0x80, s26, s16, $0xb8;
	[tilespmem:$0x1E800] =	vst v63  }
.Ltmp0:
0x3e: {  	_ =	swait.ge [sflag:s21], $0x4000;
	(pc) =	sbr.rel @p1 .LBB2_2-.Ltmp0, $4  }
0x3f: {  	[sflag:s21] =	ssyncset.done $0x0  }
0x40: {  	[sflag:s21] =	ssyncadd.s32 $0xFFFFC000  }
0x41: {  	_ =	swait.ge [sflag:s22], $0x4000  }
0x42: {  	s28 =	smov.u32 s31;
	s26 =	sshra.s32 s30, $0x2;
	[sflag:s22] =	ssyncset.done $0x0  }
0x43: {  	s28 =	sadd.s32 $0x14000, s26;
	[sflag:s22] =	ssyncadd.s32 $0xFFFFC000  }
0x44: {  	[tilespmem:s17], [sflag:$0x1] =	stream.indirect.gather [hbm4b:s4+s16], $0x80, s28, s16, $0xb8;
	[tilespmem:$0x1E800] =	vst v63  }
0x45: {  	s29 =	sadd.s32 $0x14080, s26  }
0x46: {  	[tilespmem:s18], [sflag:$0x2] =	stream.indirect.gather [hbm4b:s4+s16], $0x80, s29, s16, $0xb8;
	[tilespmem:$0x1E800] =	vst v63  }
0x47: {  	_ =	swait.ge [sflag:s19], $0x4000  }
0x48: {  	[sflag:s19] =	ssyncset.done $0x0  }
0x49: {  	s30 =	sadd.s32 $0x15400, s26;
	[sflag:s19] =	ssyncadd.s32 $0xFFFFC000  }
0x4a: {  	[spmem:s2] =	stream.indirect.scatter.add.f32 [tilespmem:s17], [sflag:$0x3], $0x80, s30, s16, $0xb8;
	[tilespmem:$0x1E800] =	vst v63  }
0x4b: {  	_ =	swait.ge [sflag:s20], $0x4000  }
0x4c: {  	[sflag:s20] =	ssyncset.done $0x0  }
0x4d: {  	s31 =	sadd.s32 $0x15480, s26;
	[sflag:s20] =	ssyncadd.s32 $0xFFFFC000  }
0x4e: {  	[spmem:s2] =	stream.indirect.scatter.add.f32 [tilespmem:s18], [sflag:$0x4], $0x80, s31, s16, $0xb8;
	[tilespmem:$0x1E800] =	vst v63  }
0x4f: {  	_ =	swait.ge [sflag:s21], $0x4000  }
0x50: {  	[sflag:s21] =	ssyncset.done $0x0  }
0x51: {  	[sflag:s21] =	ssyncadd.s32 $0xFFFFC000  }
0x52: {  	_ =	swait.ge [sflag:s22], $0x4000  }
0x53: {  	[sflag:s22] =	ssyncset.done $0x0  }
0x54: {  	[sflag:s22] =	ssyncadd.s32 $0xFFFFC000  }
0x55: {  	[bflag:$0x0] =	sbarrier.arrive $0xFFFF  }
0x56: {  	[hbm:s8], [sflag:s14] =	dma.local [spmem:s23], $0x2700  }
0x57: {  	s25 =	sadd.s32 $0x1, s25;
	_ =	swait.ge [sflag:s12], $0x2700  }
0x58: {  	p1 =	sne.s32 s25, s10;
	[sflag:s12] =	ssyncset.done $0x0  }
.Ltmp1:
0x59: {  	s26 =	simm.s32 @!p0 $0x5;
	[sflag:s12] =	ssyncadd.s32 $0xFFFFD900;
	(pc) =	sbr.rel @p1 .LBB2_1-.Ltmp1, $4  }
0x5a: {  	[hbm:s9], [sflag:s14] =	dma.local @!p0 [spmem:s24], $0x100  }
0x5b: {  	_ =	swait.ge @!p0 [sflag:s26], $0x100  }
0x5c: {  	[sflag:s26] =	ssyncset.done @!p0 $0x0  }
0x5d: {  	[sflag:s26] =	ssyncadd.s32 @!p0 $0xFFFFFF00  }
0x5e: {  	_ =	sfence.sel $0x180000  }
0x5f: {  	[bflag:$0x0] =	sbarrier.arrive $0xFFFF  }
0x60: {  	p0 =	sne.s32 s0, $0x0;
	_ =	strace $0x90000050  }
0x61: {  	s0 =	sadd.s32 @!p0 $0x100000, s1;
	[bflag:$0x2] =	sbarrier.arrive $0xFFFF  }
0x62: {  	[sflag:s0] =	ssyncadd.tile.s32 @!p0 $0x1;
	_ =	shalt  }
.Lfunc_end2:
_tile_overlayer_lowered:
.L_overlay_start_2:
0x63: {  	(tag) =	ssettag $0x2  }
0x64: {  	s0 =	rddreg [dreg:$0x0];
	s2 =	stileid.u32  }
0x65: {  	s1 =	rddreg [dreg:$0x1];
	p0 =	sne.s32 s2, $0x0  }
0x66: {  	s3 =	rddreg [dreg:$0x2];
	[bflag:$0x3] =	sbarrier.arrive $0xFFFF;
	s2 =	simm.s32 @!p0 $0x1C05  }
0x67: {  	[timem:s3], [sflag:s2] =	dma.local @!p0 [hbm:s0], s1  }
0x68: {  	s0 =	simm.s32 @!p0 $0x5  }
0x69: {  	_ =	swait.ge @!p0 [sflag:s0], s1  }
0x6a: {  	s1 =	ssub.s32 @!p0 $0x0, s1;
	[sflag:s0] =	ssyncset.done @!p0 $0x0  }
0x6b: {  	[sflag:s0] =	ssyncadd.s32 @!p0 s1  }
0x6c: {  	[bflag:$0x3] =	sbarrier.arrive $0xFFFF  }
0x6d: {  	_ =	shalt  }

// kernel: kernel.8.cloned.1.call-start
scs
__scs_entry_jumppad:
0x0: {  	(pc) =	sbr.rel $0x88, $3  }
0x1: {  	(tag) =	ssettag $0x0;
	lr =	simm.s32 $0x1  }
0x2: {  	[smem:$0x3F94] =	sst lr;
	_ =	strace $0xD0000000  }
0x3: {  	_ = 	snop  }
0x4: {  	_ = 	snop  }
0x5: {  	_ = 	snop  }
0x6: {  	_ = 	snop  }
0x7: {  	_ = 	snop  }
__scs_overlays_trampoline_lowered:
0x8: {  	[smem:$0x3FA3] =	sst s0  }
0x9: {  	[smem:$0x3FA4] =	sst s1  }
0xa: {  	[smem:$0x3FA5] =	sst s2  }
0xb: {  	[smem:$0x3FA6] =	sst s3  }
0xc: {  	[smem:$0x3FA7] =	sst s4  }
0xd: {  	[smem:$0x3FA8] =	sst s5  }
0xe: {  	[smem:$0x3FA9] =	sst s6  }
0xf: {  	[smem:$0x3FAA] =	sst s7  }
0x10: {  	[smem:$0x3FAB] =	sst s8  }
0x11: {  	[smem:$0x3FAC] =	sst s9;
	s0 =	simm.s32 @!p0 $0x0  }
0x12: {  	s1 =	sld [smem:$0x3F92];
	s0 =	simm.s32 @p0 $0x1  }
0x13: {  	[smem:$0x3FAD] =	sst s0;
	s0 =	simm.s32 @!p1 $0x0  }
0x14: {  	s2 =	sld [smem:$0x3F91];
	s0 =	simm.s32 @p1 $0x1  }
0x15: {  	[smem:$0x3FAE] =	sst s0;
	s0 =	simm.s32 @!p2 $0x0  }
0x16: {  	s3 =	sld [smem:$0x3FDB];
	s0 =	simm.s32 @p2 $0x1  }
0x17: {  	s4 =	simm.s32 $0x1BF5;
	[smem:$0x3FB0] =	sst s0  }
0x18: {  	s0 =	sld [smem:$0x3F93];
	_ =	swait.ge [sflag:s4], $0x0  }
0x19: {  	s7 =	sld [smem:$0x3F94]  }
0x1a: {  	s8 =	sadd.s32 $0xFFFFE003, lr  }
0x1b: {  	s9 =	sadd.s32 $0xFFFFFEF7, lr;
	s5 =	simm.s32 $0xFFFFFFFF;
	p2 =	slt.u32 s8, $0xFFFFF086  }
0x1c: {  	p1 =	slt.u32 s9, $0xF7A;
	s5 =	simm.s32 @!p2 $0x0  }
0x1d: {  	s5 =	simm.s32 @p1 $0x1;
	p0 =	seq.s32 s7, s2  }
0x1e: {  	s7 =	smul.u32 @!p0 $0xF7A, s2;
	p2 =	seq.s32 @!p0 s5, $0x0  }
0x1f: {  	s9 =	smul.u32 $0xF7A, s1;
	s8 =	simm.s32 @!p0 $0x1BF5;
	p2 =	por !p2, p0  }
0x20: {  	[sflag:s8] =	ssyncset.s32 @!p0 $0xFFFFF086;
	s6 =	sadd.s32 @!p0 s3, s7;
	s7 =	simm.s32 @!p0 $0x108  }
0x21: {  	s3 =	sadd.s32 s3, s9;
	s6 =	sadd.s32 @!p0 $0x88, s6;
	s7 =	simm.s32 @p2 $0x1082  }
0x22: {  	[simem:s7], [sflag:s8] =	dma.local @!p0 [hbm:s6], $0xF7A  }
0x23: {  	s9 =	sor.u32 $0xD0000000, s2;
	s6 =	simm.s32 $0x108;
	_ =	swait.ge @!p0 [sflag:s8], $0x0  }
0x24: {  	s3 =	sadd.s32 $0x88, s3;
	s6 =	simm.s32 @!p1 $0x1082;
	[sflag:s4] =	ssyncset.s32 $0xFFFFF086  }
0x25: {  	[simem:s6], [sflag:s4] =	dma.local [hbm:s3], $0xF7A  }
0x26: {  	[smem:$0x3F94] =	sst s1;
	(tag) =	ssettag s2;
	_ =	strace s9  }
0x27: {  	s1 =	sld [smem:$0x3FA4]  }
0x28: {  	s2 =	sld [smem:$0x3FA5]  }
0x29: {  	s4 =	sld [smem:$0x3FA7]  }
0x2a: {  	p0 =	seq.s32 s5, $0x0;
	s5 =	sld [smem:$0x3FA8]  }
0x2b: {  	s6 =	sld [smem:$0x3FA9]  }
0x2c: {  	s7 =	sld [smem:$0x3FAA]  }
0x2d: {  	s3 =	simm.s32 $0x108;
	s8 =	sld [smem:$0x3FAB]  }
0x2e: {  	s3 =	simm.s32 @!p0 $0x1082;
	s9 =	sld [smem:$0x3FAC]  }
0x2f: {  	lr =	sadd.s32 s0, s3;
	s0 =	sld [smem:$0x3FA3]  }
0x30: {  	s3 =	sld [smem:$0x3FA6]  }
0x31: {  	[smem:$0x3FAF] =	sst s10  }
0x32: {  	s10 =	sld [smem:$0x3FAD];
	_ =	sdelay $0x3  }
0x33: {  	p0 =	seq.s32 s10, $0x1;
	s10 =	sld [smem:$0x3FAF];
	_ =	sdelay $0x3  }
0x34: {  	[smem:$0x3FAF] =	sst s10  }
0x35: {  	s10 =	sld [smem:$0x3FAE];
	_ =	sdelay $0x3  }
0x36: {  	p1 =	seq.s32 s10, $0x1;
	s10 =	sld [smem:$0x3FAF];
	_ =	sdelay $0x3  }
0x37: {  	[smem:$0x3FAF] =	sst s10  }
0x38: {  	s10 =	sld [smem:$0x3FB0]  }
0x39: {  	_ = 	snop;
	(pc) =	sbr.ind lr, $3  }
0x3a: {  	_ = 	snop  }
0x3b: {  	_ = 	snop  }
0x3c: {  	p2 =	seq.s32 s10, $0x1;
	s10 =	sld [smem:$0x3FAF]  }
0x3d: {  	_ =	shalt  }
0x3e: {  	_ =	shalt  }
0x3f: {  	_ =	shalt  }
0x40: {  	_ =	shalt  }
0x41: {  	_ =	shalt  }
0x42: {  	_ =	shalt  }
0x43: {  	_ =	shalt  }
0x44: {  	_ =	shalt  }
0x45: {  	_ =	shalt  }
0x46: {  	_ =	shalt  }
0x47: {  	_ =	shalt  }
0x48: {  	_ =	shalt  }
0x49: {  	_ =	shalt  }
0x4a: {  	_ =	shalt  }
0x4b: {  	_ =	shalt  }
0x4c: {  	_ =	shalt  }
0x4d: {  	_ =	shalt  }
0x4e: {  	_ =	shalt  }
0x4f: {  	_ =	shalt  }
0x50: {  	_ =	shalt  }
0x51: {  	_ =	shalt  }
0x52: {  	_ =	shalt  }
0x53: {  	_ =	shalt  }
0x54: {  	_ =	shalt  }
0x55: {  	_ =	shalt  }
0x56: {  	_ =	shalt  }
0x57: {  	_ =	shalt  }
0x58: {  	_ =	shalt  }
0x59: {  	_ =	shalt  }
0x5a: {  	_ =	shalt  }
0x5b: {  	_ =	shalt  }
0x5c: {  	_ =	shalt  }
0x5d: {  	_ =	shalt  }
0x5e: {  	_ =	shalt  }
0x5f: {  	_ =	shalt  }
0x60: {  	_ =	shalt  }
0x61: {  	_ =	shalt  }
0x62: {  	_ =	shalt  }
0x63: {  	_ =	shalt  }
0x64: {  	_ =	shalt  }
0x65: {  	_ =	shalt  }
0x66: {  	_ =	shalt  }
0x67: {  	_ =	shalt  }
0x68: {  	_ =	shalt  }
0x69: {  	_ =	shalt  }
0x6a: {  	_ =	shalt  }
0x6b: {  	_ =	shalt  }
0x6c: {  	_ =	shalt  }
0x6d: {  	_ =	shalt  }
0x6e: {  	_ =	shalt  }
0x6f: {  	_ =	shalt  }
0x70: {  	_ =	shalt  }
0x71: {  	_ =	shalt  }
0x72: {  	_ =	shalt  }
0x73: {  	_ =	shalt  }
0x74: {  	_ =	shalt  }
0x75: {  	_ =	shalt  }
0x76: {  	_ =	shalt  }
0x77: {  	_ =	shalt  }
0x78: {  	_ =	shalt  }
0x79: {  	_ =	shalt  }
0x7a: {  	_ =	shalt  }
0x7b: {  	_ =	shalt  }
0x7c: {  	_ =	shalt  }
0x7d: {  	_ =	shalt  }
0x7e: {  	_ =	shalt  }
0x7f: {  	_ =	shalt  }
0x80: {  	_ =	shalt  }
0x81: {  	_ =	shalt  }
0x82: {  	_ =	shalt  }
0x83: {  	_ =	shalt  }
0x84: {  	_ =	shalt  }
0x85: {  	_ =	shalt  }
0x86: {  	_ =	shalt  }
0x87: {  	_ =	shalt  }
.Lfunc_end0:
.L_simem_size_0:
called_computation_lowered:
.L_overlay_start_0:
0x88: {  	s2 =	sld [smem:$0x3FD9]  }
0x89: {  	s3 =	sld [smem:$0x3FFE];
	_ =	sdelay $0x1  }
0x8a: {  	s1 =	srdreg.scid  }
0x8b: {  	s0 =	sand.u32 $0x1, s1  }
0x8c: {  	s16 =	sshll.u32 s0, $0xA;
	s2 =	sadd.s32 s3, s2  }
0x8d: {  	s2 =	sadd.s32 s2, s16  }
0x8e: {  	[smem:$0x3FBB] =	sst s2  }
0x8f: {  	_ = 	snop  }
0x90: {  	(tm) =	ssettm $0x1  }
0x91: {  	s17 =	sld [smem:$0x3FFB];
	_ =	sdelay $0x3  }
0x92: {  	_ =	strace s17  }
0x93: {  	s2 =	sld [smem:$0x3FFC];
	_ =	sdelay $0x3  }
0x94: {  	_ =	strace s2  }
0x95: {  	s2 =	sld [smem:$0x3FFD];
	_ =	sdelay $0x3  }
0x96: {  	_ =	strace s2  }
0x97: {  	_ =	strace $0x8FFFFFFF  }
0x98: {  	s18 =	sld [smem:$0x3FDB];
	_ =	sdelay $0x1  }
0x99: {  	s19 =	simm.s32 $_scs_section_size  }
0x9a: {  	s4 =	simm.s32 $_size__tile_overlayer_lowered;
	s5 =	simm.s32 $_tile_overlayer_lowered  }
0x9b: {  	s22 =	simm.s32 $0x1BFF;
	s21 =	sshll.u32 s5, $0x1;
	s2 =	sadd.s32 s19, s18  }
0x9c: {  	s6 =	simm.s32 $0x0;
	s20 =	sshll.u32 s4, $0x1;
	s4 =	sadd.s32 s21, s2  }
0x9d: {  	[timem:s6], [sflag:s22] =	dma.local [hbm:s4], s20  }
0x9e: {  	_ =	swait.ge [sflag:s22], s20  }
0x9f: {  	s3 =	ssub.s32 $0x0, s20;
	[sflag:s22] =	ssyncset.done $0x0  }
0xa0: {  	[sflag:s22] =	ssyncadd.s32 s3;
	_ =	sdelay $0x1  }
0xa1: {  	s23 =	simm.s32 $0x1B8B  }
0xa2: {  	_ =	swait.ge [sflag:s23], $0x1  }
0xa3: {  	[sflag:s23] =	ssyncset.done $0x0  }
0xa4: {  	s25 =	simm.s32 $0x1B8E;
	s24 =	sld [smem:$0x3FFE];
	[sflag:s23] =	ssyncadd.s32 $0xFFFFFFFF  }
0xa5: {  	s26 =	simm.s32 $execute0_lowered;
	[smem:$0x3FD2] =	sst s25  }
0xa6: {  	s4 =	sshll.u32 s26, $0x1;
	_ =	strace $0x80000046;
	[dreg:$0x1] =	wrdreg $0xFFFFFFFF  }
0xa7: {  	s28 =	simm.s32 $_size_execute0_lowered;
	s2 =	sadd.s32 s2, s4;
	[dreg:$0x0] =	wrdreg $0x0  }
0xa8: {  	s4 =	sshll.u32 s28, $0x1;
	[dreg:$0x2] =	wrdreg s2  }
0xa9: {  	[dreg:$0x3] =	wrdreg s4  }
0xaa: {  	[dreg:$0x4] =	wrdreg $0xC0  }
0xab: {  	_ =	task [dreg:s6], $0x5FFFF  }
0xac: {  	[dreg:$0x1] =	wrdreg $0xFFFFFFFF  }
0xad: {  	[dreg:$0x0] =	wrdreg $0x60  }
0xae: {  	[dreg:$0x2] =	wrdreg s24  }
0xaf: {  	[dreg:$0x3] =	wrdreg $0x0  }
0xb0: {  	[dreg:$0x4] =	wrdreg $0x9  }
0xb1: {  	_ =	task.clear_ibuf [dreg:s6], $0x5FFFF;
	_ =	strace $0x90000046  }
0xb2: {  	s29 =	simm.s32 $0x9;
	_ =	strace $0x80000048  }
0xb3: {  	_ =	swait.ge [sflag:s29], $0x1  }
0xb4: {  	[sflag:s29] =	ssyncadd.s32 $0xFFFFFFFF  }
0xb5: {  	_ =	strace $0x90000048  }
0xb6: {  	_ =	sfence  }
0xb7: {  	s30 =	sld [smem:$0x0];
	_ =	sdelay $0x2  }
0xb8: {  	s31 =	sshll.u32 s1, $0xD;
	s1 =	sshrl.u32 s1, $0x2  }
0xb9: {  	s3 =	sand.u32 $0x4000, s31;
	s1 =	sadd.s32 s1, s30  }
0xba: {  	s0 =	sor.u32 s3, s0;
	s1 =	sshll.u32 s1, $0x11  }
0xbb: {  	s0 =	sor.u32 s1, s0  }
0xbc: {  	s0 =	sadd.s32 $0x8F2B, s0  }
0xbd: {  	[sflag:s0] =	ssyncadd.remote.s32 $0x1  }
0xbe: {  	_ =	sfence.sel $0xFFFF  }
0xbf: {  	[dreg:$0x0] =	wrdreg $0xFFFFFFFF;
	(pc) =	sbr.abs _section_cstart, $3  }
0xc0: {  	[dreg:$0x1] =	wrdreg $0xFFFFFFFF  }
0xc1: {  	_ =	task.clear_ibuf [dreg:s6], $0x2FFFF;
	_ =	strace $0x9FFFFFFF  }
0xc2: {  	(tm) =	ssettm $0x7FFFFFFF  }
0xc3: {  	_ =	shalt  }
tec
execute0_lowered:
.L_overlay_start_1:
0x0: {  	(tag) =	ssettag $0x1  }
0x1: {  	s6 =	rddreg [dreg:$0x0]  }
0x2: {  	s1 =	srdreg.scid;
	s0 =	stileid.u32  }
0x3: {  	s2 =	rddreg [dreg:$0x1];
	s3 =	simm.s32 $0x0;
	s16 =	simm.s32 $0x80  }
0x4: {  	s17 =	simm.s32 $0x16800;
	s18 =	simm.s32 $0x1A800;
	s19 =	simm.s32 $0x1  }
0x5: {  	s20 =	simm.s32 $0x2;
	s21 =	simm.s32 $0x3;
	s22 =	simm.s32 $0x4  }
0x6: {  	s7 =	sand.u32 $0x1, s1;
	s1 =	rddreg [dreg:$0x2];
	s9 =	smul.u32 $0x50000, s0  }
0x7: {  	s4 =	sshll.u32 s0, $0x1;
	[smem:$0x7FF] =	sst s3;
	s13 =	smul.u32 $0x13800, s0  }
0x8: {  	s12 =	sadd.s32 $0x93E00, s6;
	s28 =	smul.u32 $0x4E000, s0;
	s14 =	sshll.u32 s0, $0x6  }
0x9: {  	p0 =	sne.s32 s0, $0xF;
	s4 =	sor.u32 s7, s4;
	_ =	strace $0x80000047  }
0xa: {  	s10 =	ssub.s32 $0x2, s7;
	s11 =	smul.u32 $0x138800, s7;
	s14 =	sor.u32 $0x1C05, s14  }
0xb: {  	s5 =	smul.u32 $0x280, s4;
	s4 =	sadd.s32 $0x3200, s6;
	s24 =	sshrl.u32 s10, $0x1  }
0xc: {  	s25 =	sshrl.u32 s9, $0x2;
	s31 =	sshrl.u32 s28, $0x2;
	s10 =	ssub.s32 s10, s24  }
0xd: {  	s26 =	sadd.s32 s13, s11;
	s15 =	sadd.s32 s25, s2;
	s30 =	sshrl.u32 s11, $0x3  }
0xe: {  	s23 =	sadd.s32 s31, s2;
	s24 =	sadd.s32 $0x138000, s2;
	s11 =	simm.s32 $0x15400  }
0xf: {  	s13 =	simm.s32 $0x14000;
	s25 =	simm.s32 $0x0;
	s8 =	sadd.s32 s5, s6  }
0x10: {  	s5 =	sadd.s32 $0x91600, s6;
	s29 =	sshrl.u32 s26, $0x3;
	s9 =	sadd.s32 s12, s30  }
0x11: {  	s10 =	smax.u32 s10, $0x1;
	s15 =	sshrl.u32 s15, $0x3;
	s23 =	sshrl.u32 s23, $0x3  }
0x12: {  	s24 =	sshrl.u32 @!p0 s24, $0x3;
	s6 =	sadd.s32 $0x8C600, s8;
	s7 =	sadd.s32 $0x78600, s8  }
0x13: {  	s8 =	sadd.s32 s12, s29;
	s9 =	sadd.s32 $0x27000, s9;
	s12 =	simm.s32 $0x5  }
.LBB2_1:
0x14: {  	[tilespmem:s11], [sflag:$0x5] =	stream.linear.gather [hbm4b:s6+s3], $0x1400, $0x38;
	[tilespmem:$0x1E800] =	vst v63  }
0x15: {  	_ =	swait.ge [sflag:s12], $0x1400  }
0x16: {  	[sflag:s12] =	ssyncset.done $0x0  }
0x17: {  	[sflag:s12] =	ssyncadd.s32 $0xFFFFEC00  }
0x18: {  	[tilespmem:s13], [sflag:$0x5] =	stream.linear.gather [hbm4b:s7+s3], $0x1400, $0x38;
	[tilespmem:$0x1E800] =	vst v63  }
0x19: {  	_ =	swait.ge [sflag:s12], $0x1400  }
0x1a: {  	[sflag:s12] =	ssyncset.done $0x0  }
0x1b: {  	[sflag:s12] =	ssyncadd.s32 $0xFFFFEC00  }
0x1c: {  	[spmem:s15], [sflag:s14] =	dma.local [hbm:s5], $0x2800  }
0x1d: {  	_ =	swait.ge [sflag:s12], $0x2800  }
0x1e: {  	[sflag:s12] =	ssyncset.done $0x0  }
0x1f: {  	[sflag:s12] =	ssyncadd.s32 $0xFFFFD800  }
0x20: {  	s26 =	simm.s32 $0x14000;
	[bflag:$0x0] =	sbarrier.arrive $0xFFFF  }
0x21: {  	[tilespmem:s17], [sflag:$0x1] =	stream.indirect.gather [hbm4b:s4+s16], $0x80, s26, s16, $0xb8;
	[tilespmem:$0x1E800] =	vst v63  }
0x22: {  	s29 =	simm.s32 $0x14080  }
0x23: {  	[tilespmem:s18], [sflag:$0x2] =	stream.indirect.gather [hbm4b:s4+s16], $0x80, s29, s16, $0xb8;
	[tilespmem:$0x1E800] =	vst v63  }
0x24: {  	_ =	swait.ge [sflag:s19], $0x4000  }
0x25: {  	[sflag:s19] =	ssyncset.done $0x0  }
0x26: {  	s30 =	simm.s32 $0x15400;
	[sflag:s19] =	ssyncadd.s32 $0xFFFFC000  }
0x27: {  	[spmem:s2] =	stream.indirect.scatter.add.f32 [tilespmem:s17], [sflag:$0x3], $0x80, s30, s16, $0xb8;
	[tilespmem:$0x1E800] =	vst v63  }
0x28: {  	_ =	swait.ge [sflag:s20], $0x4000  }
0x29: {  	[sflag:s20] =	ssyncset.done $0x0  }
0x2a: {  	s31 =	simm.s32 $0x15480;
	[sflag:s20] =	ssyncadd.s32 $0xFFFFC000  }
0x2b: {  	[spmem:s2] =	stream.indirect.scatter.add.f32 [tilespmem:s18], [sflag:$0x4], $0x80, s31, s16, $0xb8;
	[tilespmem:$0x1E800] =	vst v63  }
0x2c: {  	_ =	swait.ge [sflag:s21], $0x4000  }
0x2d: {  	[sflag:s21] =	ssyncset.done $0x0  }
0x2e: {  	[sflag:s21] =	ssyncadd.s32 $0xFFFFC000  }
0x2f: {  	_ =	swait.ge [sflag:s22], $0x4000  }
0x30: {  	s28 =	simm.s32 $0x800;
	s26 =	simm.s32 $0x100;
	[sflag:s22] =	ssyncset.done $0x0  }
.LBB2_2:
0x31: {  	s29 =	sadd.s32 $0x14000, s26  }
0x32: {  	[sflag:s22] =	ssyncadd.s32 $0xFFFFC000;
	s30 =	smov.u32 s28;
	s31 =	sadd.s32 $0x400, s28  }
0x33: {  	[tilespmem:s17], [sflag:$0x1] =	stream.indirect.gather [hbm4b:s4+s16], $0x80, s29, s16, $0xb8;
	[tilespmem:$0x1E800] =	vst v63  }
0x34: {  	p1 =	sne.s32 s28, $0x4C00;
	s28 =	sadd.s32 $0x14080, s26  }
0x35: {  	[tilespmem:s18], [sflag:$0x2] =	stream.indirect.gather [hbm4b:s4+s16], $0x80, s28, s16, $0xb8;
	[tilespmem:$0x1E800] =	vst v63  }
0x36: {  	_ =	swait.ge [sflag:s19], $0x4000  }
0x37: {  	[sflag:s19] =	ssyncset.done $0x0  }
0x38: {  	s28 =	sadd.s32 $0x15400, s26;
	[sflag:s19] =	ssyncadd.s32 $0xFFFFC000  }
0x39: {  	[spmem:s2] =	stream.indirect.scatter.add.f32 [tilespmem:s17], [sflag:$0x3], $0x80, s28, s16, $0xb8;
	[tilespmem:$0x1E800] =	vst v63  }
0x3a: {  	_ =	swait.ge [sflag:s20], $0x4000  }
0x3b: {  	[sflag:s20] =	ssyncset.done $0x0  }
0x3c: {  	s26 =	sadd.s32 $0x15480, s26;
	[sflag:s20] =	ssyncadd.s32 $0xFFFFC000  }
0x3d: {  	[spmem:s2] =	stream.indirect.scatter.add.f32 [tilespmem:s18], [sflag:$0x4], $0x80, s26, s16, $0xb8;
	[tilespmem:$0x1E800] =	vst v63  }
.Ltmp0:
0x3e: {  	_ =	swait.ge [sflag:s21], $0x4000;
	(pc) =	sbr.rel @p1 .LBB2_2-.Ltmp0, $4  }
0x3f: {  	[sflag:s21] =	ssyncset.done $0x0  }
0x40: {  	[sflag:s21] =	ssyncadd.s32 $0xFFFFC000  }
0x41: {  	_ =	swait.ge [sflag:s22], $0x4000  }
0x42: {  	s28 =	smov.u32 s31;
	s26 =	sshra.s32 s30, $0x2;
	[sflag:s22] =	ssyncset.done $0x0  }
0x43: {  	s28 =	sadd.s32 $0x14000, s26;
	[sflag:s22] =	ssyncadd.s32 $0xFFFFC000  }
0x44: {  	[tilespmem:s17], [sflag:$0x1] =	stream.indirect.gather [hbm4b:s4+s16], $0x80, s28, s16, $0xb8;
	[tilespmem:$0x1E800] =	vst v63  }
0x45: {  	s29 =	sadd.s32 $0x14080, s26  }
0x46: {  	[tilespmem:s18], [sflag:$0x2] =	stream.indirect.gather [hbm4b:s4+s16], $0x80, s29, s16, $0xb8;
	[tilespmem:$0x1E800] =	vst v63  }
0x47: {  	_ =	swait.ge [sflag:s19], $0x4000  }
0x48: {  	[sflag:s19] =	ssyncset.done $0x0  }
0x49: {  	s30 =	sadd.s32 $0x15400, s26;
	[sflag:s19] =	ssyncadd.s32 $0xFFFFC000  }
0x4a: {  	[spmem:s2] =	stream.indirect.scatter.add.f32 [tilespmem:s17], [sflag:$0x3], $0x80, s30, s16, $0xb8;
	[tilespmem:$0x1E800] =	vst v63  }
0x4b: {  	_ =	swait.ge [sflag:s20], $0x4000  }
0x4c: {  	[sflag:s20] =	ssyncset.done $0x0  }
0x4d: {  	s31 =	sadd.s32 $0x15480, s26;
	[sflag:s20] =	ssyncadd.s32 $0xFFFFC000  }
0x4e: {  	[spmem:s2] =	stream.indirect.scatter.add.f32 [tilespmem:s18], [sflag:$0x4], $0x80, s31, s16, $0xb8;
	[tilespmem:$0x1E800] =	vst v63  }
0x4f: {  	_ =	swait.ge [sflag:s21], $0x4000  }
0x50: {  	[sflag:s21] =	ssyncset.done $0x0  }
0x51: {  	[sflag:s21] =	ssyncadd.s32 $0xFFFFC000  }
0x52: {  	_ =	swait.ge [sflag:s22], $0x4000  }
0x53: {  	[sflag:s22] =	ssyncset.done $0x0  }
0x54: {  	[sflag:s22] =	ssyncadd.s32 $0xFFFFC000  }
0x55: {  	[bflag:$0x0] =	sbarrier.arrive $0xFFFF  }
0x56: {  	[hbm:s8], [sflag:s14] =	dma.local [spmem:s23], $0x2700  }
0x57: {  	s25 =	sadd.s32 $0x1, s25;
	_ =	swait.ge [sflag:s12], $0x2700  }
0x58: {  	p1 =	sne.s32 s25, s10;
	[sflag:s12] =	ssyncset.done $0x0  }
.Ltmp1:
0x59: {  	s26 =	simm.s32 @!p0 $0x5;
	[sflag:s12] =	ssyncadd.s32 $0xFFFFD900;
	(pc) =	sbr.rel @p1 .LBB2_1-.Ltmp1, $4  }
0x5a: {  	[hbm:s9], [sflag:s14] =	dma.local @!p0 [spmem:s24], $0x100  }
0x5b: {  	_ =	swait.ge @!p0 [sflag:s26], $0x100  }
0x5c: {  	[sflag:s26] =	ssyncset.done @!p0 $0x0  }
0x5d: {  	[sflag:s26] =	ssyncadd.s32 @!p0 $0xFFFFFF00  }
0x5e: {  	_ =	sfence.sel $0x180000  }
0x5f: {  	[bflag:$0x0] =	sbarrier.arrive $0xFFFF  }
0x60: {  	p0 =	sne.s32 s0, $0x0;
	_ =	strace $0x90000047  }
0x61: {  	s0 =	sadd.s32 @!p0 $0x100000, s1;
	[bflag:$0x2] =	sbarrier.arrive $0xFFFF  }
0x62: {  	[sflag:s0] =	ssyncadd.tile.s32 @!p0 $0x1;
	_ =	shalt  }
.Lfunc_end2:
_tile_overlayer_lowered:
.L_overlay_start_2:
0x63: {  	(tag) =	ssettag $0x2  }
0x64: {  	s0 =	rddreg [dreg:$0x0];
	s2 =	stileid.u32  }
0x65: {  	s1 =	rddreg [dreg:$0x1];
	p0 =	sne.s32 s2, $0x0  }
0x66: {  	s3 =	rddreg [dreg:$0x2];
	[bflag:$0x3] =	sbarrier.arrive $0xFFFF;
	s2 =	simm.s32 @!p0 $0x1C05  }
0x67: {  	[timem:s3], [sflag:s2] =	dma.local @!p0 [hbm:s0], s1  }
0x68: {  	s0 =	simm.s32 @!p0 $0x5  }
0x69: {  	_ =	swait.ge @!p0 [sflag:s0], s1  }
0x6a: {  	s1 =	ssub.s32 @!p0 $0x0, s1;
	[sflag:s0] =	ssyncset.done @!p0 $0x0  }
0x6b: {  	[sflag:s0] =	ssyncadd.s32 @!p0 s1  }
0x6c: {  	[bflag:$0x3] =	sbarrier.arrive $0xFFFF  }
0x6d: {  	_ =	shalt  }

</sc_bundles>
